<compile_context>
chip_gen: v7x
topology: tpu7x:2x2x1
jax: 0.10.2.dev20260603
libtpu: 0.0.44.dev20260713+nightly
codegen_flags: <defaults>
</compile_context>

<pallas_src>
import functools

import jax
import jax.numpy as jnp
from jax import lax
from jax.experimental import pallas as pl
from jax.experimental.pallas import tpu as pltpu
from jax.experimental.pallas import tpu_sc as plsc

D_MODEL = 128
MAX_POS = 255
SEQ = 512
PAD = 1024

NUM_CORES = 2
NUM_SUBCORES = 16
NUM_WORKERS = NUM_CORES * NUM_SUBCORES

SC_ROWS = 128
BLK_I = 16


def _sc_part(pe, B):
    rows_per_worker = SC_ROWS // NUM_WORKERS
    mesh = plsc.VectorSubcoreMesh(core_axis_name="c", subcore_axis_name="s")

    @functools.partial(
        pl.kernel,
        out_type=jax.ShapeDtypeStruct((B, SEQ, SEQ, D_MODEL), jnp.float32),
        mesh=mesh,
        scratch_types=[
            pltpu.VMEM_SHARED((PAD, D_MODEL), jnp.float32),
            pltpu.VMEM((D_MODEL,), jnp.float32),
            pltpu.VMEM((NUM_SUBCORES, D_MODEL), jnp.float32),
            pltpu.SemaphoreType.DMA,
            pltpu.SemaphoreType.DMA,
        ],
    )
    def sc_kernel(pe_hbm, out_hbm, p_sh, row_v, rep_v, sem_set, sem_out):
        c = lax.axis_index("c")
        s = lax.axis_index("s")

        setup = [
            pltpu.async_copy(
                pe_hbm.at[pl.ds(s * 32, 32)],
                p_sh.at[pl.ds(256 + s * 32, 32)],
                sem_set,
            )
        ]

        def replicate(src_row):
            pltpu.sync_copy(pe_hbm.at[src_row], row_v)
            for c16 in range(D_MODEL // 16):
                v = row_v[pl.ds(c16 * 16, 16)]
                for r in range(NUM_SUBCORES):
                    rep_v[r, pl.ds(c16 * 16, 16)] = v

        replicate(0)
        setup.append(
            pltpu.async_copy(rep_v, p_sh.at[pl.ds(s * 16, 16)], sem_set)
        )
        for h in setup:
            h.wait()
        replicate(2 * MAX_POS)
        setup = [
            pltpu.async_copy(rep_v, p_sh.at[pl.ds(768 + s * 16, 16)], sem_set)
        ]
        @pl.when(s == NUM_SUBCORES - 1)
        def _fix_last():
            pltpu.sync_copy(pe_hbm.at[2 * MAX_POS], p_sh.at[PAD - 257])

        for h in setup:
            h.wait()
        plsc.subcore_barrier()

        wid = s * NUM_CORES + c
        i_base = wid * rows_per_worker
        handles = []
        for k in range(rows_per_worker):
            for b in range(B):
                i = i_base + k
                handles.append(
                    pltpu.async_copy(
                        p_sh.at[pl.ds((SEQ - 1) - i, SEQ)],
                        out_hbm.at[b, i],
                        sem_out,
                    )
                )
        for h in handles:
            h.wait()

    return sc_kernel(pe)


def _tc_part(pe, partial_out):
    B = partial_out.shape[0]
    blocks_done = SC_ROWS // BLK_I

    def tc_body(pe_ref, prev_ref, out_ref, p_scr):
        b = pl.program_id(0)
        ib = pl.program_id(1)

        @pl.when((b == 0) & (ib == 0))
        def _build():
            p_scr[pl.ds(256, 512), :] = pe_ref[...]
            p_scr[pl.ds(0, 256), :] = jnp.broadcast_to(
                pe_ref[0:1, :], (256, D_MODEL)
            )
            p_scr[pl.ds(767, 257), :] = jnp.broadcast_to(
                pe_ref[510:511, :], (257, D_MODEL)
            )

        for r in range(BLK_I):
            i = SC_ROWS + ib * BLK_I + r
            out_ref[0, r] = p_scr[pl.ds((SEQ - 1) - i, SEQ), :]

    return pl.pallas_call(
        tc_body,
        grid=(B, (SEQ - SC_ROWS) // BLK_I),
        in_specs=[
            pl.BlockSpec((SEQ, D_MODEL), lambda b, ib: (0, 0)),
            pl.BlockSpec(memory_space=pl.ANY),
        ],
        out_specs=pl.BlockSpec(
            (1, BLK_I, SEQ, D_MODEL), lambda b, ib: (b, ib + blocks_done, 0, 0)
        ),
        out_shape=jax.ShapeDtypeStruct((B, SEQ, SEQ, D_MODEL), jnp.float32),
        scratch_shapes=[pltpu.VMEM((PAD, D_MODEL), jnp.float32)],
        input_output_aliases={1: 0},
    )(pe, partial_out)


def kernel(x, pe):
    B, S = x.shape
    assert S == SEQ and pe.shape == (SEQ, D_MODEL)
    partial = _sc_part(pe, B)
    return _tc_part(pe, partial)

# --- scband reference (transcript-rebuilt; emitter-appended) ---
"""Pipeline reference for scband-relative-sinusoidal-positional-encoder-40149354283318 (READ-ONLY COPY).

The authoritative reference and input builder live on the scoring server;
editing this copy changes nothing except your own understanding.
"""

import jax, jax.numpy as jnp
import numpy as np
import math

D_MODEL = 128
MAX_POS = 255
MAX_LEN = 512
BATCH = 2
SEQ_LEN = 512


def _make_pe():
    position = np.arange(MAX_LEN, dtype=np.float32)[:, None]
    div_term = np.exp(-np.arange(0, D_MODEL, 2, dtype=np.float32) * (math.log(10000.0) / D_MODEL))
    pe = np.zeros((MAX_LEN, D_MODEL), dtype=np.float32)
    pe[:, 0::2] = np.sin(position * div_term)
    pe[:, 1::2] = np.cos(position * div_term)
    return jnp.asarray(pe)


def setup_inputs(seed: int = 0):
    key = jax.random.key(seed)
    x = jax.random.randint(key, (BATCH, SEQ_LEN), 0, 30000, dtype=jnp.int32)
    pe = _make_pe()
    return {"x": x, "pe": pe}


def reference(x, pe):
    # x: [B, S] token ids (values unused; only shape matters, matching torch forward)
    B, S = x.shape
    rows = jnp.arange(S)[:, None]
    cols = jnp.arange(S)[None, :]
    # Unified form of the torch branches:
    #   j <  i: max(0, max_pos - (i - j))
    #   j >  i: min(2*max_pos, max_pos + (j - i))
    #   j == i: max_pos
    # == clip(max_pos + (j - i), 0, 2*max_pos)
    idx = jnp.clip(MAX_POS + (cols - rows), 0, 2 * MAX_POS)  # [S, S]
    rel = jnp.take(pe, idx, axis=0)  # [S, S, d_model] gather (embedding lookup)
    out = jnp.broadcast_to(rel[None, :, :, :], (B, S, S, pe.shape[1]))
    return out

if __name__ == "__main__":
    import jax
    _d = setup_inputs()
    print(jax.jit(kernel)(*tuple(_d.values())))

</pallas_src>

<mosaic_0001>
#map = affine_map<(d0, d1) -> (0, 0)>
#map1 = affine_map<(d0, d1) -> (0, 0, 0, 0)>
module attributes {stable_mosaic.version = 14 : i64} {
  func.func @sc_kernel(%arg0: i32, %arg1: i32, %arg2: memref<512x128xf32, #tpu.memory_space<hbm>>, %arg3: memref<2x512x512x128xf32, #tpu.memory_space<hbm>>, %arg4: memref<1024x128xf32, #tpu.memory_space<vmem_shared>>, %arg5: memref<128xf32, #tpu.memory_space<vmem>>, %arg6: memref<16x128xf32, #tpu.memory_space<vmem>>, %arg7: memref<!tpu.dma_semaphore, #tpu.memory_space<semaphore_mem>>, %arg8: memref<!tpu.dma_semaphore, #tpu.memory_space<semaphore_mem>>) attributes {dimension_semantics = [#tpu.dimension_semantics<core_parallel>, #tpu.dimension_semantics<subcore_parallel>], iteration_bounds = array<i64: 2, 16>, scalar_prefetch = 0 : i64, scratch_operands = 5 : i64, tpu.core_type = #tpu.core_type<sc_vector_subcore>, window_params = [{transform_indices = #map}, {transform_indices = #map1}]} {
    %mul3A = arith.constant 32 : i32
    %mul3A_0 = arith.muli %arg1, %mul3A : i32
    %mul3A_1 = arith.constant 32 : i32
    %mul3A_2 = arith.muli %arg1, %mul3A_1 : i32
    %add3A = arith.constant 256 : i32
    %add3A_3 = arith.addi %add3A, %mul3A_2 : i32
    %dma_start3A = arith.constant 0 : i32
    %dma_start3A_4 = tpu.memref_slice %arg4[%add3A_3, %dma_start3A] : memref<1024x128xf32, #tpu.memory_space<vmem_shared>> -> memref<32x128xf32, #tpu.memory_space<vmem_shared>>
    %dma_start3A_5 = arith.constant 0 : i32
    %dma_start3A_6 = tpu.memref_slice %arg2[%mul3A_0, %dma_start3A_5] : memref<512x128xf32, #tpu.memory_space<hbm>> -> memref<32x128xf32, #tpu.memory_space<hbm>>
    tpu.enqueue_dma source(%dma_start3A_6 : memref<32x128xf32, #tpu.memory_space<hbm>>) target(%dma_start3A_4 : memref<32x128xf32, #tpu.memory_space<vmem_shared>>) target_semaphore(%arg7 : memref<!tpu.dma_semaphore, #tpu.memory_space<semaphore_mem>>)
    %run_scoped3A = arith.constant 0 : i32
    "tpu.region"() ({
      %run_scoped3A_1765 = tpu.sem_alloc : memref<!tpu.dma_semaphore, #tpu.memory_space<semaphore_mem>>
      %dma_start3A_1766 = arith.constant 0 : i32
      %dma_start3A_1767 = tpu.memref_slice %arg2[%run_scoped3A, %dma_start3A_1766] : memref<512x128xf32, #tpu.memory_space<hbm>> -> memref<1x128xf32, #tpu.memory_space<hbm>>
      %dma_start3A_1768 = tpu.memref_squeeze %dma_start3A_1767 : memref<1x128xf32, #tpu.memory_space<hbm>> -> memref<128xf32, #tpu.memory_space<hbm>>
      %dma_start3A_1769 = arith.constant 0 : i32
      %dma_start3A_1770 = tpu.memref_slice %arg2[%run_scoped3A, %dma_start3A_1769] : memref<512x128xf32, #tpu.memory_space<hbm>> -> memref<1x128xf32, #tpu.memory_space<hbm>>
      %dma_start3A_1771 = tpu.memref_squeeze %dma_start3A_1770 : memref<1x128xf32, #tpu.memory_space<hbm>> -> memref<128xf32, #tpu.memory_space<hbm>>
      tpu.enqueue_dma source(%dma_start3A_1771 : memref<128xf32, #tpu.memory_space<hbm>>) target(%arg5 : memref<128xf32, #tpu.memory_space<vmem>>) target_semaphore(%run_scoped3A_1765 : memref<!tpu.dma_semaphore, #tpu.memory_space<semaphore_mem>>)
      %dma_wait3A_1772 = arith.constant 0 : i32
      %dma_wait3A_1773 = tpu.memref_slice %arg2[%run_scoped3A, %dma_wait3A_1772] : memref<512x128xf32, #tpu.memory_space<hbm>> -> memref<1x128xf32, #tpu.memory_space<hbm>>
      %dma_wait3A_1774 = tpu.memref_squeeze %dma_wait3A_1773 : memref<1x128xf32, #tpu.memory_space<hbm>> -> memref<128xf32, #tpu.memory_space<hbm>>
      %dma_wait3A_1775 = arith.constant 0 : i32
      %dma_wait3A_1776 = tpu.memref_slice %arg2[%run_scoped3A, %dma_wait3A_1775] : memref<512x128xf32, #tpu.memory_space<hbm>> -> memref<1x128xf32, #tpu.memory_space<hbm>>
      %dma_wait3A_1777 = tpu.memref_squeeze %dma_wait3A_1776 : memref<1x128xf32, #tpu.memory_space<hbm>> -> memref<128xf32, #tpu.memory_space<hbm>>
      tpu.wait_dma2 semaphore(%run_scoped3A_1765 : memref<!tpu.dma_semaphore, #tpu.memory_space<semaphore_mem>>) src(%dma_wait3A_1777 : memref<128xf32, #tpu.memory_space<hbm>>) dst(%arg5 : memref<128xf32, #tpu.memory_space<vmem>>)
      tpu.yield
    }) : () -> ()
    %get3A = arith.constant 0 : index
    %get3A_7 = tpu.vector_load %arg5[%get3A] {strides = array<i32>} : memref<128xf32, #tpu.memory_space<vmem>>, vector<16xf32>,
    %get3A_8 = vector.shape_cast %get3A_7 : vector<16xf32> to vector<16xf32>
    %swap3A = arith.constant 0 : i32
    %swap3A_9 = arith.index_cast %swap3A : i32 to index
    %swap3A_10 = arith.constant 0 : index
    %swap3A_11 = tpu.vector_load %arg6[%swap3A_9, %swap3A_10] {strides = array<i32>} : memref<16x128xf32, #tpu.memory_space<vmem>>, vector<1x16xf32>,
    %swap3A_12 = vector.shape_cast %swap3A_11 : vector<1x16xf32> to vector<16xf32>
    %swap3A_13 = vector.shape_cast %get3A_8 : vector<16xf32> to vector<1x16xf32>
    tpu.vector_store %arg6[%swap3A_9, %swap3A_10], %swap3A_13 {strides = array<i32>} : memref<16x128xf32, #tpu.memory_space<vmem>>, vector<1x16xf32>,
    %swap3A_14 = arith.constant 1 : i32
    %swap3A_15 = arith.index_cast %swap3A_14 : i32 to index
    %swap3A_16 = arith.constant 0 : index
    %swap3A_17 = tpu.vector_load %arg6[%swap3A_15, %swap3A_16] {strides = array<i32>} : memref<16x128xf32, #tpu.memory_space<vmem>>, vector<1x16xf32>,
    %swap3A_18 = vector.shape_cast %swap3A_17 : vector<1x16xf32> to vector<16xf32>
    %swap3A_19 = vector.shape_cast %get3A_8 : vector<16xf32> to vector<1x16xf32>
    tpu.vector_store %arg6[%swap3A_15, %swap3A_16], %swap3A_19 {strides = array<i32>} : memref<16x128xf32, #tpu.memory_space<vmem>>, vector<1x16xf32>,
    %swap3A_20 = arith.constant 2 : i32
    %swap3A_21 = arith.index_cast %swap3A_20 : i32 to index
    %swap3A_22 = arith.constant 0 : index
    %swap3A_23 = tpu.vector_load %arg6[%swap3A_21, %swap3A_22] {strides = array<i32>} : memref<16x128xf32, #tpu.memory_space<vmem>>, vector<1x16xf32>,
    %swap3A_24 = vector.shape_cast %swap3A_23 : vector<1x16xf32> to vector<16xf32>
    %swap3A_25 = vector.shape_cast %get3A_8 : vector<16xf32> to vector<1x16xf32>
    tpu.vector_store %arg6[%swap3A_21, %swap3A_22], %swap3A_25 {strides = array<i32>} : memref<16x128xf32, #tpu.memory_space<vmem>>, vector<1x16xf32>,
    %swap3A_26 = arith.constant 3 : i32
    %swap3A_27 = arith.index_cast %swap3A_26 : i32 to index
    %swap3A_28 = arith.constant 0 : index
    %swap3A_29 = tpu.vector_load %arg6[%swap3A_27, %swap3A_28] {strides = array<i32>} : memref<16x128xf32, #tpu.memory_space<vmem>>, vector<1x16xf32>,
    %swap3A_30 = vector.shape_cast %swap3A_29 : vector<1x16xf32> to vector<16xf32>
    %swap3A_31 = vector.shape_cast %get3A_8 : vector<16xf32> to vector<1x16xf32>
    tpu.vector_store %arg6[%swap3A_27, %swap3A_28], %swap3A_31 {strides = array<i32>} : memref<16x128xf32, #tpu.memory_space<vmem>>, vector<1x16xf32>,
    %swap3A_32 = arith.constant 4 : i32
    %swap3A_33 = arith.index_cast %swap3A_32 : i32 to index
    %swap3A_34 = arith.constant 0 : index
    %swap3A_35 = tpu.vector_load %arg6[%swap3A_33, %swap3A_34] {strides = array<i32>} : memref<16x128xf32, #tpu.memory_space<vmem>>, vector<1x16xf32>,
    %swap3A_36 = vector.shape_cast %swap3A_35 : vector<1x16xf32> to vector<16xf32>
    %swap3A_37 = vector.shape_cast %get3A_8 : vector<16xf32> to vector<1x16xf32>
    tpu.vector_store %arg6[%swap3A_33, %swap3A_34], %swap3A_37 {strides = array<i32>} : memref<16x128xf32, #tpu.memory_space<vmem>>, vector<1x16xf32>,
    %swap3A_38 = arith.constant 5 : i32
    %swap3A_39 = arith.index_cast %swap3A_38 : i32 to index
    %swap3A_40 = arith.constant 0 : index
    %swap3A_41 = tpu.vector_load %arg6[%swap3A_39, %swap3A_40] {strides = array<i32>} : memref<16x128xf32, #tpu.memory_space<vmem>>, vector<1x16xf32>,
    %swap3A_42 = vector.shape_cast %swap3A_41 : vector<1x16xf32> to vector<16xf32>
    %swap3A_43 = vector.shape_cast %get3A_8 : vector<16xf32> to vector<1x16xf32>
    tpu.vector_store %arg6[%swap3A_39, %swap3A_40], %swap3A_43 {strides = array<i32>} : memref<16x128xf32, #tpu.memory_space<vmem>>, vector<1x16xf32>,
    %swap3A_44 = arith.constant 6 : i32
    %swap3A_45 = arith.index_cast %swap3A_44 : i32 to index
    %swap3A_46 = arith.constant 0 : index
    %swap3A_47 = tpu.vector_load %arg6[%swap3A_45, %swap3A_46] {strides = array<i32>} : memref<16x128xf32, #tpu.memory_space<vmem>>, vector<1x16xf32>,
    %swap3A_48 = vector.shape_cast %swap3A_47 : vector<1x16xf32> to vector<16xf32>
    %swap3A_49 = vector.shape_cast %get3A_8 : vector<16xf32> to vector<1x16xf32>
    tpu.vector_store %arg6[%swap3A_45, %swap3A_46], %swap3A_49 {strides = array<i32>} : memref<16x128xf32, #tpu.memory_space<vmem>>, vector<1x16xf32>,
    %swap3A_50 = arith.constant 7 : i32
    %swap3A_51 = arith.index_cast %swap3A_50 : i32 to index
    %swap3A_52 = arith.constant 0 : index
    %swap3A_53 = tpu.vector_load %arg6[%swap3A_51, %swap3A_52] {strides = array<i32>} : memref<16x128xf32, #tpu.memory_space<vmem>>, vector<1x16xf32>,
    %swap3A_54 = vector.shape_cast %swap3A_53 : vector<1x16xf32> to vector<16xf32>
    %swap3A_55 = vector.shape_cast %get3A_8 : vector<16xf32> to vector<1x16xf32>
    tpu.vector_store %arg6[%swap3A_51, %swap3A_52], %swap3A_55 {strides = array<i32>} : memref<16x128xf32, #tpu.memory_space<vmem>>, vector<1x16xf32>,
    %swap3A_56 = arith.constant 8 : i32
    %swap3A_57 = arith.index_cast %swap3A_56 : i32 to index
    %swap3A_58 = arith.constant 0 : index
    %swap3A_59 = tpu.vector_load %arg6[%swap3A_57, %swap3A_58] {strides = array<i32>} : memref<16x128xf32, #tpu.memory_space<vmem>>, vector<1x16xf32>,
    %swap3A_60 = vector.shape_cast %swap3A_59 : vector<1x16xf32> to vector<16xf32>
    %swap3A_61 = vector.shape_cast %get3A_8 : vector<16xf32> to vector<1x16xf32>
    tpu.vector_store %arg6[%swap3A_57, %swap3A_58], %swap3A_61 {strides = array<i32>} : memref<16x128xf32, #tpu.memory_space<vmem>>, vector<1x16xf32>,
    %swap3A_62 = arith.constant 9 : i32
    %swap3A_63 = arith.index_cast %swap3A_62 : i32 to index
    %swap3A_64 = arith.constant 0 : index
    %swap3A_65 = tpu.vector_load %arg6[%swap3A_63, %swap3A_64] {strides = array<i32>} : memref<16x128xf32, #tpu.memory_space<vmem>>, vector<1x16xf32>,
    %swap3A_66 = vector.shape_cast %swap3A_65 : vector<1x16xf32> to vector<16xf32>
    %swap3A_67 = vector.shape_cast %get3A_8 : vector<16xf32> to vector<1x16xf32>
    tpu.vector_store %arg6[%swap3A_63, %swap3A_64], %swap3A_67 {strides = array<i32>} : memref<16x128xf32, #tpu.memory_space<vmem>>, vector<1x16xf32>,
    %swap3A_68 = arith.constant 10 : i32
    %swap3A_69 = arith.index_cast %swap3A_68 : i32 to index
    %swap3A_70 = arith.constant 0 : index
    %swap3A_71 = tpu.vector_load %arg6[%swap3A_69, %swap3A_70] {strides = array<i32>} : memref<16x128xf32, #tpu.memory_space<vmem>>, vector<1x16xf32>,
    %swap3A_72 = vector.shape_cast %swap3A_71 : vector<1x16xf32> to vector<16xf32>
    %swap3A_73 = vector.shape_cast %get3A_8 : vector<16xf32> to vector<1x16xf32>
    tpu.vector_store %arg6[%swap3A_69, %swap3A_70], %swap3A_73 {strides = array<i32>} : memref<16x128xf32, #tpu.memory_space<vmem>>, vector<1x16xf32>,
    %swap3A_74 = arith.constant 11 : i32
    %swap3A_75 = arith.index_cast %swap3A_74 : i32 to index
    %swap3A_76 = arith.constant 0 : index
    %swap3A_77 = tpu.vector_load %arg6[%swap3A_75, %swap3A_76] {strides = array<i32>} : memref<16x128xf32, #tpu.memory_space<vmem>>, vector<1x16xf32>,
    %swap3A_78 = vector.shape_cast %swap3A_77 : vector<1x16xf32> to vector<16xf32>
    %swap3A_79 = vector.shape_cast %get3A_8 : vector<16xf32> to vector<1x16xf32>
    tpu.vector_store %arg6[%swap3A_75, %swap3A_76], %swap3A_79 {strides = array<i32>} : memref<16x128xf32, #tpu.memory_space<vmem>>, vector<1x16xf32>,
    %swap3A_80 = arith.constant 12 : i32
    %swap3A_81 = arith.index_cast %swap3A_80 : i32 to index
    %swap3A_82 = arith.constant 0 : index
    %swap3A_83 = tpu.vector_load %arg6[%swap3A_81, %swap3A_82] {strides = array<i32>} : memref<16x128xf32, #tpu.memory_space<vmem>>, vector<1x16xf32>,
    %swap3A_84 = vector.shape_cast %swap3A_83 : vector<1x16xf32> to vector<16xf32>
    %swap3A_85 = vector.shape_cast %get3A_8 : vector<16xf32> to vector<1x16xf32>
    tpu.vector_store %arg6[%swap3A_81, %swap3A_82], %swap3A_85 {strides = array<i32>} : memref<16x128xf32, #tpu.memory_space<vmem>>, vector<1x16xf32>,
    %swap3A_86 = arith.constant 13 : i32
    %swap3A_87 = arith.index_cast %swap3A_86 : i32 to index
    %swap3A_88 = arith.constant 0 : index
    %swap3A_89 = tpu.vector_load %arg6[%swap3A_87, %swap3A_88] {strides = array<i32>} : memref<16x128xf32, #tpu.memory_space<vmem>>, vector<1x16xf32>,
    %swap3A_90 = vector.shape_cast %swap3A_89 : vector<1x16xf32> to vector<16xf32>
    %swap3A_91 = vector.shape_cast %get3A_8 : vector<16xf32> to vector<1x16xf32>
    tpu.vector_store %arg6[%swap3A_87, %swap3A_88], %swap3A_91 {strides = array<i32>} : memref<16x128xf32, #tpu.memory_space<vmem>>, vector<1x16xf32>,
    %swap3A_92 = arith.constant 14 : i32
    %swap3A_93 = arith.index_cast %swap3A_92 : i32 to index
    %swap3A_94 = arith.constant 0 : index
    %swap3A_95 = tpu.vector_load %arg6[%swap3A_93, %swap3A_94] {strides = array<i32>} : memref<16x128xf32, #tpu.memory_space<vmem>>, vector<1x16xf32>,
    %swap3A_96 = vector.shape_cast %swap3A_95 : vector<1x16xf32> to vector<16xf32>
    %swap3A_97 = vector.shape_cast %get3A_8 : vector<16xf32> to vector<1x16xf32>
    tpu.vector_store %arg6[%swap3A_93, %swap3A_94], %swap3A_97 {strides = array<i32>} : memref<16x128xf32, #tpu.memory_space<vmem>>, vector<1x16xf32>,
    %swap3A_98 = arith.constant 15 : i32
    %swap3A_99 = arith.index_cast %swap3A_98 : i32 to index
    %swap3A_100 = arith.constant 0 : index
    %swap3A_101 = tpu.vector_load %arg6[%swap3A_99, %swap3A_100] {strides = array<i32>} : memref<16x128xf32, #tpu.memory_space<vmem>>, vector<1x16xf32>,
    %swap3A_102 = vector.shape_cast %swap3A_101 : vector<1x16xf32> to vector<16xf32>
    %swap3A_103 = vector.shape_cast %get3A_8 : vector<16xf32> to vector<1x16xf32>
    tpu.vector_store %arg6[%swap3A_99, %swap3A_100], %swap3A_103 {strides = array<i32>} : memref<16x128xf32, #tpu.memory_space<vmem>>, vector<1x16xf32>,
    %get3A_104 = arith.constant 16 : index
    %get3A_105 = tpu.vector_load %arg5[%get3A_104] {strides = array<i32>} : memref<128xf32, #tpu.memory_space<vmem>>, vector<16xf32>,
    %get3A_106 = vector.shape_cast %get3A_105 : vector<16xf32> to vector<16xf32>
    %swap3A_107 = arith.constant 0 : i32
    %swap3A_108 = arith.index_cast %swap3A_107 : i32 to index
    %swap3A_109 = arith.constant 16 : index
    %swap3A_110 = tpu.vector_load %arg6[%swap3A_108, %swap3A_109] {strides = array<i32>} : memref<16x128xf32, #tpu.memory_space<vmem>>, vector<1x16xf32>,
    %swap3A_111 = vector.shape_cast %swap3A_110 : vector<1x16xf32> to vector<16xf32>
    %swap3A_112 = vector.shape_cast %get3A_106 : vector<16xf32> to vector<1x16xf32>
    tpu.vector_store %arg6[%swap3A_108, %swap3A_109], %swap3A_112 {strides = array<i32>} : memref<16x128xf32, #tpu.memory_space<vmem>>, vector<1x16xf32>,
    %swap3A_113 = arith.constant 1 : i32
    %swap3A_114 = arith.index_cast %swap3A_113 : i32 to index
    %swap3A_115 = arith.constant 16 : index
    %swap3A_116 = tpu.vector_load %arg6[%swap3A_114, %swap3A_115] {strides = array<i32>} : memref<16x128xf32, #tpu.memory_space<vmem>>, vector<1x16xf32>,
    %swap3A_117 = vector.shape_cast %swap3A_116 : vector<1x16xf32> to vector<16xf32>
    %swap3A_118 = vector.shape_cast %get3A_106 : vector<16xf32> to vector<1x16xf32>
    tpu.vector_store %arg6[%swap3A_114, %swap3A_115], %swap3A_118 {strides = array<i32>} : memref<16x128xf32, #tpu.memory_space<vmem>>, vector<1x16xf32>,
    %swap3A_119 = arith.constant 2 : i32
    %swap3A_120 = arith.index_cast %swap3A_119 : i32 to index
    %swap3A_121 = arith.constant 16 : index
    %swap3A_122 = tpu.vector_load %arg6[%swap3A_120, %swap3A_121] {strides = array<i32>} : memref<16x128xf32, #tpu.memory_space<vmem>>, vector<1x16xf32>,
    %swap3A_123 = vector.shape_cast %swap3A_122 : vector<1x16xf32> to vector<16xf32>
    %swap3A_124 = vector.shape_cast %get3A_106 : vector<16xf32> to vector<1x16xf32>
    tpu.vector_store %arg6[%swap3A_120, %swap3A_121], %swap3A_124 {strides = array<i32>} : memref<16x128xf32, #tpu.memory_space<vmem>>, vector<1x16xf32>,
    %swap3A_125 = arith.constant 3 : i32
    %swap3A_126 = arith.index_cast %swap3A_125 : i32 to index
    %swap3A_127 = arith.constant 16 : index
    %swap3A_128 = tpu.vector_load %arg6[%swap3A_126, %swap3A_127] {strides = array<i32>} : memref<16x128xf32, #tpu.memory_space<vmem>>, vector<1x16xf32>,
    %swap3A_129 = vector.shape_cast %swap3A_128 : vector<1x16xf32> to vector<16xf32>
    %swap3A_130 = vector.shape_cast %get3A_106 : vector<16xf32> to vector<1x16xf32>
    tpu.vector_store %arg6[%swap3A_126, %swap3A_127], %swap3A_130 {strides = array<i32>} : memref<16x128xf32, #tpu.memory_space<vmem>>, vector<1x16xf32>,
    %swap3A_131 = arith.constant 4 : i32
    %swap3A_132 = arith.index_cast %swap3A_131 : i32 to index
    %swap3A_133 = arith.constant 16 : index
    %swap3A_134 = tpu.vector_load %arg6[%swap3A_132, %swap3A_133] {strides = array<i32>} : memref<16x128xf32, #tpu.memory_space<vmem>>, vector<1x16xf32>,
    %swap3A_135 = vector.shape_cast %swap3A_134 : vector<1x16xf32> to vector<16xf32>
    %swap3A_136 = vector.shape_cast %get3A_106 : vector<16xf32> to vector<1x16xf32>
    tpu.vector_store %arg6[%swap3A_132, %swap3A_133], %swap3A_136 {strides = array<i32>} : memref<16x128xf32, #tpu.memory_space<vmem>>, vector<1x16xf32>,
    %swap3A_137 = arith.constant 5 : i32
    %swap3A_138 = arith.index_cast %swap3A_137 : i32 to index
    %swap3A_139 = arith.constant 16 : index
    %swap3A_140 = tpu.vector_load %arg6[%swap3A_138, %swap3A_139] {strides = array<i32>} : memref<16x128xf32, #tpu.memory_space<vmem>>, vector<1x16xf32>,
    %swap3A_141 = vector.shape_cast %swap3A_140 : vector<1x16xf32> to vector<16xf32>
    %swap3A_142 = vector.shape_cast %get3A_106 : vector<16xf32> to vector<1x16xf32>
    tpu.vector_store %arg6[%swap3A_138, %swap3A_139], %swap3A_142 {strides = array<i32>} : memref<16x128xf32, #tpu.memory_space<vmem>>, vector<1x16xf32>,
    %swap3A_143 = arith.constant 6 : i32
    %swap3A_144 = arith.index_cast %swap3A_143 : i32 to index
    %swap3A_145 = arith.constant 16 : index
    %swap3A_146 = tpu.vector_load %arg6[%swap3A_144, %swap3A_145] {strides = array<i32>} : memref<16x128xf32, #tpu.memory_space<vmem>>, vector<1x16xf32>,
    %swap3A_147 = vector.shape_cast %swap3A_146 : vector<1x16xf32> to vector<16xf32>
    %swap3A_148 = vector.shape_cast %get3A_106 : vector<16xf32> to vector<1x16xf32>
    tpu.vector_store %arg6[%swap3A_144, %swap3A_145], %swap3A_148 {strides = array<i32>} : memref<16x128xf32, #tpu.memory_space<vmem>>, vector<1x16xf32>,
    %swap3A_149 = arith.constant 7 : i32
    %swap3A_150 = arith.index_cast %swap3A_149 : i32 to index
    %swap3A_151 = arith.constant 16 : index
    %swap3A_152 = tpu.vector_load %arg6[%swap3A_150, %swap3A_151] {strides = array<i32>} : memref<16x128xf32, #tpu.memory_space<vmem>>, vector<1x16xf32>,
    %swap3A_153 = vector.shape_cast %swap3A_152 : vector<1x16xf32> to vector<16xf32>
    %swap3A_154 = vector.shape_cast %get3A_106 : vector<16xf32> to vector<1x16xf32>
    tpu.vector_store %arg6[%swap3A_150, %swap3A_151], %swap3A_154 {strides = array<i32>} : memref<16x128xf32, #tpu.memory_space<vmem>>, vector<1x16xf32>,
    %swap3A_155 = arith.constant 8 : i32
    %swap3A_156 = arith.index_cast %swap3A_155 : i32 to index
    %swap3A_157 = arith.constant 16 : index
    %swap3A_158 = tpu.vector_load %arg6[%swap3A_156, %swap3A_157] {strides = array<i32>} : memref<16x128xf32, #tpu.memory_space<vmem>>, vector<1x16xf32>,
    %swap3A_159 = vector.shape_cast %swap3A_158 : vector<1x16xf32> to vector<16xf32>
    %swap3A_160 = vector.shape_cast %get3A_106 : vector<16xf32> to vector<1x16xf32>
    tpu.vector_store %arg6[%swap3A_156, %swap3A_157], %swap3A_160 {strides = array<i32>} : memref<16x128xf32, #tpu.memory_space<vmem>>, vector<1x16xf32>,
    %swap3A_161 = arith.constant 9 : i32
    %swap3A_162 = arith.index_cast %swap3A_161 : i32 to index
    %swap3A_163 = arith.constant 16 : index
    %swap3A_164 = tpu.vector_load %arg6[%swap3A_162, %swap3A_163] {strides = array<i32>} : memref<16x128xf32, #tpu.memory_space<vmem>>, vector<1x16xf32>,
    %swap3A_165 = vector.shape_cast %swap3A_164 : vector<1x16xf32> to vector<16xf32>
    %swap3A_166 = vector.shape_cast %get3A_106 : vector<16xf32> to vector<1x16xf32>
    tpu.vector_store %arg6[%swap3A_162, %swap3A_163], %swap3A_166 {strides = array<i32>} : memref<16x128xf32, #tpu.memory_space<vmem>>, vector<1x16xf32>,
    %swap3A_167 = arith.constant 10 : i32
    %swap3A_168 = arith.index_cast %swap3A_167 : i32 to index
    %swap3A_169 = arith.constant 16 : index
    %swap3A_170 = tpu.vector_load %arg6[%swap3A_168, %swap3A_169] {strides = array<i32>} : memref<16x128xf32, #tpu.memory_space<vmem>>, vector<1x16xf32>,
    %swap3A_171 = vector.shape_cast %swap3A_170 : vector<1x16xf32> to vector<16xf32>
    %swap3A_172 = vector.shape_cast %get3A_106 : vector<16xf32> to vector<1x16xf32>
    tpu.vector_store %arg6[%swap3A_168, %swap3A_169], %swap3A_172 {strides = array<i32>} : memref<16x128xf32, #tpu.memory_space<vmem>>, vector<1x16xf32>,
    %swap3A_173 = arith.constant 11 : i32
    %swap3A_174 = arith.index_cast %swap3A_173 : i32 to index
    %swap3A_175 = arith.constant 16 : index
    %swap3A_176 = tpu.vector_load %arg6[%swap3A_174, %swap3A_175] {strides = array<i32>} : memref<16x128xf32, #tpu.memory_space<vmem>>, vector<1x16xf32>,
    %swap3A_177 = vector.shape_cast %swap3A_176 : vector<1x16xf32> to vector<16xf32>
    %swap3A_178 = vector.shape_cast %get3A_106 : vector<16xf32> to vector<1x16xf32>
    tpu.vector_store %arg6[%swap3A_174, %swap3A_175], %swap3A_178 {strides = array<i32>} : memref<16x128xf32, #tpu.memory_space<vmem>>, vector<1x16xf32>,
    %swap3A_179 = arith.constant 12 : i32
    %swap3A_180 = arith.index_cast %swap3A_179 : i32 to index
    %swap3A_181 = arith.constant 16 : index
    %swap3A_182 = tpu.vector_load %arg6[%swap3A_180, %swap3A_181] {strides = array<i32>} : memref<16x128xf32, #tpu.memory_space<vmem>>, vector<1x16xf32>,
    %swap3A_183 = vector.shape_cast %swap3A_182 : vector<1x16xf32> to vector<16xf32>
    %swap3A_184 = vector.shape_cast %get3A_106 : vector<16xf32> to vector<1x16xf32>
    tpu.vector_store %arg6[%swap3A_180, %swap3A_181], %swap3A_184 {strides = array<i32>} : memref<16x128xf32, #tpu.memory_space<vmem>>, vector<1x16xf32>,
    %swap3A_185 = arith.constant 13 : i32
    %swap3A_186 = arith.index_cast %swap3A_185 : i32 to index
    %swap3A_187 = arith.constant 16 : index
    %swap3A_188 = tpu.vector_load %arg6[%swap3A_186, %swap3A_187] {strides = array<i32>} : memref<16x128xf32, #tpu.memory_space<vmem>>, vector<1x16xf32>,
    %swap3A_189 = vector.shape_cast %swap3A_188 : vector<1x16xf32> to vector<16xf32>
    %swap3A_190 = vector.shape_cast %get3A_106 : vector<16xf32> to vector<1x16xf32>
    tpu.vector_store %arg6[%swap3A_186, %swap3A_187], %swap3A_190 {strides = array<i32>} : memref<16x128xf32, #tpu.memory_space<vmem>>, vector<1x16xf32>,
    %swap3A_191 = arith.constant 14 : i32
    %swap3A_192 = arith.index_cast %swap3A_191 : i32 to index
    %swap3A_193 = arith.constant 16 : index
    %swap3A_194 = tpu.vector_load %arg6[%swap3A_192, %swap3A_193] {strides = array<i32>} : memref<16x128xf32, #tpu.memory_space<vmem>>, vector<1x16xf32>,
    %swap3A_195 = vector.shape_cast %swap3A_194 : vector<1x16xf32> to vector<16xf32>
    %swap3A_196 = vector.shape_cast %get3A_106 : vector<16xf32> to vector<1x16xf32>
    tpu.vector_store %arg6[%swap3A_192, %swap3A_193], %swap3A_196 {strides = array<i32>} : memref<16x128xf32, #tpu.memory_space<vmem>>, vector<1x16xf32>,
    %swap3A_197 = arith.constant 15 : i32
    %swap3A_198 = arith.index_cast %swap3A_197 : i32 to index
    %swap3A_199 = arith.constant 16 : index
    %swap3A_200 = tpu.vector_load %arg6[%swap3A_198, %swap3A_199] {strides = array<i32>} : memref<16x128xf32, #tpu.memory_space<vmem>>, vector<1x16xf32>,
    %swap3A_201 = vector.shape_cast %swap3A_200 : vector<1x16xf32> to vector<16xf32>
    %swap3A_202 = vector.shape_cast %get3A_106 : vector<16xf32> to vector<1x16xf32>
    tpu.vector_store %arg6[%swap3A_198, %swap3A_199], %swap3A_202 {strides = array<i32>} : memref<16x128xf32, #tpu.memory_space<vmem>>, vector<1x16xf32>,
    %get3A_203 = arith.constant 32 : index
    %get3A_204 = tpu.vector_load %arg5[%get3A_203] {strides = array<i32>} : memref<128xf32, #tpu.memory_space<vmem>>, vector<16xf32>,
    %get3A_205 = vector.shape_cast %get3A_204 : vector<16xf32> to vector<16xf32>
    %swap3A_206 = arith.constant 0 : i32
    %swap3A_207 = arith.index_cast %swap3A_206 : i32 to index
    %swap3A_208 = arith.constant 32 : index
    %swap3A_209 = tpu.vector_load %arg6[%swap3A_207, %swap3A_208] {strides = array<i32>} : memref<16x128xf32, #tpu.memory_space<vmem>>, vector<1x16xf32>,
    %swap3A_210 = vector.shape_cast %swap3A_209 : vector<1x16xf32> to vector<16xf32>
    %swap3A_211 = vector.shape_cast %get3A_205 : vector<16xf32> to vector<1x16xf32>
    tpu.vector_store %arg6[%swap3A_207, %swap3A_208], %swap3A_211 {strides = array<i32>} : memref<16x128xf32, #tpu.memory_space<vmem>>, vector<1x16xf32>,
    %swap3A_212 = arith.constant 1 : i32
    %swap3A_213 = arith.index_cast %swap3A_212 : i32 to index
    %swap3A_214 = arith.constant 32 : index
    %swap3A_215 = tpu.vector_load %arg6[%swap3A_213, %swap3A_214] {strides = array<i32>} : memref<16x128xf32, #tpu.memory_space<vmem>>, vector<1x16xf32>,
    %swap3A_216 = vector.shape_cast %swap3A_215 : vector<1x16xf32> to vector<16xf32>
    %swap3A_217 = vector.shape_cast %get3A_205 : vector<16xf32> to vector<1x16xf32>
    tpu.vector_store %arg6[%swap3A_213, %swap3A_214], %swap3A_217 {strides = array<i32>} : memref<16x128xf32, #tpu.memory_space<vmem>>, vector<1x16xf32>,
    %swap3A_218 = arith.constant 2 : i32
    %swap3A_219 = arith.index_cast %swap3A_218 : i32 to index
    %swap3A_220 = arith.constant 32 : index
    %swap3A_221 = tpu.vector_load %arg6[%swap3A_219, %swap3A_220] {strides = array<i32>} : memref<16x128xf32, #tpu.memory_space<vmem>>, vector<1x16xf32>,
    %swap3A_222 = vector.shape_cast %swap3A_221 : vector<1x16xf32> to vector<16xf32>
    %swap3A_223 = vector.shape_cast %get3A_205 : vector<16xf32> to vector<1x16xf32>
    tpu.vector_store %arg6[%swap3A_219, %swap3A_220], %swap3A_223 {strides = array<i32>} : memref<16x128xf32, #tpu.memory_space<vmem>>, vector<1x16xf32>,
    %swap3A_224 = arith.constant 3 : i32
    %swap3A_225 = arith.index_cast %swap3A_224 : i32 to index
    %swap3A_226 = arith.constant 32 : index
    %swap3A_227 = tpu.vector_load %arg6[%swap3A_225, %swap3A_226] {strides = array<i32>} : memref<16x128xf32, #tpu.memory_space<vmem>>, vector<1x16xf32>,
    %swap3A_228 = vector.shape_cast %swap3A_227 : vector<1x16xf32> to vector<16xf32>
    %swap3A_229 = vector.shape_cast %get3A_205 : vector<16xf32> to vector<1x16xf32>
    tpu.vector_store %arg6[%swap3A_225, %swap3A_226], %swap3A_229 {strides = array<i32>} : memref<16x128xf32, #tpu.memory_space<vmem>>, vector<1x16xf32>,
    %swap3A_230 = arith.constant 4 : i32
    %swap3A_231 = arith.index_cast %swap3A_230 : i32 to index
    %swap3A_232 = arith.constant 32 : index
    %swap3A_233 = tpu.vector_load %arg6[%swap3A_231, %swap3A_232] {strides = array<i32>} : memref<16x128xf32, #tpu.memory_space<vmem>>, vector<1x16xf32>,
    %swap3A_234 = vector.shape_cast %swap3A_233 : vector<1x16xf32> to vector<16xf32>
    %swap3A_235 = vector.shape_cast %get3A_205 : vector<16xf32> to vector<1x16xf32>
    tpu.vector_store %arg6[%swap3A_231, %swap3A_232], %swap3A_235 {strides = array<i32>} : memref<16x128xf32, #tpu.memory_space<vmem>>, vector<1x16xf32>,
    %swap3A_236 = arith.constant 5 : i32
    %swap3A_237 = arith.index_cast %swap3A_236 : i32 to index
    %swap3A_238 = arith.constant 32 : index
    %swap3A_239 = tpu.vector_load %arg6[%swap3A_237, %swap3A_238] {strides = array<i32>} : memref<16x128xf32, #tpu.memory_space<vmem>>, vector<1x16xf32>,
    %swap3A_240 = vector.shape_cast %swap3A_239 : vector<1x16xf32> to vector<16xf32>
    %swap3A_241 = vector.shape_cast %get3A_205 : vector<16xf32> to vector<1x16xf32>
    tpu.vector_store %arg6[%swap3A_237, %swap3A_238], %swap3A_241 {strides = array<i32>} : memref<16x128xf32, #tpu.memory_space<vmem>>, vector<1x16xf32>,
    %swap3A_242 = arith.constant 6 : i32
    %swap3A_243 = arith.index_cast %swap3A_242 : i32 to index
    %swap3A_244 = arith.constant 32 : index
    %swap3A_245 = tpu.vector_load %arg6[%swap3A_243, %swap3A_244] {strides = array<i32>} : memref<16x128xf32, #tpu.memory_space<vmem>>, vector<1x16xf32>,
    %swap3A_246 = vector.shape_cast %swap3A_245 : vector<1x16xf32> to vector<16xf32>
    %swap3A_247 = vector.shape_cast %get3A_205 : vector<16xf32> to vector<1x16xf32>
    tpu.vector_store %arg6[%swap3A_243, %swap3A_244], %swap3A_247 {strides = array<i32>} : memref<16x128xf32, #tpu.memory_space<vmem>>, vector<1x16xf32>,
    %swap3A_248 = arith.constant 7 : i32
    %swap3A_249 = arith.index_cast %swap3A_248 : i32 to index
    %swap3A_250 = arith.constant 32 : index
    %swap3A_251 = tpu.vector_load %arg6[%swap3A_249, %swap3A_250] {strides = array<i32>} : memref<16x128xf32, #tpu.memory_space<vmem>>, vector<1x16xf32>,
    %swap3A_252 = vector.shape_cast %swap3A_251 : vector<1x16xf32> to vector<16xf32>
    %swap3A_253 = vector.shape_cast %get3A_205 : vector<16xf32> to vector<1x16xf32>
    tpu.vector_store %arg6[%swap3A_249, %swap3A_250], %swap3A_253 {strides = array<i32>} : memref<16x128xf32, #tpu.memory_space<vmem>>, vector<1x16xf32>,
    %swap3A_254 = arith.constant 8 : i32
    %swap3A_255 = arith.index_cast %swap3A_254 : i32 to index
    %swap3A_256 = arith.constant 32 : index
    %swap3A_257 = tpu.vector_load %arg6[%swap3A_255, %swap3A_256] {strides = array<i32>} : memref<16x128xf32, #tpu.memory_space<vmem>>, vector<1x16xf32>,
    %swap3A_258 = vector.shape_cast %swap3A_257 : vector<1x16xf32> to vector<16xf32>
    %swap3A_259 = vector.shape_cast %get3A_205 : vector<16xf32> to vector<1x16xf32>
    tpu.vector_store %arg6[%swap3A_255, %swap3A_256], %swap3A_259 {strides = array<i32>} : memref<16x128xf32, #tpu.memory_space<vmem>>, vector<1x16xf32>,
    %swap3A_260 = arith.constant 9 : i32
    %swap3A_261 = arith.index_cast %swap3A_260 : i32 to index
    %swap3A_262 = arith.constant 32 : index
    %swap3A_263 = tpu.vector_load %arg6[%swap3A_261, %swap3A_262] {strides = array<i32>} : memref<16x128xf32, #tpu.memory_space<vmem>>, vector<1x16xf32>,
    %swap3A_264 = vector.shape_cast %swap3A_263 : vector<1x16xf32> to vector<16xf32>
    %swap3A_265 = vector.shape_cast %get3A_205 : vector<16xf32> to vector<1x16xf32>
    tpu.vector_store %arg6[%swap3A_261, %swap3A_262], %swap3A_265 {strides = array<i32>} : memref<16x128xf32, #tpu.memory_space<vmem>>, vector<1x16xf32>,
    %swap3A_266 = arith.constant 10 : i32
    %swap3A_267 = arith.index_cast %swap3A_266 : i32 to index
    %swap3A_268 = arith.constant 32 : index
    %swap3A_269 = tpu.vector_load %arg6[%swap3A_267, %swap3A_268] {strides = array<i32>} : memref<16x128xf32, #tpu.memory_space<vmem>>, vector<1x16xf32>,
    %swap3A_270 = vector.shape_cast %swap3A_269 : vector<1x16xf32> to vector<16xf32>
    %swap3A_271 = vector.shape_cast %get3A_205 : vector<16xf32> to vector<1x16xf32>
    tpu.vector_store %arg6[%swap3A_267, %swap3A_268], %swap3A_271 {strides = array<i32>} : memref<16x128xf32, #tpu.memory_space<vmem>>, vector<1x16xf32>,
    %swap3A_272 = arith.constant 11 : i32
    %swap3A_273 = arith.index_cast %swap3A_272 : i32 to index
    %swap3A_274 = arith.constant 32 : index
    %swap3A_275 = tpu.vector_load %arg6[%swap3A_273, %swap3A_274] {strides = array<i32>} : memref<16x128xf32, #tpu.memory_space<vmem>>, vector<1x16xf32>,
    %swap3A_276 = vector.shape_cast %swap3A_275 : vector<1x16xf32> to vector<16xf32>
    %swap3A_277 = vector.shape_cast %get3A_205 : vector<16xf32> to vector<1x16xf32>
    tpu.vector_store %arg6[%swap3A_273, %swap3A_274], %swap3A_277 {strides = array<i32>} : memref<16x128xf32, #tpu.memory_space<vmem>>, vector<1x16xf32>,
    %swap3A_278 = arith.constant 12 : i32
    %swap3A_279 = arith.index_cast %swap3A_278 : i32 to index
    %swap3A_280 = arith.constant 32 : index
    %swap3A_281 = tpu.vector_load %arg6[%swap3A_279, %swap3A_280] {strides = array<i32>} : memref<16x128xf32, #tpu.memory_space<vmem>>, vector<1x16xf32>,
    %swap3A_282 = vector.shape_cast %swap3A_281 : vector<1x16xf32> to vector<16xf32>
    %swap3A_283 = vector.shape_cast %get3A_205 : vector<16xf32> to vector<1x16xf32>
    tpu.vector_store %arg6[%swap3A_279, %swap3A_280], %swap3A_283 {strides = array<i32>} : memref<16x128xf32, #tpu.memory_space<vmem>>, vector<1x16xf32>,
    %swap3A_284 = arith.constant 13 : i32
    %swap3A_285 = arith.index_cast %swap3A_284 : i32 to index
    %swap3A_286 = arith.constant 32 : index
    %swap3A_287 = tpu.vector_load %arg6[%swap3A_285, %swap3A_286] {strides = array<i32>} : memref<16x128xf32, #tpu.memory_space<vmem>>, vector<1x16xf32>,
    %swap3A_288 = vector.shape_cast %swap3A_287 : vector<1x16xf32> to vector<16xf32>
    %swap3A_289 = vector.shape_cast %get3A_205 : vector<16xf32> to vector<1x16xf32>
    tpu.vector_store %arg6[%swap3A_285, %swap3A_286], %swap3A_289 {strides = array<i32>} : memref<16x128xf32, #tpu.memory_space<vmem>>, vector<1x16xf32>,
    %swap3A_290 = arith.constant 14 : i32
    %swap3A_291 = arith.index_cast %swap3A_290 : i32 to index
    %swap3A_292 = arith.constant 32 : index
    %swap3A_293 = tpu.vector_load %arg6[%swap3A_291, %swap3A_292] {strides = array<i32>} : memref<16x128xf32, #tpu.memory_space<vmem>>, vector<1x16xf32>,
    %swap3A_294 = vector.shape_cast %swap3A_293 : vector<1x16xf32> to vector<16xf32>
    %swap3A_295 = vector.shape_cast %get3A_205 : vector<16xf32> to vector<1x16xf32>
    tpu.vector_store %arg6[%swap3A_291, %swap3A_292], %swap3A_295 {strides = array<i32>} : memref<16x128xf32, #tpu.memory_space<vmem>>, vector<1x16xf32>,
    %swap3A_296 = arith.constant 15 : i32
    %swap3A_297 = arith.index_cast %swap3A_296 : i32 to index
    %swap3A_298 = arith.constant 32 : index
    %swap3A_299 = tpu.vector_load %arg6[%swap3A_297, %swap3A_298] {strides = array<i32>} : memref<16x128xf32, #tpu.memory_space<vmem>>, vector<1x16xf32>,
    %swap3A_300 = vector.shape_cast %swap3A_299 : vector<1x16xf32> to vector<16xf32>
    %swap3A_301 = vector.shape_cast %get3A_205 : vector<16xf32> to vector<1x16xf32>
    tpu.vector_store %arg6[%swap3A_297, %swap3A_298], %swap3A_301 {strides = array<i32>} : memref<16x128xf32, #tpu.memory_space<vmem>>, vector<1x16xf32>,
    %get3A_302 = arith.constant 48 : index
    %get3A_303 = tpu.vector_load %arg5[%get3A_302] {strides = array<i32>} : memref<128xf32, #tpu.memory_space<vmem>>, vector<16xf32>,
    %get3A_304 = vector.shape_cast %get3A_303 : vector<16xf32> to vector<16xf32>
    %swap3A_305 = arith.constant 0 : i32
    %swap3A_306 = arith.index_cast %swap3A_305 : i32 to index
    %swap3A_307 = arith.constant 48 : index
    %swap3A_308 = tpu.vector_load %arg6[%swap3A_306, %swap3A_307] {strides = array<i32>} : memref<16x128xf32, #tpu.memory_space<vmem>>, vector<1x16xf32>,
    %swap3A_309 = vector.shape_cast %swap3A_308 : vector<1x16xf32> to vector<16xf32>
    %swap3A_310 = vector.shape_cast %get3A_304 : vector<16xf32> to vector<1x16xf32>
    tpu.vector_store %arg6[%swap3A_306, %swap3A_307], %swap3A_310 {strides = array<i32>} : memref<16x128xf32, #tpu.memory_space<vmem>>, vector<1x16xf32>,
    %swap3A_311 = arith.constant 1 : i32
    %swap3A_312 = arith.index_cast %swap3A_311 : i32 to index
    %swap3A_313 = arith.constant 48 : index
    %swap3A_314 = tpu.vector_load %arg6[%swap3A_312, %swap3A_313] {strides = array<i32>} : memref<16x128xf32, #tpu.memory_space<vmem>>, vector<1x16xf32>,
    %swap3A_315 = vector.shape_cast %swap3A_314 : vector<1x16xf32> to vector<16xf32>
    %swap3A_316 = vector.shape_cast %get3A_304 : vector<16xf32> to vector<1x16xf32>
    tpu.vector_store %arg6[%swap3A_312, %swap3A_313], %swap3A_316 {strides = array<i32>} : memref<16x128xf32, #tpu.memory_space<vmem>>, vector<1x16xf32>,
    %swap3A_317 = arith.constant 2 : i32
    %swap3A_318 = arith.index_cast %swap3A_317 : i32 to index
    %swap3A_319 = arith.constant 48 : index
    %swap3A_320 = tpu.vector_load %arg6[%swap3A_318, %swap3A_319] {strides = array<i32>} : memref<16x128xf32, #tpu.memory_space<vmem>>, vector<1x16xf32>,
    %swap3A_321 = vector.shape_cast %swap3A_320 : vector<1x16xf32> to vector<16xf32>
    %swap3A_322 = vector.shape_cast %get3A_304 : vector<16xf32> to vector<1x16xf32>
    tpu.vector_store %arg6[%swap3A_318, %swap3A_319], %swap3A_322 {strides = array<i32>} : memref<16x128xf32, #tpu.memory_space<vmem>>, vector<1x16xf32>,
    %swap3A_323 = arith.constant 3 : i32
    %swap3A_324 = arith.index_cast %swap3A_323 : i32 to index
    %swap3A_325 = arith.constant 48 : index
    %swap3A_326 = tpu.vector_load %arg6[%swap3A_324, %swap3A_325] {strides = array<i32>} : memref<16x128xf32, #tpu.memory_space<vmem>>, vector<1x16xf32>,
    %swap3A_327 = vector.shape_cast %swap3A_326 : vector<1x16xf32> to vector<16xf32>
    %swap3A_328 = vector.shape_cast %get3A_304 : vector<16xf32> to vector<1x16xf32>
    tpu.vector_store %arg6[%swap3A_324, %swap3A_325], %swap3A_328 {strides = array<i32>} : memref<16x128xf32, #tpu.memory_space<vmem>>, vector<1x16xf32>,
    %swap3A_329 = arith.constant 4 : i32
    %swap3A_330 = arith.index_cast %swap3A_329 : i32 to index
    %swap3A_331 = arith.constant 48 : index
    %swap3A_332 = tpu.vector_load %arg6[%swap3A_330, %swap3A_331] {strides = array<i32>} : memref<16x128xf32, #tpu.memory_space<vmem>>, vector<1x16xf32>,
    %swap3A_333 = vector.shape_cast %swap3A_332 : vector<1x16xf32> to vector<16xf32>
    %swap3A_334 = vector.shape_cast %get3A_304 : vector<16xf32> to vector<1x16xf32>
    tpu.vector_store %arg6[%swap3A_330, %swap3A_331], %swap3A_334 {strides = array<i32>} : memref<16x128xf32, #tpu.memory_space<vmem>>, vector<1x16xf32>,
    %swap3A_335 = arith.constant 5 : i32
    %swap3A_336 = arith.index_cast %swap3A_335 : i32 to index
    %swap3A_337 = arith.constant 48 : index
    %swap3A_338 = tpu.vector_load %arg6[%swap3A_336, %swap3A_337] {strides = array<i32>} : memref<16x128xf32, #tpu.memory_space<vmem>>, vector<1x16xf32>,
    %swap3A_339 = vector.shape_cast %swap3A_338 : vector<1x16xf32> to vector<16xf32>
    %swap3A_340 = vector.shape_cast %get3A_304 : vector<16xf32> to vector<1x16xf32>
    tpu.vector_store %arg6[%swap3A_336, %swap3A_337], %swap3A_340 {strides = array<i32>} : memref<16x128xf32, #tpu.memory_space<vmem>>, vector<1x16xf32>,
    %swap3A_341 = arith.constant 6 : i32
    %swap3A_342 = arith.index_cast %swap3A_341 : i32 to index
    %swap3A_343 = arith.constant 48 : index
    %swap3A_344 = tpu.vector_load %arg6[%swap3A_342, %swap3A_343] {strides = array<i32>} : memref<16x128xf32, #tpu.memory_space<vmem>>, vector<1x16xf32>,
    %swap3A_345 = vector.shape_cast %swap3A_344 : vector<1x16xf32> to vector<16xf32>
    %swap3A_346 = vector.shape_cast %get3A_304 : vector<16xf32> to vector<1x16xf32>
    tpu.vector_store %arg6[%swap3A_342, %swap3A_343], %swap3A_346 {strides = array<i32>} : memref<16x128xf32, #tpu.memory_space<vmem>>, vector<1x16xf32>,
    %swap3A_347 = arith.constant 7 : i32
    %swap3A_348 = arith.index_cast %swap3A_347 : i32 to index
    %swap3A_349 = arith.constant 48 : index
    %swap3A_350 = tpu.vector_load %arg6[%swap3A_348, %swap3A_349] {strides = array<i32>} : memref<16x128xf32, #tpu.memory_space<vmem>>, vector<1x16xf32>,
    %swap3A_351 = vector.shape_cast %swap3A_350 : vector<1x16xf32> to vector<16xf32>
    %swap3A_352 = vector.shape_cast %get3A_304 : vector<16xf32> to vector<1x16xf32>
    tpu.vector_store %arg6[%swap3A_348, %swap3A_349], %swap3A_352 {strides = array<i32>} : memref<16x128xf32, #tpu.memory_space<vmem>>, vector<1x16xf32>,
    %swap3A_353 = arith.constant 8 : i32
    %swap3A_354 = arith.index_cast %swap3A_353 : i32 to index
    %swap3A_355 = arith.constant 48 : index
    %swap3A_356 = tpu.vector_load %arg6[%swap3A_354, %swap3A_355] {strides = array<i32>} : memref<16x128xf32, #tpu.memory_space<vmem>>, vector<1x16xf32>,
    %swap3A_357 = vector.shape_cast %swap3A_356 : vector<1x16xf32> to vector<16xf32>
    %swap3A_358 = vector.shape_cast %get3A_304 : vector<16xf32> to vector<1x16xf32>
    tpu.vector_store %arg6[%swap3A_354, %swap3A_355], %swap3A_358 {strides = array<i32>} : memref<16x128xf32, #tpu.memory_space<vmem>>, vector<1x16xf32>,
    %swap3A_359 = arith.constant 9 : i32
    %swap3A_360 = arith.index_cast %swap3A_359 : i32 to index
    %swap3A_361 = arith.constant 48 : index
    %swap3A_362 = tpu.vector_load %arg6[%swap3A_360, %swap3A_361] {strides = array<i32>} : memref<16x128xf32, #tpu.memory_space<vmem>>, vector<1x16xf32>,
    %swap3A_363 = vector.shape_cast %swap3A_362 : vector<1x16xf32> to vector<16xf32>
    %swap3A_364 = vector.shape_cast %get3A_304 : vector<16xf32> to vector<1x16xf32>
    tpu.vector_store %arg6[%swap3A_360, %swap3A_361], %swap3A_364 {strides = array<i32>} : memref<16x128xf32, #tpu.memory_space<vmem>>, vector<1x16xf32>,
    %swap3A_365 = arith.constant 10 : i32
    %swap3A_366 = arith.index_cast %swap3A_365 : i32 to index
    %swap3A_367 = arith.constant 48 : index
    %swap3A_368 = tpu.vector_load %arg6[%swap3A_366, %swap3A_367] {strides = array<i32>} : memref<16x128xf32, #tpu.memory_space<vmem>>, vector<1x16xf32>,
    %swap3A_369 = vector.shape_cast %swap3A_368 : vector<1x16xf32> to vector<16xf32>
    %swap3A_370 = vector.shape_cast %get3A_304 : vector<16xf32> to vector<1x16xf32>
    tpu.vector_store %arg6[%swap3A_366, %swap3A_367], %swap3A_370 {strides = array<i32>} : memref<16x128xf32, #tpu.memory_space<vmem>>, vector<1x16xf32>,
    %swap3A_371 = arith.constant 11 : i32
    %swap3A_372 = arith.index_cast %swap3A_371 : i32 to index
    %swap3A_373 = arith.constant 48 : index
    %swap3A_374 = tpu.vector_load %arg6[%swap3A_372, %swap3A_373] {strides = array<i32>} : memref<16x128xf32, #tpu.memory_space<vmem>>, vector<1x16xf32>,
    %swap3A_375 = vector.shape_cast %swap3A_374 : vector<1x16xf32> to vector<16xf32>
    %swap3A_376 = vector.shape_cast %get3A_304 : vector<16xf32> to vector<1x16xf32>
    tpu.vector_store %arg6[%swap3A_372, %swap3A_373], %swap3A_376 {strides = array<i32>} : memref<16x128xf32, #tpu.memory_space<vmem>>, vector<1x16xf32>,
    %swap3A_377 = arith.constant 12 : i32
    %swap3A_378 = arith.index_cast %swap3A_377 : i32 to index
    %swap3A_379 = arith.constant 48 : index
    %swap3A_380 = tpu.vector_load %arg6[%swap3A_378, %swap3A_379] {strides = array<i32>} : memref<16x128xf32, #tpu.memory_space<vmem>>, vector<1x16xf32>,
    %swap3A_381 = vector.shape_cast %swap3A_380 : vector<1x16xf32> to vector<16xf32>
    %swap3A_382 = vector.shape_cast %get3A_304 : vector<16xf32> to vector<1x16xf32>
    tpu.vector_store %arg6[%swap3A_378, %swap3A_379], %swap3A_382 {strides = array<i32>} : memref<16x128xf32, #tpu.memory_space<vmem>>, vector<1x16xf32>,
    %swap3A_383 = arith.constant 13 : i32
    %swap3A_384 = arith.index_cast %swap3A_383 : i32 to index
    %swap3A_385 = arith.constant 48 : index
    %swap3A_386 = tpu.vector_load %arg6[%swap3A_384, %swap3A_385] {strides = array<i32>} : memref<16x128xf32, #tpu.memory_space<vmem>>, vector<1x16xf32>,
    %swap3A_387 = vector.shape_cast %swap3A_386 : vector<1x16xf32> to vector<16xf32>
    %swap3A_388 = vector.shape_cast %get3A_304 : vector<16xf32> to vector<1x16xf32>
    tpu.vector_store %arg6[%swap3A_384, %swap3A_385], %swap3A_388 {strides = array<i32>} : memref<16x128xf32, #tpu.memory_space<vmem>>, vector<1x16xf32>,
    %swap3A_389 = arith.constant 14 : i32
    %swap3A_390 = arith.index_cast %swap3A_389 : i32 to index
    %swap3A_391 = arith.constant 48 : index
    %swap3A_392 = tpu.vector_load %arg6[%swap3A_390, %swap3A_391] {strides = array<i32>} : memref<16x128xf32, #tpu.memory_space<vmem>>, vector<1x16xf32>,
    %swap3A_393 = vector.shape_cast %swap3A_392 : vector<1x16xf32> to vector<16xf32>
    %swap3A_394 = vector.shape_cast %get3A_304 : vector<16xf32> to vector<1x16xf32>
    tpu.vector_store %arg6[%swap3A_390, %swap3A_391], %swap3A_394 {strides = array<i32>} : memref<16x128xf32, #tpu.memory_space<vmem>>, vector<1x16xf32>,
    %swap3A_395 = arith.constant 15 : i32
    %swap3A_396 = arith.index_cast %swap3A_395 : i32 to index
    %swap3A_397 = arith.constant 48 : index
    %swap3A_398 = tpu.vector_load %arg6[%swap3A_396, %swap3A_397] {strides = array<i32>} : memref<16x128xf32, #tpu.memory_space<vmem>>, vector<1x16xf32>,
    %swap3A_399 = vector.shape_cast %swap3A_398 : vector<1x16xf32> to vector<16xf32>
    %swap3A_400 = vector.shape_cast %get3A_304 : vector<16xf32> to vector<1x16xf32>
    tpu.vector_store %arg6[%swap3A_396, %swap3A_397], %swap3A_400 {strides = array<i32>} : memref<16x128xf32, #tpu.memory_space<vmem>>, vector<1x16xf32>,
    %get3A_401 = arith.constant 64 : index
    %get3A_402 = tpu.vector_load %arg5[%get3A_401] {strides = array<i32>} : memref<128xf32, #tpu.memory_space<vmem>>, vector<16xf32>,
    %get3A_403 = vector.shape_cast %get3A_402 : vector<16xf32> to vector<16xf32>
    %swap3A_404 = arith.constant 0 : i32
    %swap3A_405 = arith.index_cast %swap3A_404 : i32 to index
    %swap3A_406 = arith.constant 64 : index
    %swap3A_407 = tpu.vector_load %arg6[%swap3A_405, %swap3A_406] {strides = array<i32>} : memref<16x128xf32, #tpu.memory_space<vmem>>, vector<1x16xf32>,
    %swap3A_408 = vector.shape_cast %swap3A_407 : vector<1x16xf32> to vector<16xf32>
    %swap3A_409 = vector.shape_cast %get3A_403 : vector<16xf32> to vector<1x16xf32>
    tpu.vector_store %arg6[%swap3A_405, %swap3A_406], %swap3A_409 {strides = array<i32>} : memref<16x128xf32, #tpu.memory_space<vmem>>, vector<1x16xf32>,
    %swap3A_410 = arith.constant 1 : i32
    %swap3A_411 = arith.index_cast %swap3A_410 : i32 to index
    %swap3A_412 = arith.constant 64 : index
    %swap3A_413 = tpu.vector_load %arg6[%swap3A_411, %swap3A_412] {strides = array<i32>} : memref<16x128xf32, #tpu.memory_space<vmem>>, vector<1x16xf32>,
    %swap3A_414 = vector.shape_cast %swap3A_413 : vector<1x16xf32> to vector<16xf32>
    %swap3A_415 = vector.shape_cast %get3A_403 : vector<16xf32> to vector<1x16xf32>
    tpu.vector_store %arg6[%swap3A_411, %swap3A_412], %swap3A_415 {strides = array<i32>} : memref<16x128xf32, #tpu.memory_space<vmem>>, vector<1x16xf32>,
    %swap3A_416 = arith.constant 2 : i32
    %swap3A_417 = arith.index_cast %swap3A_416 : i32 to index
    %swap3A_418 = arith.constant 64 : index
    %swap3A_419 = tpu.vector_load %arg6[%swap3A_417, %swap3A_418] {strides = array<i32>} : memref<16x128xf32, #tpu.memory_space<vmem>>, vector<1x16xf32>,
    %swap3A_420 = vector.shape_cast %swap3A_419 : vector<1x16xf32> to vector<16xf32>
    %swap3A_421 = vector.shape_cast %get3A_403 : vector<16xf32> to vector<1x16xf32>
    tpu.vector_store %arg6[%swap3A_417, %swap3A_418], %swap3A_421 {strides = array<i32>} : memref<16x128xf32, #tpu.memory_space<vmem>>, vector<1x16xf32>,
    %swap3A_422 = arith.constant 3 : i32
    %swap3A_423 = arith.index_cast %swap3A_422 : i32 to index
    %swap3A_424 = arith.constant 64 : index
    %swap3A_425 = tpu.vector_load %arg6[%swap3A_423, %swap3A_424] {strides = array<i32>} : memref<16x128xf32, #tpu.memory_space<vmem>>, vector<1x16xf32>,
    %swap3A_426 = vector.shape_cast %swap3A_425 : vector<1x16xf32> to vector<16xf32>
    %swap3A_427 = vector.shape_cast %get3A_403 : vector<16xf32> to vector<1x16xf32>
    tpu.vector_store %arg6[%swap3A_423, %swap3A_424], %swap3A_427 {strides = array<i32>} : memref<16x128xf32, #tpu.memory_space<vmem>>, vector<1x16xf32>,
    %swap3A_428 = arith.constant 4 : i32
    %swap3A_429 = arith.index_cast %swap3A_428 : i32 to index
    %swap3A_430 = arith.constant 64 : index
    %swap3A_431 = tpu.vector_load %arg6[%swap3A_429, %swap3A_430] {strides = array<i32>} : memref<16x128xf32, #tpu.memory_space<vmem>>, vector<1x16xf32>,
    %swap3A_432 = vector.shape_cast %swap3A_431 : vector<1x16xf32> to vector<16xf32>
    %swap3A_433 = vector.shape_cast %get3A_403 : vector<16xf32> to vector<1x16xf32>
    tpu.vector_store %arg6[%swap3A_429, %swap3A_430], %swap3A_433 {strides = array<i32>} : memref<16x128xf32, #tpu.memory_space<vmem>>, vector<1x16xf32>,
    %swap3A_434 = arith.constant 5 : i32
    %swap3A_435 = arith.index_cast %swap3A_434 : i32 to index
    %swap3A_436 = arith.constant 64 : index
    %swap3A_437 = tpu.vector_load %arg6[%swap3A_435, %swap3A_436] {strides = array<i32>} : memref<16x128xf32, #tpu.memory_space<vmem>>, vector<1x16xf32>,
    %swap3A_438 = vector.shape_cast %swap3A_437 : vector<1x16xf32> to vector<16xf32>
    %swap3A_439 = vector.shape_cast %get3A_403 : vector<16xf32> to vector<1x16xf32>
    tpu.vector_store %arg6[%swap3A_435, %swap3A_436], %swap3A_439 {strides = array<i32>} : memref<16x128xf32, #tpu.memory_space<vmem>>, vector<1x16xf32>,
    %swap3A_440 = arith.constant 6 : i32
    %swap3A_441 = arith.index_cast %swap3A_440 : i32 to index
    %swap3A_442 = arith.constant 64 : index
    %swap3A_443 = tpu.vector_load %arg6[%swap3A_441, %swap3A_442] {strides = array<i32>} : memref<16x128xf32, #tpu.memory_space<vmem>>, vector<1x16xf32>,
    %swap3A_444 = vector.shape_cast %swap3A_443 : vector<1x16xf32> to vector<16xf32>
    %swap3A_445 = vector.shape_cast %get3A_403 : vector<16xf32> to vector<1x16xf32>
    tpu.vector_store %arg6[%swap3A_441, %swap3A_442], %swap3A_445 {strides = array<i32>} : memref<16x128xf32, #tpu.memory_space<vmem>>, vector<1x16xf32>,
    %swap3A_446 = arith.constant 7 : i32
    %swap3A_447 = arith.index_cast %swap3A_446 : i32 to index
    %swap3A_448 = arith.constant 64 : index
    %swap3A_449 = tpu.vector_load %arg6[%swap3A_447, %swap3A_448] {strides = array<i32>} : memref<16x128xf32, #tpu.memory_space<vmem>>, vector<1x16xf32>,
    %swap3A_450 = vector.shape_cast %swap3A_449 : vector<1x16xf32> to vector<16xf32>
    %swap3A_451 = vector.shape_cast %get3A_403 : vector<16xf32> to vector<1x16xf32>
    tpu.vector_store %arg6[%swap3A_447, %swap3A_448], %swap3A_451 {strides = array<i32>} : memref<16x128xf32, #tpu.memory_space<vmem>>, vector<1x16xf32>,
    %swap3A_452 = arith.constant 8 : i32
    %swap3A_453 = arith.index_cast %swap3A_452 : i32 to index
    %swap3A_454 = arith.constant 64 : index
    %swap3A_455 = tpu.vector_load %arg6[%swap3A_453, %swap3A_454] {strides = array<i32>} : memref<16x128xf32, #tpu.memory_space<vmem>>, vector<1x16xf32>,
    %swap3A_456 = vector.shape_cast %swap3A_455 : vector<1x16xf32> to vector<16xf32>
    %swap3A_457 = vector.shape_cast %get3A_403 : vector<16xf32> to vector<1x16xf32>
    tpu.vector_store %arg6[%swap3A_453, %swap3A_454], %swap3A_457 {strides = array<i32>} : memref<16x128xf32, #tpu.memory_space<vmem>>, vector<1x16xf32>,
    %swap3A_458 = arith.constant 9 : i32
    %swap3A_459 = arith.index_cast %swap3A_458 : i32 to index
    %swap3A_460 = arith.constant 64 : index
    %swap3A_461 = tpu.vector_load %arg6[%swap3A_459, %swap3A_460] {strides = array<i32>} : memref<16x128xf32, #tpu.memory_space<vmem>>, vector<1x16xf32>,
    %swap3A_462 = vector.shape_cast %swap3A_461 : vector<1x16xf32> to vector<16xf32>
    %swap3A_463 = vector.shape_cast %get3A_403 : vector<16xf32> to vector<1x16xf32>
    tpu.vector_store %arg6[%swap3A_459, %swap3A_460], %swap3A_463 {strides = array<i32>} : memref<16x128xf32, #tpu.memory_space<vmem>>, vector<1x16xf32>,
    %swap3A_464 = arith.constant 10 : i32
    %swap3A_465 = arith.index_cast %swap3A_464 : i32 to index
    %swap3A_466 = arith.constant 64 : index
    %swap3A_467 = tpu.vector_load %arg6[%swap3A_465, %swap3A_466] {strides = array<i32>} : memref<16x128xf32, #tpu.memory_space<vmem>>, vector<1x16xf32>,
    %swap3A_468 = vector.shape_cast %swap3A_467 : vector<1x16xf32> to vector<16xf32>
    %swap3A_469 = vector.shape_cast %get3A_403 : vector<16xf32> to vector<1x16xf32>
    tpu.vector_store %arg6[%swap3A_465, %swap3A_466], %swap3A_469 {strides = array<i32>} : memref<16x128xf32, #tpu.memory_space<vmem>>, vector<1x16xf32>,
    %swap3A_470 = arith.constant 11 : i32
    %swap3A_471 = arith.index_cast %swap3A_470 : i32 to index
    %swap3A_472 = arith.constant 64 : index
    %swap3A_473 = tpu.vector_load %arg6[%swap3A_471, %swap3A_472] {strides = array<i32>} : memref<16x128xf32, #tpu.memory_space<vmem>>, vector<1x16xf32>,
    %swap3A_474 = vector.shape_cast %swap3A_473 : vector<1x16xf32> to vector<16xf32>
    %swap3A_475 = vector.shape_cast %get3A_403 : vector<16xf32> to vector<1x16xf32>
    tpu.vector_store %arg6[%swap3A_471, %swap3A_472], %swap3A_475 {strides = array<i32>} : memref<16x128xf32, #tpu.memory_space<vmem>>, vector<1x16xf32>,
    %swap3A_476 = arith.constant 12 : i32
    %swap3A_477 = arith.index_cast %swap3A_476 : i32 to index
    %swap3A_478 = arith.constant 64 : index
    %swap3A_479 = tpu.vector_load %arg6[%swap3A_477, %swap3A_478] {strides = array<i32>} : memref<16x128xf32, #tpu.memory_space<vmem>>, vector<1x16xf32>,
    %swap3A_480 = vector.shape_cast %swap3A_479 : vector<1x16xf32> to vector<16xf32>
    %swap3A_481 = vector.shape_cast %get3A_403 : vector<16xf32> to vector<1x16xf32>
    tpu.vector_store %arg6[%swap3A_477, %swap3A_478], %swap3A_481 {strides = array<i32>} : memref<16x128xf32, #tpu.memory_space<vmem>>, vector<1x16xf32>,
    %swap3A_482 = arith.constant 13 : i32
    %swap3A_483 = arith.index_cast %swap3A_482 : i32 to index
    %swap3A_484 = arith.constant 64 : index
    %swap3A_485 = tpu.vector_load %arg6[%swap3A_483, %swap3A_484] {strides = array<i32>} : memref<16x128xf32, #tpu.memory_space<vmem>>, vector<1x16xf32>,
    %swap3A_486 = vector.shape_cast %swap3A_485 : vector<1x16xf32> to vector<16xf32>
    %swap3A_487 = vector.shape_cast %get3A_403 : vector<16xf32> to vector<1x16xf32>
    tpu.vector_store %arg6[%swap3A_483, %swap3A_484], %swap3A_487 {strides = array<i32>} : memref<16x128xf32, #tpu.memory_space<vmem>>, vector<1x16xf32>,
    %swap3A_488 = arith.constant 14 : i32
    %swap3A_489 = arith.index_cast %swap3A_488 : i32 to index
    %swap3A_490 = arith.constant 64 : index
    %swap3A_491 = tpu.vector_load %arg6[%swap3A_489, %swap3A_490] {strides = array<i32>} : memref<16x128xf32, #tpu.memory_space<vmem>>, vector<1x16xf32>,
    %swap3A_492 = vector.shape_cast %swap3A_491 : vector<1x16xf32> to vector<16xf32>
    %swap3A_493 = vector.shape_cast %get3A_403 : vector<16xf32> to vector<1x16xf32>
    tpu.vector_store %arg6[%swap3A_489, %swap3A_490], %swap3A_493 {strides = array<i32>} : memref<16x128xf32, #tpu.memory_space<vmem>>, vector<1x16xf32>,
    %swap3A_494 = arith.constant 15 : i32
    %swap3A_495 = arith.index_cast %swap3A_494 : i32 to index
    %swap3A_496 = arith.constant 64 : index
    %swap3A_497 = tpu.vector_load %arg6[%swap3A_495, %swap3A_496] {strides = array<i32>} : memref<16x128xf32, #tpu.memory_space<vmem>>, vector<1x16xf32>,
    %swap3A_498 = vector.shape_cast %swap3A_497 : vector<1x16xf32> to vector<16xf32>
    %swap3A_499 = vector.shape_cast %get3A_403 : vector<16xf32> to vector<1x16xf32>
    tpu.vector_store %arg6[%swap3A_495, %swap3A_496], %swap3A_499 {strides = array<i32>} : memref<16x128xf32, #tpu.memory_space<vmem>>, vector<1x16xf32>,
    %get3A_500 = arith.constant 80 : index
    %get3A_501 = tpu.vector_load %arg5[%get3A_500] {strides = array<i32>} : memref<128xf32, #tpu.memory_space<vmem>>, vector<16xf32>,
    %get3A_502 = vector.shape_cast %get3A_501 : vector<16xf32> to vector<16xf32>
    %swap3A_503 = arith.constant 0 : i32
    %swap3A_504 = arith.index_cast %swap3A_503 : i32 to index
    %swap3A_505 = arith.constant 80 : index
    %swap3A_506 = tpu.vector_load %arg6[%swap3A_504, %swap3A_505] {strides = array<i32>} : memref<16x128xf32, #tpu.memory_space<vmem>>, vector<1x16xf32>,
    %swap3A_507 = vector.shape_cast %swap3A_506 : vector<1x16xf32> to vector<16xf32>
    %swap3A_508 = vector.shape_cast %get3A_502 : vector<16xf32> to vector<1x16xf32>
    tpu.vector_store %arg6[%swap3A_504, %swap3A_505], %swap3A_508 {strides = array<i32>} : memref<16x128xf32, #tpu.memory_space<vmem>>, vector<1x16xf32>,
    %swap3A_509 = arith.constant 1 : i32
    %swap3A_510 = arith.index_cast %swap3A_509 : i32 to index
    %swap3A_511 = arith.constant 80 : index
    %swap3A_512 = tpu.vector_load %arg6[%swap3A_510, %swap3A_511] {strides = array<i32>} : memref<16x128xf32, #tpu.memory_space<vmem>>, vector<1x16xf32>,
    %swap3A_513 = vector.shape_cast %swap3A_512 : vector<1x16xf32> to vector<16xf32>
    %swap3A_514 = vector.shape_cast %get3A_502 : vector<16xf32> to vector<1x16xf32>
    tpu.vector_store %arg6[%swap3A_510, %swap3A_511], %swap3A_514 {strides = array<i32>} : memref<16x128xf32, #tpu.memory_space<vmem>>, vector<1x16xf32>,
    %swap3A_515 = arith.constant 2 : i32
    %swap3A_516 = arith.index_cast %swap3A_515 : i32 to index
    %swap3A_517 = arith.constant 80 : index
    %swap3A_518 = tpu.vector_load %arg6[%swap3A_516, %swap3A_517] {strides = array<i32>} : memref<16x128xf32, #tpu.memory_space<vmem>>, vector<1x16xf32>,
    %swap3A_519 = vector.shape_cast %swap3A_518 : vector<1x16xf32> to vector<16xf32>
    %swap3A_520 = vector.shape_cast %get3A_502 : vector<16xf32> to vector<1x16xf32>
    tpu.vector_store %arg6[%swap3A_516, %swap3A_517], %swap3A_520 {strides = array<i32>} : memref<16x128xf32, #tpu.memory_space<vmem>>, vector<1x16xf32>,
    %swap3A_521 = arith.constant 3 : i32
    %swap3A_522 = arith.index_cast %swap3A_521 : i32 to index
    %swap3A_523 = arith.constant 80 : index
    %swap3A_524 = tpu.vector_load %arg6[%swap3A_522, %swap3A_523] {strides = array<i32>} : memref<16x128xf32, #tpu.memory_space<vmem>>, vector<1x16xf32>,
    %swap3A_525 = vector.shape_cast %swap3A_524 : vector<1x16xf32> to vector<16xf32>
    %swap3A_526 = vector.shape_cast %get3A_502 : vector<16xf32> to vector<1x16xf32>
    tpu.vector_store %arg6[%swap3A_522, %swap3A_523], %swap3A_526 {strides = array<i32>} : memref<16x128xf32, #tpu.memory_space<vmem>>, vector<1x16xf32>,
    %swap3A_527 = arith.constant 4 : i32
    %swap3A_528 = arith.index_cast %swap3A_527 : i32 to index
    %swap3A_529 = arith.constant 80 : index
    %swap3A_530 = tpu.vector_load %arg6[%swap3A_528, %swap3A_529] {strides = array<i32>} : memref<16x128xf32, #tpu.memory_space<vmem>>, vector<1x16xf32>,
    %swap3A_531 = vector.shape_cast %swap3A_530 : vector<1x16xf32> to vector<16xf32>
    %swap3A_532 = vector.shape_cast %get3A_502 : vector<16xf32> to vector<1x16xf32>
    tpu.vector_store %arg6[%swap3A_528, %swap3A_529], %swap3A_532 {strides = array<i32>} : memref<16x128xf32, #tpu.memory_space<vmem>>, vector<1x16xf32>,
    %swap3A_533 = arith.constant 5 : i32
    %swap3A_534 = arith.index_cast %swap3A_533 : i32 to index
    %swap3A_535 = arith.constant 80 : index
    %swap3A_536 = tpu.vector_load %arg6[%swap3A_534, %swap3A_535] {strides = array<i32>} : memref<16x128xf32, #tpu.memory_space<vmem>>, vector<1x16xf32>,
    %swap3A_537 = vector.shape_cast %swap3A_536 : vector<1x16xf32> to vector<16xf32>
    %swap3A_538 = vector.shape_cast %get3A_502 : vector<16xf32> to vector<1x16xf32>
    tpu.vector_store %arg6[%swap3A_534, %swap3A_535], %swap3A_538 {strides = array<i32>} : memref<16x128xf32, #tpu.memory_space<vmem>>, vector<1x16xf32>,
    %swap3A_539 = arith.constant 6 : i32
    %swap3A_540 = arith.index_cast %swap3A_539 : i32 to index
    %swap3A_541 = arith.constant 80 : index
    %swap3A_542 = tpu.vector_load %arg6[%swap3A_540, %swap3A_541] {strides = array<i32>} : memref<16x128xf32, #tpu.memory_space<vmem>>, vector<1x16xf32>,
    %swap3A_543 = vector.shape_cast %swap3A_542 : vector<1x16xf32> to vector<16xf32>
    %swap3A_544 = vector.shape_cast %get3A_502 : vector<16xf32> to vector<1x16xf32>
    tpu.vector_store %arg6[%swap3A_540, %swap3A_541], %swap3A_544 {strides = array<i32>} : memref<16x128xf32, #tpu.memory_space<vmem>>, vector<1x16xf32>,
    %swap3A_545 = arith.constant 7 : i32
    %swap3A_546 = arith.index_cast %swap3A_545 : i32 to index
    %swap3A_547 = arith.constant 80 : index
    %swap3A_548 = tpu.vector_load %arg6[%swap3A_546, %swap3A_547] {strides = array<i32>} : memref<16x128xf32, #tpu.memory_space<vmem>>, vector<1x16xf32>,
    %swap3A_549 = vector.shape_cast %swap3A_548 : vector<1x16xf32> to vector<16xf32>
    %swap3A_550 = vector.shape_cast %get3A_502 : vector<16xf32> to vector<1x16xf32>
    tpu.vector_store %arg6[%swap3A_546, %swap3A_547], %swap3A_550 {strides = array<i32>} : memref<16x128xf32, #tpu.memory_space<vmem>>, vector<1x16xf32>,
    %swap3A_551 = arith.constant 8 : i32
    %swap3A_552 = arith.index_cast %swap3A_551 : i32 to index
    %swap3A_553 = arith.constant 80 : index
    %swap3A_554 = tpu.vector_load %arg6[%swap3A_552, %swap3A_553] {strides = array<i32>} : memref<16x128xf32, #tpu.memory_space<vmem>>, vector<1x16xf32>,
    %swap3A_555 = vector.shape_cast %swap3A_554 : vector<1x16xf32> to vector<16xf32>
    %swap3A_556 = vector.shape_cast %get3A_502 : vector<16xf32> to vector<1x16xf32>
    tpu.vector_store %arg6[%swap3A_552, %swap3A_553], %swap3A_556 {strides = array<i32>} : memref<16x128xf32, #tpu.memory_space<vmem>>, vector<1x16xf32>,
    %swap3A_557 = arith.constant 9 : i32
    %swap3A_558 = arith.index_cast %swap3A_557 : i32 to index
    %swap3A_559 = arith.constant 80 : index
    %swap3A_560 = tpu.vector_load %arg6[%swap3A_558, %swap3A_559] {strides = array<i32>} : memref<16x128xf32, #tpu.memory_space<vmem>>, vector<1x16xf32>,
    %swap3A_561 = vector.shape_cast %swap3A_560 : vector<1x16xf32> to vector<16xf32>
    %swap3A_562 = vector.shape_cast %get3A_502 : vector<16xf32> to vector<1x16xf32>
    tpu.vector_store %arg6[%swap3A_558, %swap3A_559], %swap3A_562 {strides = array<i32>} : memref<16x128xf32, #tpu.memory_space<vmem>>, vector<1x16xf32>,
    %swap3A_563 = arith.constant 10 : i32
    %swap3A_564 = arith.index_cast %swap3A_563 : i32 to index
    %swap3A_565 = arith.constant 80 : index
    %swap3A_566 = tpu.vector_load %arg6[%swap3A_564, %swap3A_565] {strides = array<i32>} : memref<16x128xf32, #tpu.memory_space<vmem>>, vector<1x16xf32>,
    %swap3A_567 = vector.shape_cast %swap3A_566 : vector<1x16xf32> to vector<16xf32>
    %swap3A_568 = vector.shape_cast %get3A_502 : vector<16xf32> to vector<1x16xf32>
    tpu.vector_store %arg6[%swap3A_564, %swap3A_565], %swap3A_568 {strides = array<i32>} : memref<16x128xf32, #tpu.memory_space<vmem>>, vector<1x16xf32>,
    %swap3A_569 = arith.constant 11 : i32
    %swap3A_570 = arith.index_cast %swap3A_569 : i32 to index
    %swap3A_571 = arith.constant 80 : index
    %swap3A_572 = tpu.vector_load %arg6[%swap3A_570, %swap3A_571] {strides = array<i32>} : memref<16x128xf32, #tpu.memory_space<vmem>>, vector<1x16xf32>,
    %swap3A_573 = vector.shape_cast %swap3A_572 : vector<1x16xf32> to vector<16xf32>
    %swap3A_574 = vector.shape_cast %get3A_502 : vector<16xf32> to vector<1x16xf32>
    tpu.vector_store %arg6[%swap3A_570, %swap3A_571], %swap3A_574 {strides = array<i32>} : memref<16x128xf32, #tpu.memory_space<vmem>>, vector<1x16xf32>,
    %swap3A_575 = arith.constant 12 : i32
    %swap3A_576 = arith.index_cast %swap3A_575 : i32 to index
    %swap3A_577 = arith.constant 80 : index
    %swap3A_578 = tpu.vector_load %arg6[%swap3A_576, %swap3A_577] {strides = array<i32>} : memref<16x128xf32, #tpu.memory_space<vmem>>, vector<1x16xf32>,
    %swap3A_579 = vector.shape_cast %swap3A_578 : vector<1x16xf32> to vector<16xf32>
    %swap3A_580 = vector.shape_cast %get3A_502 : vector<16xf32> to vector<1x16xf32>
    tpu.vector_store %arg6[%swap3A_576, %swap3A_577], %swap3A_580 {strides = array<i32>} : memref<16x128xf32, #tpu.memory_space<vmem>>, vector<1x16xf32>,
    %swap3A_581 = arith.constant 13 : i32
    %swap3A_582 = arith.index_cast %swap3A_581 : i32 to index
    %swap3A_583 = arith.constant 80 : index
    %swap3A_584 = tpu.vector_load %arg6[%swap3A_582, %swap3A_583] {strides = array<i32>} : memref<16x128xf32, #tpu.memory_space<vmem>>, vector<1x16xf32>,
    %swap3A_585 = vector.shape_cast %swap3A_584 : vector<1x16xf32> to vector<16xf32>
    %swap3A_586 = vector.shape_cast %get3A_502 : vector<16xf32> to vector<1x16xf32>
    tpu.vector_store %arg6[%swap3A_582, %swap3A_583], %swap3A_586 {strides = array<i32>} : memref<16x128xf32, #tpu.memory_space<vmem>>, vector<1x16xf32>,
    %swap3A_587 = arith.constant 14 : i32
    %swap3A_588 = arith.index_cast %swap3A_587 : i32 to index
    %swap3A_589 = arith.constant 80 : index
    %swap3A_590 = tpu.vector_load %arg6[%swap3A_588, %swap3A_589] {strides = array<i32>} : memref<16x128xf32, #tpu.memory_space<vmem>>, vector<1x16xf32>,
    %swap3A_591 = vector.shape_cast %swap3A_590 : vector<1x16xf32> to vector<16xf32>
    %swap3A_592 = vector.shape_cast %get3A_502 : vector<16xf32> to vector<1x16xf32>
    tpu.vector_store %arg6[%swap3A_588, %swap3A_589], %swap3A_592 {strides = array<i32>} : memref<16x128xf32, #tpu.memory_space<vmem>>, vector<1x16xf32>,
    %swap3A_593 = arith.constant 15 : i32
    %swap3A_594 = arith.index_cast %swap3A_593 : i32 to index
    %swap3A_595 = arith.constant 80 : index
    %swap3A_596 = tpu.vector_load %arg6[%swap3A_594, %swap3A_595] {strides = array<i32>} : memref<16x128xf32, #tpu.memory_space<vmem>>, vector<1x16xf32>,
    %swap3A_597 = vector.shape_cast %swap3A_596 : vector<1x16xf32> to vector<16xf32>
    %swap3A_598 = vector.shape_cast %get3A_502 : vector<16xf32> to vector<1x16xf32>
    tpu.vector_store %arg6[%swap3A_594, %swap3A_595], %swap3A_598 {strides = array<i32>} : memref<16x128xf32, #tpu.memory_space<vmem>>, vector<1x16xf32>,
    %get3A_599 = arith.constant 96 : index
    %get3A_600 = tpu.vector_load %arg5[%get3A_599] {strides = array<i32>} : memref<128xf32, #tpu.memory_space<vmem>>, vector<16xf32>,
    %get3A_601 = vector.shape_cast %get3A_600 : vector<16xf32> to vector<16xf32>
    %swap3A_602 = arith.constant 0 : i32
    %swap3A_603 = arith.index_cast %swap3A_602 : i32 to index
    %swap3A_604 = arith.constant 96 : index
    %swap3A_605 = tpu.vector_load %arg6[%swap3A_603, %swap3A_604] {strides = array<i32>} : memref<16x128xf32, #tpu.memory_space<vmem>>, vector<1x16xf32>,
    %swap3A_606 = vector.shape_cast %swap3A_605 : vector<1x16xf32> to vector<16xf32>
    %swap3A_607 = vector.shape_cast %get3A_601 : vector<16xf32> to vector<1x16xf32>
    tpu.vector_store %arg6[%swap3A_603, %swap3A_604], %swap3A_607 {strides = array<i32>} : memref<16x128xf32, #tpu.memory_space<vmem>>, vector<1x16xf32>,
    %swap3A_608 = arith.constant 1 : i32
    %swap3A_609 = arith.index_cast %swap3A_608 : i32 to index
    %swap3A_610 = arith.constant 96 : index
    %swap3A_611 = tpu.vector_load %arg6[%swap3A_609, %swap3A_610] {strides = array<i32>} : memref<16x128xf32, #tpu.memory_space<vmem>>, vector<1x16xf32>,
    %swap3A_612 = vector.shape_cast %swap3A_611 : vector<1x16xf32> to vector<16xf32>
    %swap3A_613 = vector.shape_cast %get3A_601 : vector<16xf32> to vector<1x16xf32>
    tpu.vector_store %arg6[%swap3A_609, %swap3A_610], %swap3A_613 {strides = array<i32>} : memref<16x128xf32, #tpu.memory_space<vmem>>, vector<1x16xf32>,
    %swap3A_614 = arith.constant 2 : i32
    %swap3A_615 = arith.index_cast %swap3A_614 : i32 to index
    %swap3A_616 = arith.constant 96 : index
    %swap3A_617 = tpu.vector_load %arg6[%swap3A_615, %swap3A_616] {strides = array<i32>} : memref<16x128xf32, #tpu.memory_space<vmem>>, vector<1x16xf32>,
    %swap3A_618 = vector.shape_cast %swap3A_617 : vector<1x16xf32> to vector<16xf32>
    %swap3A_619 = vector.shape_cast %get3A_601 : vector<16xf32> to vector<1x16xf32>
    tpu.vector_store %arg6[%swap3A_615, %swap3A_616], %swap3A_619 {strides = array<i32>} : memref<16x128xf32, #tpu.memory_space<vmem>>, vector<1x16xf32>,
    %swap3A_620 = arith.constant 3 : i32
    %swap3A_621 = arith.index_cast %swap3A_620 : i32 to index
    %swap3A_622 = arith.constant 96 : index
    %swap3A_623 = tpu.vector_load %arg6[%swap3A_621, %swap3A_622] {strides = array<i32>} : memref<16x128xf32, #tpu.memory_space<vmem>>, vector<1x16xf32>,
    %swap3A_624 = vector.shape_cast %swap3A_623 : vector<1x16xf32> to vector<16xf32>
    %swap3A_625 = vector.shape_cast %get3A_601 : vector<16xf32> to vector<1x16xf32>
    tpu.vector_store %arg6[%swap3A_621, %swap3A_622], %swap3A_625 {strides = array<i32>} : memref<16x128xf32, #tpu.memory_space<vmem>>, vector<1x16xf32>,
    %swap3A_626 = arith.constant 4 : i32
    %swap3A_627 = arith.index_cast %swap3A_626 : i32 to index
    %swap3A_628 = arith.constant 96 : index
    %swap3A_629 = tpu.vector_load %arg6[%swap3A_627, %swap3A_628] {strides = array<i32>} : memref<16x128xf32, #tpu.memory_space<vmem>>, vector<1x16xf32>,
    %swap3A_630 = vector.shape_cast %swap3A_629 : vector<1x16xf32> to vector<16xf32>
    %swap3A_631 = vector.shape_cast %get3A_601 : vector<16xf32> to vector<1x16xf32>
    tpu.vector_store %arg6[%swap3A_627, %swap3A_628], %swap3A_631 {strides = array<i32>} : memref<16x128xf32, #tpu.memory_space<vmem>>, vector<1x16xf32>,
    %swap3A_632 = arith.constant 5 : i32
    %swap3A_633 = arith.index_cast %swap3A_632 : i32 to index
    %swap3A_634 = arith.constant 96 : index
    %swap3A_635 = tpu.vector_load %arg6[%swap3A_633, %swap3A_634] {strides = array<i32>} : memref<16x128xf32, #tpu.memory_space<vmem>>, vector<1x16xf32>,
    %swap3A_636 = vector.shape_cast %swap3A_635 : vector<1x16xf32> to vector<16xf32>
    %swap3A_637 = vector.shape_cast %get3A_601 : vector<16xf32> to vector<1x16xf32>
    tpu.vector_store %arg6[%swap3A_633, %swap3A_634], %swap3A_637 {strides = array<i32>} : memref<16x128xf32, #tpu.memory_space<vmem>>, vector<1x16xf32>,
    %swap3A_638 = arith.constant 6 : i32
    %swap3A_639 = arith.index_cast %swap3A_638 : i32 to index
    %swap3A_640 = arith.constant 96 : index
    %swap3A_641 = tpu.vector_load %arg6[%swap3A_639, %swap3A_640] {strides = array<i32>} : memref<16x128xf32, #tpu.memory_space<vmem>>, vector<1x16xf32>,
    %swap3A_642 = vector.shape_cast %swap3A_641 : vector<1x16xf32> to vector<16xf32>
    %swap3A_643 = vector.shape_cast %get3A_601 : vector<16xf32> to vector<1x16xf32>
    tpu.vector_store %arg6[%swap3A_639, %swap3A_640], %swap3A_643 {strides = array<i32>} : memref<16x128xf32, #tpu.memory_space<vmem>>, vector<1x16xf32>,
    %swap3A_644 = arith.constant 7 : i32
    %swap3A_645 = arith.index_cast %swap3A_644 : i32 to index
    %swap3A_646 = arith.constant 96 : index
    %swap3A_647 = tpu.vector_load %arg6[%swap3A_645, %swap3A_646] {strides = array<i32>} : memref<16x128xf32, #tpu.memory_space<vmem>>, vector<1x16xf32>,
    %swap3A_648 = vector.shape_cast %swap3A_647 : vector<1x16xf32> to vector<16xf32>
    %swap3A_649 = vector.shape_cast %get3A_601 : vector<16xf32> to vector<1x16xf32>
    tpu.vector_store %arg6[%swap3A_645, %swap3A_646], %swap3A_649 {strides = array<i32>} : memref<16x128xf32, #tpu.memory_space<vmem>>, vector<1x16xf32>,
    %swap3A_650 = arith.constant 8 : i32
    %swap3A_651 = arith.index_cast %swap3A_650 : i32 to index
    %swap3A_652 = arith.constant 96 : index
    %swap3A_653 = tpu.vector_load %arg6[%swap3A_651, %swap3A_652] {strides = array<i32>} : memref<16x128xf32, #tpu.memory_space<vmem>>, vector<1x16xf32>,
    %swap3A_654 = vector.shape_cast %swap3A_653 : vector<1x16xf32> to vector<16xf32>
    %swap3A_655 = vector.shape_cast %get3A_601 : vector<16xf32> to vector<1x16xf32>
    tpu.vector_store %arg6[%swap3A_651, %swap3A_652], %swap3A_655 {strides = array<i32>} : memref<16x128xf32, #tpu.memory_space<vmem>>, vector<1x16xf32>,
    %swap3A_656 = arith.constant 9 : i32
    %swap3A_657 = arith.index_cast %swap3A_656 : i32 to index
    %swap3A_658 = arith.constant 96 : index
    %swap3A_659 = tpu.vector_load %arg6[%swap3A_657, %swap3A_658] {strides = array<i32>} : memref<16x128xf32, #tpu.memory_space<vmem>>, vector<1x16xf32>,
    %swap3A_660 = vector.shape_cast %swap3A_659 : vector<1x16xf32> to vector<16xf32>
    %swap3A_661 = vector.shape_cast %get3A_601 : vector<16xf32> to vector<1x16xf32>
    tpu.vector_store %arg6[%swap3A_657, %swap3A_658], %swap3A_661 {strides = array<i32>} : memref<16x128xf32, #tpu.memory_space<vmem>>, vector<1x16xf32>,
    %swap3A_662 = arith.constant 10 : i32
    %swap3A_663 = arith.index_cast %swap3A_662 : i32 to index
    %swap3A_664 = arith.constant 96 : index
    %swap3A_665 = tpu.vector_load %arg6[%swap3A_663, %swap3A_664] {strides = array<i32>} : memref<16x128xf32, #tpu.memory_space<vmem>>, vector<1x16xf32>,
    %swap3A_666 = vector.shape_cast %swap3A_665 : vector<1x16xf32> to vector<16xf32>
    %swap3A_667 = vector.shape_cast %get3A_601 : vector<16xf32> to vector<1x16xf32>
    tpu.vector_store %arg6[%swap3A_663, %swap3A_664], %swap3A_667 {strides = array<i32>} : memref<16x128xf32, #tpu.memory_space<vmem>>, vector<1x16xf32>,
    %swap3A_668 = arith.constant 11 : i32
    %swap3A_669 = arith.index_cast %swap3A_668 : i32 to index
    %swap3A_670 = arith.constant 96 : index
    %swap3A_671 = tpu.vector_load %arg6[%swap3A_669, %swap3A_670] {strides = array<i32>} : memref<16x128xf32, #tpu.memory_space<vmem>>, vector<1x16xf32>,
    %swap3A_672 = vector.shape_cast %swap3A_671 : vector<1x16xf32> to vector<16xf32>
    %swap3A_673 = vector.shape_cast %get3A_601 : vector<16xf32> to vector<1x16xf32>
    tpu.vector_store %arg6[%swap3A_669, %swap3A_670], %swap3A_673 {strides = array<i32>} : memref<16x128xf32, #tpu.memory_space<vmem>>, vector<1x16xf32>,
    %swap3A_674 = arith.constant 12 : i32
    %swap3A_675 = arith.index_cast %swap3A_674 : i32 to index
    %swap3A_676 = arith.constant 96 : index
    %swap3A_677 = tpu.vector_load %arg6[%swap3A_675, %swap3A_676] {strides = array<i32>} : memref<16x128xf32, #tpu.memory_space<vmem>>, vector<1x16xf32>,
    %swap3A_678 = vector.shape_cast %swap3A_677 : vector<1x16xf32> to vector<16xf32>
    %swap3A_679 = vector.shape_cast %get3A_601 : vector<16xf32> to vector<1x16xf32>
    tpu.vector_store %arg6[%swap3A_675, %swap3A_676], %swap3A_679 {strides = array<i32>} : memref<16x128xf32, #tpu.memory_space<vmem>>, vector<1x16xf32>,
    %swap3A_680 = arith.constant 13 : i32
    %swap3A_681 = arith.index_cast %swap3A_680 : i32 to index
    %swap3A_682 = arith.constant 96 : index
    %swap3A_683 = tpu.vector_load %arg6[%swap3A_681, %swap3A_682] {strides = array<i32>} : memref<16x128xf32, #tpu.memory_space<vmem>>, vector<1x16xf32>,
    %swap3A_684 = vector.shape_cast %swap3A_683 : vector<1x16xf32> to vector<16xf32>
    %swap3A_685 = vector.shape_cast %get3A_601 : vector<16xf32> to vector<1x16xf32>
    tpu.vector_store %arg6[%swap3A_681, %swap3A_682], %swap3A_685 {strides = array<i32>} : memref<16x128xf32, #tpu.memory_space<vmem>>, vector<1x16xf32>,
    %swap3A_686 = arith.constant 14 : i32
    %swap3A_687 = arith.index_cast %swap3A_686 : i32 to index
    %swap3A_688 = arith.constant 96 : index
    %swap3A_689 = tpu.vector_load %arg6[%swap3A_687, %swap3A_688] {strides = array<i32>} : memref<16x128xf32, #tpu.memory_space<vmem>>, vector<1x16xf32>,
    %swap3A_690 = vector.shape_cast %swap3A_689 : vector<1x16xf32> to vector<16xf32>
    %swap3A_691 = vector.shape_cast %get3A_601 : vector<16xf32> to vector<1x16xf32>
    tpu.vector_store %arg6[%swap3A_687, %swap3A_688], %swap3A_691 {strides = array<i32>} : memref<16x128xf32, #tpu.memory_space<vmem>>, vector<1x16xf32>,
    %swap3A_692 = arith.constant 15 : i32
    %swap3A_693 = arith.index_cast %swap3A_692 : i32 to index
    %swap3A_694 = arith.constant 96 : index
    %swap3A_695 = tpu.vector_load %arg6[%swap3A_693, %swap3A_694] {strides = array<i32>} : memref<16x128xf32, #tpu.memory_space<vmem>>, vector<1x16xf32>,
    %swap3A_696 = vector.shape_cast %swap3A_695 : vector<1x16xf32> to vector<16xf32>
    %swap3A_697 = vector.shape_cast %get3A_601 : vector<16xf32> to vector<1x16xf32>
    tpu.vector_store %arg6[%swap3A_693, %swap3A_694], %swap3A_697 {strides = array<i32>} : memref<16x128xf32, #tpu.memory_space<vmem>>, vector<1x16xf32>,
    %get3A_698 = arith.constant 112 : index
    %get3A_699 = tpu.vector_load %arg5[%get3A_698] {strides = array<i32>} : memref<128xf32, #tpu.memory_space<vmem>>, vector<16xf32>,
    %get3A_700 = vector.shape_cast %get3A_699 : vector<16xf32> to vector<16xf32>
    %swap3A_701 = arith.constant 0 : i32
    %swap3A_702 = arith.index_cast %swap3A_701 : i32 to index
    %swap3A_703 = arith.constant 112 : index
    %swap3A_704 = tpu.vector_load %arg6[%swap3A_702, %swap3A_703] {strides = array<i32>} : memref<16x128xf32, #tpu.memory_space<vmem>>, vector<1x16xf32>,
    %swap3A_705 = vector.shape_cast %swap3A_704 : vector<1x16xf32> to vector<16xf32>
    %swap3A_706 = vector.shape_cast %get3A_700 : vector<16xf32> to vector<1x16xf32>
    tpu.vector_store %arg6[%swap3A_702, %swap3A_703], %swap3A_706 {strides = array<i32>} : memref<16x128xf32, #tpu.memory_space<vmem>>, vector<1x16xf32>,
    %swap3A_707 = arith.constant 1 : i32
    %swap3A_708 = arith.index_cast %swap3A_707 : i32 to index
    %swap3A_709 = arith.constant 112 : index
    %swap3A_710 = tpu.vector_load %arg6[%swap3A_708, %swap3A_709] {strides = array<i32>} : memref<16x128xf32, #tpu.memory_space<vmem>>, vector<1x16xf32>,
    %swap3A_711 = vector.shape_cast %swap3A_710 : vector<1x16xf32> to vector<16xf32>
    %swap3A_712 = vector.shape_cast %get3A_700 : vector<16xf32> to vector<1x16xf32>
    tpu.vector_store %arg6[%swap3A_708, %swap3A_709], %swap3A_712 {strides = array<i32>} : memref<16x128xf32, #tpu.memory_space<vmem>>, vector<1x16xf32>,
    %swap3A_713 = arith.constant 2 : i32
    %swap3A_714 = arith.index_cast %swap3A_713 : i32 to index
    %swap3A_715 = arith.constant 112 : index
    %swap3A_716 = tpu.vector_load %arg6[%swap3A_714, %swap3A_715] {strides = array<i32>} : memref<16x128xf32, #tpu.memory_space<vmem>>, vector<1x16xf32>,
    %swap3A_717 = vector.shape_cast %swap3A_716 : vector<1x16xf32> to vector<16xf32>
    %swap3A_718 = vector.shape_cast %get3A_700 : vector<16xf32> to vector<1x16xf32>
    tpu.vector_store %arg6[%swap3A_714, %swap3A_715], %swap3A_718 {strides = array<i32>} : memref<16x128xf32, #tpu.memory_space<vmem>>, vector<1x16xf32>,
    %swap3A_719 = arith.constant 3 : i32
    %swap3A_720 = arith.index_cast %swap3A_719 : i32 to index
    %swap3A_721 = arith.constant 112 : index
    %swap3A_722 = tpu.vector_load %arg6[%swap3A_720, %swap3A_721] {strides = array<i32>} : memref<16x128xf32, #tpu.memory_space<vmem>>, vector<1x16xf32>,
    %swap3A_723 = vector.shape_cast %swap3A_722 : vector<1x16xf32> to vector<16xf32>
    %swap3A_724 = vector.shape_cast %get3A_700 : vector<16xf32> to vector<1x16xf32>
    tpu.vector_store %arg6[%swap3A_720, %swap3A_721], %swap3A_724 {strides = array<i32>} : memref<16x128xf32, #tpu.memory_space<vmem>>, vector<1x16xf32>,
    %swap3A_725 = arith.constant 4 : i32
    %swap3A_726 = arith.index_cast %swap3A_725 : i32 to index
    %swap3A_727 = arith.constant 112 : index
    %swap3A_728 = tpu.vector_load %arg6[%swap3A_726, %swap3A_727] {strides = array<i32>} : memref<16x128xf32, #tpu.memory_space<vmem>>, vector<1x16xf32>,
    %swap3A_729 = vector.shape_cast %swap3A_728 : vector<1x16xf32> to vector<16xf32>
    %swap3A_730 = vector.shape_cast %get3A_700 : vector<16xf32> to vector<1x16xf32>
    tpu.vector_store %arg6[%swap3A_726, %swap3A_727], %swap3A_730 {strides = array<i32>} : memref<16x128xf32, #tpu.memory_space<vmem>>, vector<1x16xf32>,
    %swap3A_731 = arith.constant 5 : i32
    %swap3A_732 = arith.index_cast %swap3A_731 : i32 to index
    %swap3A_733 = arith.constant 112 : index
    %swap3A_734 = tpu.vector_load %arg6[%swap3A_732, %swap3A_733] {strides = array<i32>} : memref<16x128xf32, #tpu.memory_space<vmem>>, vector<1x16xf32>,
    %swap3A_735 = vector.shape_cast %swap3A_734 : vector<1x16xf32> to vector<16xf32>
    %swap3A_736 = vector.shape_cast %get3A_700 : vector<16xf32> to vector<1x16xf32>
    tpu.vector_store %arg6[%swap3A_732, %swap3A_733], %swap3A_736 {strides = array<i32>} : memref<16x128xf32, #tpu.memory_space<vmem>>, vector<1x16xf32>,
    %swap3A_737 = arith.constant 6 : i32
    %swap3A_738 = arith.index_cast %swap3A_737 : i32 to index
    %swap3A_739 = arith.constant 112 : index
    %swap3A_740 = tpu.vector_load %arg6[%swap3A_738, %swap3A_739] {strides = array<i32>} : memref<16x128xf32, #tpu.memory_space<vmem>>, vector<1x16xf32>,
    %swap3A_741 = vector.shape_cast %swap3A_740 : vector<1x16xf32> to vector<16xf32>
    %swap3A_742 = vector.shape_cast %get3A_700 : vector<16xf32> to vector<1x16xf32>
    tpu.vector_store %arg6[%swap3A_738, %swap3A_739], %swap3A_742 {strides = array<i32>} : memref<16x128xf32, #tpu.memory_space<vmem>>, vector<1x16xf32>,
    %swap3A_743 = arith.constant 7 : i32
    %swap3A_744 = arith.index_cast %swap3A_743 : i32 to index
    %swap3A_745 = arith.constant 112 : index
    %swap3A_746 = tpu.vector_load %arg6[%swap3A_744, %swap3A_745] {strides = array<i32>} : memref<16x128xf32, #tpu.memory_space<vmem>>, vector<1x16xf32>,
    %swap3A_747 = vector.shape_cast %swap3A_746 : vector<1x16xf32> to vector<16xf32>
    %swap3A_748 = vector.shape_cast %get3A_700 : vector<16xf32> to vector<1x16xf32>
    tpu.vector_store %arg6[%swap3A_744, %swap3A_745], %swap3A_748 {strides = array<i32>} : memref<16x128xf32, #tpu.memory_space<vmem>>, vector<1x16xf32>,
    %swap3A_749 = arith.constant 8 : i32
    %swap3A_750 = arith.index_cast %swap3A_749 : i32 to index
    %swap3A_751 = arith.constant 112 : index
    %swap3A_752 = tpu.vector_load %arg6[%swap3A_750, %swap3A_751] {strides = array<i32>} : memref<16x128xf32, #tpu.memory_space<vmem>>, vector<1x16xf32>,
    %swap3A_753 = vector.shape_cast %swap3A_752 : vector<1x16xf32> to vector<16xf32>
    %swap3A_754 = vector.shape_cast %get3A_700 : vector<16xf32> to vector<1x16xf32>
    tpu.vector_store %arg6[%swap3A_750, %swap3A_751], %swap3A_754 {strides = array<i32>} : memref<16x128xf32, #tpu.memory_space<vmem>>, vector<1x16xf32>,
    %swap3A_755 = arith.constant 9 : i32
    %swap3A_756 = arith.index_cast %swap3A_755 : i32 to index
    %swap3A_757 = arith.constant 112 : index
    %swap3A_758 = tpu.vector_load %arg6[%swap3A_756, %swap3A_757] {strides = array<i32>} : memref<16x128xf32, #tpu.memory_space<vmem>>, vector<1x16xf32>,
    %swap3A_759 = vector.shape_cast %swap3A_758 : vector<1x16xf32> to vector<16xf32>
    %swap3A_760 = vector.shape_cast %get3A_700 : vector<16xf32> to vector<1x16xf32>
    tpu.vector_store %arg6[%swap3A_756, %swap3A_757], %swap3A_760 {strides = array<i32>} : memref<16x128xf32, #tpu.memory_space<vmem>>, vector<1x16xf32>,
    %swap3A_761 = arith.constant 10 : i32
    %swap3A_762 = arith.index_cast %swap3A_761 : i32 to index
    %swap3A_763 = arith.constant 112 : index
    %swap3A_764 = tpu.vector_load %arg6[%swap3A_762, %swap3A_763] {strides = array<i32>} : memref<16x128xf32, #tpu.memory_space<vmem>>, vector<1x16xf32>,
    %swap3A_765 = vector.shape_cast %swap3A_764 : vector<1x16xf32> to vector<16xf32>
    %swap3A_766 = vector.shape_cast %get3A_700 : vector<16xf32> to vector<1x16xf32>
    tpu.vector_store %arg6[%swap3A_762, %swap3A_763], %swap3A_766 {strides = array<i32>} : memref<16x128xf32, #tpu.memory_space<vmem>>, vector<1x16xf32>,
    %swap3A_767 = arith.constant 11 : i32
    %swap3A_768 = arith.index_cast %swap3A_767 : i32 to index
    %swap3A_769 = arith.constant 112 : index
    %swap3A_770 = tpu.vector_load %arg6[%swap3A_768, %swap3A_769] {strides = array<i32>} : memref<16x128xf32, #tpu.memory_space<vmem>>, vector<1x16xf32>,
    %swap3A_771 = vector.shape_cast %swap3A_770 : vector<1x16xf32> to vector<16xf32>
    %swap3A_772 = vector.shape_cast %get3A_700 : vector<16xf32> to vector<1x16xf32>
    tpu.vector_store %arg6[%swap3A_768, %swap3A_769], %swap3A_772 {strides = array<i32>} : memref<16x128xf32, #tpu.memory_space<vmem>>, vector<1x16xf32>,
    %swap3A_773 = arith.constant 12 : i32
    %swap3A_774 = arith.index_cast %swap3A_773 : i32 to index
    %swap3A_775 = arith.constant 112 : index
    %swap3A_776 = tpu.vector_load %arg6[%swap3A_774, %swap3A_775] {strides = array<i32>} : memref<16x128xf32, #tpu.memory_space<vmem>>, vector<1x16xf32>,
    %swap3A_777 = vector.shape_cast %swap3A_776 : vector<1x16xf32> to vector<16xf32>
    %swap3A_778 = vector.shape_cast %get3A_700 : vector<16xf32> to vector<1x16xf32>
    tpu.vector_store %arg6[%swap3A_774, %swap3A_775], %swap3A_778 {strides = array<i32>} : memref<16x128xf32, #tpu.memory_space<vmem>>, vector<1x16xf32>,
    %swap3A_779 = arith.constant 13 : i32
    %swap3A_780 = arith.index_cast %swap3A_779 : i32 to index
    %swap3A_781 = arith.constant 112 : index
    %swap3A_782 = tpu.vector_load %arg6[%swap3A_780, %swap3A_781] {strides = array<i32>} : memref<16x128xf32, #tpu.memory_space<vmem>>, vector<1x16xf32>,
    %swap3A_783 = vector.shape_cast %swap3A_782 : vector<1x16xf32> to vector<16xf32>
    %swap3A_784 = vector.shape_cast %get3A_700 : vector<16xf32> to vector<1x16xf32>
    tpu.vector_store %arg6[%swap3A_780, %swap3A_781], %swap3A_784 {strides = array<i32>} : memref<16x128xf32, #tpu.memory_space<vmem>>, vector<1x16xf32>,
    %swap3A_785 = arith.constant 14 : i32
    %swap3A_786 = arith.index_cast %swap3A_785 : i32 to index
    %swap3A_787 = arith.constant 112 : index
    %swap3A_788 = tpu.vector_load %arg6[%swap3A_786, %swap3A_787] {strides = array<i32>} : memref<16x128xf32, #tpu.memory_space<vmem>>, vector<1x16xf32>,
    %swap3A_789 = vector.shape_cast %swap3A_788 : vector<1x16xf32> to vector<16xf32>
    %swap3A_790 = vector.shape_cast %get3A_700 : vector<16xf32> to vector<1x16xf32>
    tpu.vector_store %arg6[%swap3A_786, %swap3A_787], %swap3A_790 {strides = array<i32>} : memref<16x128xf32, #tpu.memory_space<vmem>>, vector<1x16xf32>,
    %swap3A_791 = arith.constant 15 : i32
    %swap3A_792 = arith.index_cast %swap3A_791 : i32 to index
    %swap3A_793 = arith.constant 112 : index
    %swap3A_794 = tpu.vector_load %arg6[%swap3A_792, %swap3A_793] {strides = array<i32>} : memref<16x128xf32, #tpu.memory_space<vmem>>, vector<1x16xf32>,
    %swap3A_795 = vector.shape_cast %swap3A_794 : vector<1x16xf32> to vector<16xf32>
    %swap3A_796 = vector.shape_cast %get3A_700 : vector<16xf32> to vector<1x16xf32>
    tpu.vector_store %arg6[%swap3A_792, %swap3A_793], %swap3A_796 {strides = array<i32>} : memref<16x128xf32, #tpu.memory_space<vmem>>, vector<1x16xf32>,
    %mul3A_797 = arith.constant 16 : i32
    %mul3A_798 = arith.muli %arg1, %mul3A_797 : i32
    %dma_start3A_799 = arith.constant 0 : i32
    %dma_start3A_800 = tpu.memref_slice %arg4[%mul3A_798, %dma_start3A_799] : memref<1024x128xf32, #tpu.memory_space<vmem_shared>> -> memref<16x128xf32, #tpu.memory_space<vmem_shared>>
    %dma_start3A_801 = arith.constant 0 : i32
    %dma_start3A_802 = tpu.memref_slice %arg4[%mul3A_798, %dma_start3A_801] : memref<1024x128xf32, #tpu.memory_space<vmem_shared>> -> memref<16x128xf32, #tpu.memory_space<vmem_shared>>
    tpu.enqueue_dma source(%arg6 : memref<16x128xf32, #tpu.memory_space<vmem>>) target(%dma_start3A_802 : memref<16x128xf32, #tpu.memory_space<vmem_shared>>) target_semaphore(%arg7 : memref<!tpu.dma_semaphore, #tpu.memory_space<semaphore_mem>>)
    %dma_wait3A = arith.constant 0 : i32
    %dma_wait3A_803 = tpu.memref_slice %arg4[%add3A_3, %dma_wait3A] : memref<1024x128xf32, #tpu.memory_space<vmem_shared>> -> memref<32x128xf32, #tpu.memory_space<vmem_shared>>
    %dma_wait3A_804 = arith.constant 0 : i32
    %dma_wait3A_805 = tpu.memref_slice %arg2[%mul3A_0, %dma_wait3A_804] : memref<512x128xf32, #tpu.memory_space<hbm>> -> memref<32x128xf32, #tpu.memory_space<hbm>>
    tpu.wait_dma2 semaphore(%arg7 : memref<!tpu.dma_semaphore, #tpu.memory_space<semaphore_mem>>) src(%dma_wait3A_805 : memref<32x128xf32, #tpu.memory_space<hbm>>) dst(%dma_wait3A_803 : memref<32x128xf32, #tpu.memory_space<vmem_shared>>)
    %dma_wait3A_806 = arith.constant 0 : i32
    %dma_wait3A_807 = tpu.memref_slice %arg4[%mul3A_798, %dma_wait3A_806] : memref<1024x128xf32, #tpu.memory_space<vmem_shared>> -> memref<16x128xf32, #tpu.memory_space<vmem_shared>>
    %dma_wait3A_808 = arith.constant 0 : i32
    %dma_wait3A_809 = tpu.memref_slice %arg4[%mul3A_798, %dma_wait3A_808] : memref<1024x128xf32, #tpu.memory_space<vmem_shared>> -> memref<16x128xf32, #tpu.memory_space<vmem_shared>>
    tpu.wait_dma2 semaphore(%arg7 : memref<!tpu.dma_semaphore, #tpu.memory_space<semaphore_mem>>) src(%arg6 : memref<16x128xf32, #tpu.memory_space<vmem>>) dst(%dma_wait3A_809 : memref<16x128xf32, #tpu.memory_space<vmem_shared>>)
    %run_scoped3A_810 = arith.constant 510 : i32
    "tpu.region"() ({
      %run_scoped3A_1765 = tpu.sem_alloc : memref<!tpu.dma_semaphore, #tpu.memory_space<semaphore_mem>>
      %dma_start3A_1766 = arith.constant 0 : i32
      %dma_start3A_1767 = tpu.memref_slice %arg2[%run_scoped3A_810, %dma_start3A_1766] : memref<512x128xf32, #tpu.memory_space<hbm>> -> memref<1x128xf32, #tpu.memory_space<hbm>>
      %dma_start3A_1768 = tpu.memref_squeeze %dma_start3A_1767 : memref<1x128xf32, #tpu.memory_space<hbm>> -> memref<128xf32, #tpu.memory_space<hbm>>
      %dma_start3A_1769 = arith.constant 0 : i32
      %dma_start3A_1770 = tpu.memref_slice %arg2[%run_scoped3A_810, %dma_start3A_1769] : memref<512x128xf32, #tpu.memory_space<hbm>> -> memref<1x128xf32, #tpu.memory_space<hbm>>
      %dma_start3A_1771 = tpu.memref_squeeze %dma_start3A_1770 : memref<1x128xf32, #tpu.memory_space<hbm>> -> memref<128xf32, #tpu.memory_space<hbm>>
      tpu.enqueue_dma source(%dma_start3A_1771 : memref<128xf32, #tpu.memory_space<hbm>>) target(%arg5 : memref<128xf32, #tpu.memory_space<vmem>>) target_semaphore(%run_scoped3A_1765 : memref<!tpu.dma_semaphore, #tpu.memory_space<semaphore_mem>>)
      %dma_wait3A_1772 = arith.constant 0 : i32
      %dma_wait3A_1773 = tpu.memref_slice %arg2[%run_scoped3A_810, %dma_wait3A_1772] : memref<512x128xf32, #tpu.memory_space<hbm>> -> memref<1x128xf32, #tpu.memory_space<hbm>>
      %dma_wait3A_1774 = tpu.memref_squeeze %dma_wait3A_1773 : memref<1x128xf32, #tpu.memory_space<hbm>> -> memref<128xf32, #tpu.memory_space<hbm>>
      %dma_wait3A_1775 = arith.constant 0 : i32
      %dma_wait3A_1776 = tpu.memref_slice %arg2[%run_scoped3A_810, %dma_wait3A_1775] : memref<512x128xf32, #tpu.memory_space<hbm>> -> memref<1x128xf32, #tpu.memory_space<hbm>>
      %dma_wait3A_1777 = tpu.memref_squeeze %dma_wait3A_1776 : memref<1x128xf32, #tpu.memory_space<hbm>> -> memref<128xf32, #tpu.memory_space<hbm>>
      tpu.wait_dma2 semaphore(%run_scoped3A_1765 : memref<!tpu.dma_semaphore, #tpu.memory_space<semaphore_mem>>) src(%dma_wait3A_1777 : memref<128xf32, #tpu.memory_space<hbm>>) dst(%arg5 : memref<128xf32, #tpu.memory_space<vmem>>)
      tpu.yield
    }) : () -> ()
    %get3A_811 = arith.constant 0 : index
    %get3A_812 = tpu.vector_load %arg5[%get3A_811] {strides = array<i32>} : memref<128xf32, #tpu.memory_space<vmem>>, vector<16xf32>,
    %get3A_813 = vector.shape_cast %get3A_812 : vector<16xf32> to vector<16xf32>
    %swap3A_814 = arith.constant 0 : i32
    %swap3A_815 = arith.index_cast %swap3A_814 : i32 to index
    %swap3A_816 = arith.constant 0 : index
    %swap3A_817 = tpu.vector_load %arg6[%swap3A_815, %swap3A_816] {strides = array<i32>} : memref<16x128xf32, #tpu.memory_space<vmem>>, vector<1x16xf32>,
    %swap3A_818 = vector.shape_cast %swap3A_817 : vector<1x16xf32> to vector<16xf32>
    %swap3A_819 = vector.shape_cast %get3A_813 : vector<16xf32> to vector<1x16xf32>
    tpu.vector_store %arg6[%swap3A_815, %swap3A_816], %swap3A_819 {strides = array<i32>} : memref<16x128xf32, #tpu.memory_space<vmem>>, vector<1x16xf32>,
    %swap3A_820 = arith.constant 1 : i32
    %swap3A_821 = arith.index_cast %swap3A_820 : i32 to index
    %swap3A_822 = arith.constant 0 : index
    %swap3A_823 = tpu.vector_load %arg6[%swap3A_821, %swap3A_822] {strides = array<i32>} : memref<16x128xf32, #tpu.memory_space<vmem>>, vector<1x16xf32>,
    %swap3A_824 = vector.shape_cast %swap3A_823 : vector<1x16xf32> to vector<16xf32>
    %swap3A_825 = vector.shape_cast %get3A_813 : vector<16xf32> to vector<1x16xf32>
    tpu.vector_store %arg6[%swap3A_821, %swap3A_822], %swap3A_825 {strides = array<i32>} : memref<16x128xf32, #tpu.memory_space<vmem>>, vector<1x16xf32>,
    %swap3A_826 = arith.constant 2 : i32
    %swap3A_827 = arith.index_cast %swap3A_826 : i32 to index
    %swap3A_828 = arith.constant 0 : index
    %swap3A_829 = tpu.vector_load %arg6[%swap3A_827, %swap3A_828] {strides = array<i32>} : memref<16x128xf32, #tpu.memory_space<vmem>>, vector<1x16xf32>,
    %swap3A_830 = vector.shape_cast %swap3A_829 : vector<1x16xf32> to vector<16xf32>
    %swap3A_831 = vector.shape_cast %get3A_813 : vector<16xf32> to vector<1x16xf32>
    tpu.vector_store %arg6[%swap3A_827, %swap3A_828], %swap3A_831 {strides = array<i32>} : memref<16x128xf32, #tpu.memory_space<vmem>>, vector<1x16xf32>,
    %swap3A_832 = arith.constant 3 : i32
    %swap3A_833 = arith.index_cast %swap3A_832 : i32 to index
    %swap3A_834 = arith.constant 0 : index
    %swap3A_835 = tpu.vector_load %arg6[%swap3A_833, %swap3A_834] {strides = array<i32>} : memref<16x128xf32, #tpu.memory_space<vmem>>, vector<1x16xf32>,
    %swap3A_836 = vector.shape_cast %swap3A_835 : vector<1x16xf32> to vector<16xf32>
    %swap3A_837 = vector.shape_cast %get3A_813 : vector<16xf32> to vector<1x16xf32>
    tpu.vector_store %arg6[%swap3A_833, %swap3A_834], %swap3A_837 {strides = array<i32>} : memref<16x128xf32, #tpu.memory_space<vmem>>, vector<1x16xf32>,
    %swap3A_838 = arith.constant 4 : i32
    %swap3A_839 = arith.index_cast %swap3A_838 : i32 to index
    %swap3A_840 = arith.constant 0 : index
    %swap3A_841 = tpu.vector_load %arg6[%swap3A_839, %swap3A_840] {strides = array<i32>} : memref<16x128xf32, #tpu.memory_space<vmem>>, vector<1x16xf32>,
    %swap3A_842 = vector.shape_cast %swap3A_841 : vector<1x16xf32> to vector<16xf32>
    %swap3A_843 = vector.shape_cast %get3A_813 : vector<16xf32> to vector<1x16xf32>
    tpu.vector_store %arg6[%swap3A_839, %swap3A_840], %swap3A_843 {strides = array<i32>} : memref<16x128xf32, #tpu.memory_space<vmem>>, vector<1x16xf32>,
    %swap3A_844 = arith.constant 5 : i32
    %swap3A_845 = arith.index_cast %swap3A_844 : i32 to index
    %swap3A_846 = arith.constant 0 : index
    %swap3A_847 = tpu.vector_load %arg6[%swap3A_845, %swap3A_846] {strides = array<i32>} : memref<16x128xf32, #tpu.memory_space<vmem>>, vector<1x16xf32>,
    %swap3A_848 = vector.shape_cast %swap3A_847 : vector<1x16xf32> to vector<16xf32>
    %swap3A_849 = vector.shape_cast %get3A_813 : vector<16xf32> to vector<1x16xf32>
    tpu.vector_store %arg6[%swap3A_845, %swap3A_846], %swap3A_849 {strides = array<i32>} : memref<16x128xf32, #tpu.memory_space<vmem>>, vector<1x16xf32>,
    %swap3A_850 = arith.constant 6 : i32
    %swap3A_851 = arith.index_cast %swap3A_850 : i32 to index
    %swap3A_852 = arith.constant 0 : index
    %swap3A_853 = tpu.vector_load %arg6[%swap3A_851, %swap3A_852] {strides = array<i32>} : memref<16x128xf32, #tpu.memory_space<vmem>>, vector<1x16xf32>,
    %swap3A_854 = vector.shape_cast %swap3A_853 : vector<1x16xf32> to vector<16xf32>
    %swap3A_855 = vector.shape_cast %get3A_813 : vector<16xf32> to vector<1x16xf32>
    tpu.vector_store %arg6[%swap3A_851, %swap3A_852], %swap3A_855 {strides = array<i32>} : memref<16x128xf32, #tpu.memory_space<vmem>>, vector<1x16xf32>,
    %swap3A_856 = arith.constant 7 : i32
    %swap3A_857 = arith.index_cast %swap3A_856 : i32 to index
    %swap3A_858 = arith.constant 0 : index
    %swap3A_859 = tpu.vector_load %arg6[%swap3A_857, %swap3A_858] {strides = array<i32>} : memref<16x128xf32, #tpu.memory_space<vmem>>, vector<1x16xf32>,
    %swap3A_860 = vector.shape_cast %swap3A_859 : vector<1x16xf32> to vector<16xf32>
    %swap3A_861 = vector.shape_cast %get3A_813 : vector<16xf32> to vector<1x16xf32>
    tpu.vector_store %arg6[%swap3A_857, %swap3A_858], %swap3A_861 {strides = array<i32>} : memref<16x128xf32, #tpu.memory_space<vmem>>, vector<1x16xf32>,
    %swap3A_862 = arith.constant 8 : i32
    %swap3A_863 = arith.index_cast %swap3A_862 : i32 to index
    %swap3A_864 = arith.constant 0 : index
    %swap3A_865 = tpu.vector_load %arg6[%swap3A_863, %swap3A_864] {strides = array<i32>} : memref<16x128xf32, #tpu.memory_space<vmem>>, vector<1x16xf32>,
    %swap3A_866 = vector.shape_cast %swap3A_865 : vector<1x16xf32> to vector<16xf32>
    %swap3A_867 = vector.shape_cast %get3A_813 : vector<16xf32> to vector<1x16xf32>
    tpu.vector_store %arg6[%swap3A_863, %swap3A_864], %swap3A_867 {strides = array<i32>} : memref<16x128xf32, #tpu.memory_space<vmem>>, vector<1x16xf32>,
    %swap3A_868 = arith.constant 9 : i32
    %swap3A_869 = arith.index_cast %swap3A_868 : i32 to index
    %swap3A_870 = arith.constant 0 : index
    %swap3A_871 = tpu.vector_load %arg6[%swap3A_869, %swap3A_870] {strides = array<i32>} : memref<16x128xf32, #tpu.memory_space<vmem>>, vector<1x16xf32>,
    %swap3A_872 = vector.shape_cast %swap3A_871 : vector<1x16xf32> to vector<16xf32>
    %swap3A_873 = vector.shape_cast %get3A_813 : vector<16xf32> to vector<1x16xf32>
    tpu.vector_store %arg6[%swap3A_869, %swap3A_870], %swap3A_873 {strides = array<i32>} : memref<16x128xf32, #tpu.memory_space<vmem>>, vector<1x16xf32>,
    %swap3A_874 = arith.constant 10 : i32
    %swap3A_875 = arith.index_cast %swap3A_874 : i32 to index
    %swap3A_876 = arith.constant 0 : index
    %swap3A_877 = tpu.vector_load %arg6[%swap3A_875, %swap3A_876] {strides = array<i32>} : memref<16x128xf32, #tpu.memory_space<vmem>>, vector<1x16xf32>,
    %swap3A_878 = vector.shape_cast %swap3A_877 : vector<1x16xf32> to vector<16xf32>
    %swap3A_879 = vector.shape_cast %get3A_813 : vector<16xf32> to vector<1x16xf32>
    tpu.vector_store %arg6[%swap3A_875, %swap3A_876], %swap3A_879 {strides = array<i32>} : memref<16x128xf32, #tpu.memory_space<vmem>>, vector<1x16xf32>,
    %swap3A_880 = arith.constant 11 : i32
    %swap3A_881 = arith.index_cast %swap3A_880 : i32 to index
    %swap3A_882 = arith.constant 0 : index
    %swap3A_883 = tpu.vector_load %arg6[%swap3A_881, %swap3A_882] {strides = array<i32>} : memref<16x128xf32, #tpu.memory_space<vmem>>, vector<1x16xf32>,
    %swap3A_884 = vector.shape_cast %swap3A_883 : vector<1x16xf32> to vector<16xf32>
    %swap3A_885 = vector.shape_cast %get3A_813 : vector<16xf32> to vector<1x16xf32>
    tpu.vector_store %arg6[%swap3A_881, %swap3A_882], %swap3A_885 {strides = array<i32>} : memref<16x128xf32, #tpu.memory_space<vmem>>, vector<1x16xf32>,
    %swap3A_886 = arith.constant 12 : i32
    %swap3A_887 = arith.index_cast %swap3A_886 : i32 to index
    %swap3A_888 = arith.constant 0 : index
    %swap3A_889 = tpu.vector_load %arg6[%swap3A_887, %swap3A_888] {strides = array<i32>} : memref<16x128xf32, #tpu.memory_space<vmem>>, vector<1x16xf32>,
    %swap3A_890 = vector.shape_cast %swap3A_889 : vector<1x16xf32> to vector<16xf32>
    %swap3A_891 = vector.shape_cast %get3A_813 : vector<16xf32> to vector<1x16xf32>
    tpu.vector_store %arg6[%swap3A_887, %swap3A_888], %swap3A_891 {strides = array<i32>} : memref<16x128xf32, #tpu.memory_space<vmem>>, vector<1x16xf32>,
    %swap3A_892 = arith.constant 13 : i32
    %swap3A_893 = arith.index_cast %swap3A_892 : i32 to index
    %swap3A_894 = arith.constant 0 : index
    %swap3A_895 = tpu.vector_load %arg6[%swap3A_893, %swap3A_894] {strides = array<i32>} : memref<16x128xf32, #tpu.memory_space<vmem>>, vector<1x16xf32>,
    %swap3A_896 = vector.shape_cast %swap3A_895 : vector<1x16xf32> to vector<16xf32>
    %swap3A_897 = vector.shape_cast %get3A_813 : vector<16xf32> to vector<1x16xf32>
    tpu.vector_store %arg6[%swap3A_893, %swap3A_894], %swap3A_897 {strides = array<i32>} : memref<16x128xf32, #tpu.memory_space<vmem>>, vector<1x16xf32>,
    %swap3A_898 = arith.constant 14 : i32
    %swap3A_899 = arith.index_cast %swap3A_898 : i32 to index
    %swap3A_900 = arith.constant 0 : index
    %swap3A_901 = tpu.vector_load %arg6[%swap3A_899, %swap3A_900] {strides = array<i32>} : memref<16x128xf32, #tpu.memory_space<vmem>>, vector<1x16xf32>,
    %swap3A_902 = vector.shape_cast %swap3A_901 : vector<1x16xf32> to vector<16xf32>
    %swap3A_903 = vector.shape_cast %get3A_813 : vector<16xf32> to vector<1x16xf32>
    tpu.vector_store %arg6[%swap3A_899, %swap3A_900], %swap3A_903 {strides = array<i32>} : memref<16x128xf32, #tpu.memory_space<vmem>>, vector<1x16xf32>,
    %swap3A_904 = arith.constant 15 : i32
    %swap3A_905 = arith.index_cast %swap3A_904 : i32 to index
    %swap3A_906 = arith.constant 0 : index
    %swap3A_907 = tpu.vector_load %arg6[%swap3A_905, %swap3A_906] {strides = array<i32>} : memref<16x128xf32, #tpu.memory_space<vmem>>, vector<1x16xf32>,
    %swap3A_908 = vector.shape_cast %swap3A_907 : vector<1x16xf32> to vector<16xf32>
    %swap3A_909 = vector.shape_cast %get3A_813 : vector<16xf32> to vector<1x16xf32>
    tpu.vector_store %arg6[%swap3A_905, %swap3A_906], %swap3A_909 {strides = array<i32>} : memref<16x128xf32, #tpu.memory_space<vmem>>, vector<1x16xf32>,
    %get3A_910 = arith.constant 16 : index
    %get3A_911 = tpu.vector_load %arg5[%get3A_910] {strides = array<i32>} : memref<128xf32, #tpu.memory_space<vmem>>, vector<16xf32>,
    %get3A_912 = vector.shape_cast %get3A_911 : vector<16xf32> to vector<16xf32>
    %swap3A_913 = arith.constant 0 : i32
    %swap3A_914 = arith.index_cast %swap3A_913 : i32 to index
    %swap3A_915 = arith.constant 16 : index
    %swap3A_916 = tpu.vector_load %arg6[%swap3A_914, %swap3A_915] {strides = array<i32>} : memref<16x128xf32, #tpu.memory_space<vmem>>, vector<1x16xf32>,
    %swap3A_917 = vector.shape_cast %swap3A_916 : vector<1x16xf32> to vector<16xf32>
    %swap3A_918 = vector.shape_cast %get3A_912 : vector<16xf32> to vector<1x16xf32>
    tpu.vector_store %arg6[%swap3A_914, %swap3A_915], %swap3A_918 {strides = array<i32>} : memref<16x128xf32, #tpu.memory_space<vmem>>, vector<1x16xf32>,
    %swap3A_919 = arith.constant 1 : i32
    %swap3A_920 = arith.index_cast %swap3A_919 : i32 to index
    %swap3A_921 = arith.constant 16 : index
    %swap3A_922 = tpu.vector_load %arg6[%swap3A_920, %swap3A_921] {strides = array<i32>} : memref<16x128xf32, #tpu.memory_space<vmem>>, vector<1x16xf32>,
    %swap3A_923 = vector.shape_cast %swap3A_922 : vector<1x16xf32> to vector<16xf32>
    %swap3A_924 = vector.shape_cast %get3A_912 : vector<16xf32> to vector<1x16xf32>
    tpu.vector_store %arg6[%swap3A_920, %swap3A_921], %swap3A_924 {strides = array<i32>} : memref<16x128xf32, #tpu.memory_space<vmem>>, vector<1x16xf32>,
    %swap3A_925 = arith.constant 2 : i32
    %swap3A_926 = arith.index_cast %swap3A_925 : i32 to index
    %swap3A_927 = arith.constant 16 : index
    %swap3A_928 = tpu.vector_load %arg6[%swap3A_926, %swap3A_927] {strides = array<i32>} : memref<16x128xf32, #tpu.memory_space<vmem>>, vector<1x16xf32>,
    %swap3A_929 = vector.shape_cast %swap3A_928 : vector<1x16xf32> to vector<16xf32>
    %swap3A_930 = vector.shape_cast %get3A_912 : vector<16xf32> to vector<1x16xf32>
    tpu.vector_store %arg6[%swap3A_926, %swap3A_927], %swap3A_930 {strides = array<i32>} : memref<16x128xf32, #tpu.memory_space<vmem>>, vector<1x16xf32>,
    %swap3A_931 = arith.constant 3 : i32
    %swap3A_932 = arith.index_cast %swap3A_931 : i32 to index
    %swap3A_933 = arith.constant 16 : index
    %swap3A_934 = tpu.vector_load %arg6[%swap3A_932, %swap3A_933] {strides = array<i32>} : memref<16x128xf32, #tpu.memory_space<vmem>>, vector<1x16xf32>,
    %swap3A_935 = vector.shape_cast %swap3A_934 : vector<1x16xf32> to vector<16xf32>
    %swap3A_936 = vector.shape_cast %get3A_912 : vector<16xf32> to vector<1x16xf32>
    tpu.vector_store %arg6[%swap3A_932, %swap3A_933], %swap3A_936 {strides = array<i32>} : memref<16x128xf32, #tpu.memory_space<vmem>>, vector<1x16xf32>,
    %swap3A_937 = arith.constant 4 : i32
    %swap3A_938 = arith.index_cast %swap3A_937 : i32 to index
    %swap3A_939 = arith.constant 16 : index
    %swap3A_940 = tpu.vector_load %arg6[%swap3A_938, %swap3A_939] {strides = array<i32>} : memref<16x128xf32, #tpu.memory_space<vmem>>, vector<1x16xf32>,
    %swap3A_941 = vector.shape_cast %swap3A_940 : vector<1x16xf32> to vector<16xf32>
    %swap3A_942 = vector.shape_cast %get3A_912 : vector<16xf32> to vector<1x16xf32>
    tpu.vector_store %arg6[%swap3A_938, %swap3A_939], %swap3A_942 {strides = array<i32>} : memref<16x128xf32, #tpu.memory_space<vmem>>, vector<1x16xf32>,
    %swap3A_943 = arith.constant 5 : i32
    %swap3A_944 = arith.index_cast %swap3A_943 : i32 to index
    %swap3A_945 = arith.constant 16 : index
    %swap3A_946 = tpu.vector_load %arg6[%swap3A_944, %swap3A_945] {strides = array<i32>} : memref<16x128xf32, #tpu.memory_space<vmem>>, vector<1x16xf32>,
    %swap3A_947 = vector.shape_cast %swap3A_946 : vector<1x16xf32> to vector<16xf32>
    %swap3A_948 = vector.shape_cast %get3A_912 : vector<16xf32> to vector<1x16xf32>
    tpu.vector_store %arg6[%swap3A_944, %swap3A_945], %swap3A_948 {strides = array<i32>} : memref<16x128xf32, #tpu.memory_space<vmem>>, vector<1x16xf32>,
    %swap3A_949 = arith.constant 6 : i32
    %swap3A_950 = arith.index_cast %swap3A_949 : i32 to index
    %swap3A_951 = arith.constant 16 : index
    %swap3A_952 = tpu.vector_load %arg6[%swap3A_950, %swap3A_951] {strides = array<i32>} : memref<16x128xf32, #tpu.memory_space<vmem>>, vector<1x16xf32>,
    %swap3A_953 = vector.shape_cast %swap3A_952 : vector<1x16xf32> to vector<16xf32>
    %swap3A_954 = vector.shape_cast %get3A_912 : vector<16xf32> to vector<1x16xf32>
    tpu.vector_store %arg6[%swap3A_950, %swap3A_951], %swap3A_954 {strides = array<i32>} : memref<16x128xf32, #tpu.memory_space<vmem>>, vector<1x16xf32>,
    %swap3A_955 = arith.constant 7 : i32
    %swap3A_956 = arith.index_cast %swap3A_955 : i32 to index
    %swap3A_957 = arith.constant 16 : index
    %swap3A_958 = tpu.vector_load %arg6[%swap3A_956, %swap3A_957] {strides = array<i32>} : memref<16x128xf32, #tpu.memory_space<vmem>>, vector<1x16xf32>,
    %swap3A_959 = vector.shape_cast %swap3A_958 : vector<1x16xf32> to vector<16xf32>
    %swap3A_960 = vector.shape_cast %get3A_912 : vector<16xf32> to vector<1x16xf32>
    tpu.vector_store %arg6[%swap3A_956, %swap3A_957], %swap3A_960 {strides = array<i32>} : memref<16x128xf32, #tpu.memory_space<vmem>>, vector<1x16xf32>,
    %swap3A_961 = arith.constant 8 : i32
    %swap3A_962 = arith.index_cast %swap3A_961 : i32 to index
    %swap3A_963 = arith.constant 16 : index
    %swap3A_964 = tpu.vector_load %arg6[%swap3A_962, %swap3A_963] {strides = array<i32>} : memref<16x128xf32, #tpu.memory_space<vmem>>, vector<1x16xf32>,
    %swap3A_965 = vector.shape_cast %swap3A_964 : vector<1x16xf32> to vector<16xf32>
    %swap3A_966 = vector.shape_cast %get3A_912 : vector<16xf32> to vector<1x16xf32>
    tpu.vector_store %arg6[%swap3A_962, %swap3A_963], %swap3A_966 {strides = array<i32>} : memref<16x128xf32, #tpu.memory_space<vmem>>, vector<1x16xf32>,
    %swap3A_967 = arith.constant 9 : i32
    %swap3A_968 = arith.index_cast %swap3A_967 : i32 to index
    %swap3A_969 = arith.constant 16 : index
    %swap3A_970 = tpu.vector_load %arg6[%swap3A_968, %swap3A_969] {strides = array<i32>} : memref<16x128xf32, #tpu.memory_space<vmem>>, vector<1x16xf32>,
    %swap3A_971 = vector.shape_cast %swap3A_970 : vector<1x16xf32> to vector<16xf32>
    %swap3A_972 = vector.shape_cast %get3A_912 : vector<16xf32> to vector<1x16xf32>
    tpu.vector_store %arg6[%swap3A_968, %swap3A_969], %swap3A_972 {strides = array<i32>} : memref<16x128xf32, #tpu.memory_space<vmem>>, vector<1x16xf32>,
    %swap3A_973 = arith.constant 10 : i32
    %swap3A_974 = arith.index_cast %swap3A_973 : i32 to index
    %swap3A_975 = arith.constant 16 : index
    %swap3A_976 = tpu.vector_load %arg6[%swap3A_974, %swap3A_975] {strides = array<i32>} : memref<16x128xf32, #tpu.memory_space<vmem>>, vector<1x16xf32>,
    %swap3A_977 = vector.shape_cast %swap3A_976 : vector<1x16xf32> to vector<16xf32>
    %swap3A_978 = vector.shape_cast %get3A_912 : vector<16xf32> to vector<1x16xf32>
    tpu.vector_store %arg6[%swap3A_974, %swap3A_975], %swap3A_978 {strides = array<i32>} : memref<16x128xf32, #tpu.memory_space<vmem>>, vector<1x16xf32>,
    %swap3A_979 = arith.constant 11 : i32
    %swap3A_980 = arith.index_cast %swap3A_979 : i32 to index
    %swap3A_981 = arith.constant 16 : index
    %swap3A_982 = tpu.vector_load %arg6[%swap3A_980, %swap3A_981] {strides = array<i32>} : memref<16x128xf32, #tpu.memory_space<vmem>>, vector<1x16xf32>,
    %swap3A_983 = vector.shape_cast %swap3A_982 : vector<1x16xf32> to vector<16xf32>
    %swap3A_984 = vector.shape_cast %get3A_912 : vector<16xf32> to vector<1x16xf32>
    tpu.vector_store %arg6[%swap3A_980, %swap3A_981], %swap3A_984 {strides = array<i32>} : memref<16x128xf32, #tpu.memory_space<vmem>>, vector<1x16xf32>,
    %swap3A_985 = arith.constant 12 : i32
    %swap3A_986 = arith.index_cast %swap3A_985 : i32 to index
    %swap3A_987 = arith.constant 16 : index
    %swap3A_988 = tpu.vector_load %arg6[%swap3A_986, %swap3A_987] {strides = array<i32>} : memref<16x128xf32, #tpu.memory_space<vmem>>, vector<1x16xf32>,
    %swap3A_989 = vector.shape_cast %swap3A_988 : vector<1x16xf32> to vector<16xf32>
    %swap3A_990 = vector.shape_cast %get3A_912 : vector<16xf32> to vector<1x16xf32>
    tpu.vector_store %arg6[%swap3A_986, %swap3A_987], %swap3A_990 {strides = array<i32>} : memref<16x128xf32, #tpu.memory_space<vmem>>, vector<1x16xf32>,
    %swap3A_991 = arith.constant 13 : i32
    %swap3A_992 = arith.index_cast %swap3A_991 : i32 to index
    %swap3A_993 = arith.constant 16 : index
    %swap3A_994 = tpu.vector_load %arg6[%swap3A_992, %swap3A_993] {strides = array<i32>} : memref<16x128xf32, #tpu.memory_space<vmem>>, vector<1x16xf32>,
    %swap3A_995 = vector.shape_cast %swap3A_994 : vector<1x16xf32> to vector<16xf32>
    %swap3A_996 = vector.shape_cast %get3A_912 : vector<16xf32> to vector<1x16xf32>
    tpu.vector_store %arg6[%swap3A_992, %swap3A_993], %swap3A_996 {strides = array<i32>} : memref<16x128xf32, #tpu.memory_space<vmem>>, vector<1x16xf32>,
    %swap3A_997 = arith.constant 14 : i32
    %swap3A_998 = arith.index_cast %swap3A_997 : i32 to index
    %swap3A_999 = arith.constant 16 : index
    %swap3A_1000 = tpu.vector_load %arg6[%swap3A_998, %swap3A_999] {strides = array<i32>} : memref<16x128xf32, #tpu.memory_space<vmem>>, vector<1x16xf32>,
    %swap3A_1001 = vector.shape_cast %swap3A_1000 : vector<1x16xf32> to vector<16xf32>
    %swap3A_1002 = vector.shape_cast %get3A_912 : vector<16xf32> to vector<1x16xf32>
    tpu.vector_store %arg6[%swap3A_998, %swap3A_999], %swap3A_1002 {strides = array<i32>} : memref<16x128xf32, #tpu.memory_space<vmem>>, vector<1x16xf32>,
    %swap3A_1003 = arith.constant 15 : i32
    %swap3A_1004 = arith.index_cast %swap3A_1003 : i32 to index
    %swap3A_1005 = arith.constant 16 : index
    %swap3A_1006 = tpu.vector_load %arg6[%swap3A_1004, %swap3A_1005] {strides = array<i32>} : memref<16x128xf32, #tpu.memory_space<vmem>>, vector<1x16xf32>,
    %swap3A_1007 = vector.shape_cast %swap3A_1006 : vector<1x16xf32> to vector<16xf32>
    %swap3A_1008 = vector.shape_cast %get3A_912 : vector<16xf32> to vector<1x16xf32>
    tpu.vector_store %arg6[%swap3A_1004, %swap3A_1005], %swap3A_1008 {strides = array<i32>} : memref<16x128xf32, #tpu.memory_space<vmem>>, vector<1x16xf32>,
    %get3A_1009 = arith.constant 32 : index
    %get3A_1010 = tpu.vector_load %arg5[%get3A_1009] {strides = array<i32>} : memref<128xf32, #tpu.memory_space<vmem>>, vector<16xf32>,
    %get3A_1011 = vector.shape_cast %get3A_1010 : vector<16xf32> to vector<16xf32>
    %swap3A_1012 = arith.constant 0 : i32
    %swap3A_1013 = arith.index_cast %swap3A_1012 : i32 to index
    %swap3A_1014 = arith.constant 32 : index
    %swap3A_1015 = tpu.vector_load %arg6[%swap3A_1013, %swap3A_1014] {strides = array<i32>} : memref<16x128xf32, #tpu.memory_space<vmem>>, vector<1x16xf32>,
    %swap3A_1016 = vector.shape_cast %swap3A_1015 : vector<1x16xf32> to vector<16xf32>
    %swap3A_1017 = vector.shape_cast %get3A_1011 : vector<16xf32> to vector<1x16xf32>
    tpu.vector_store %arg6[%swap3A_1013, %swap3A_1014], %swap3A_1017 {strides = array<i32>} : memref<16x128xf32, #tpu.memory_space<vmem>>, vector<1x16xf32>,
    %swap3A_1018 = arith.constant 1 : i32
    %swap3A_1019 = arith.index_cast %swap3A_1018 : i32 to index
    %swap3A_1020 = arith.constant 32 : index
    %swap3A_1021 = tpu.vector_load %arg6[%swap3A_1019, %swap3A_1020] {strides = array<i32>} : memref<16x128xf32, #tpu.memory_space<vmem>>, vector<1x16xf32>,
    %swap3A_1022 = vector.shape_cast %swap3A_1021 : vector<1x16xf32> to vector<16xf32>
    %swap3A_1023 = vector.shape_cast %get3A_1011 : vector<16xf32> to vector<1x16xf32>
    tpu.vector_store %arg6[%swap3A_1019, %swap3A_1020], %swap3A_1023 {strides = array<i32>} : memref<16x128xf32, #tpu.memory_space<vmem>>, vector<1x16xf32>,
    %swap3A_1024 = arith.constant 2 : i32
    %swap3A_1025 = arith.index_cast %swap3A_1024 : i32 to index
    %swap3A_1026 = arith.constant 32 : index
    %swap3A_1027 = tpu.vector_load %arg6[%swap3A_1025, %swap3A_1026] {strides = array<i32>} : memref<16x128xf32, #tpu.memory_space<vmem>>, vector<1x16xf32>,
    %swap3A_1028 = vector.shape_cast %swap3A_1027 : vector<1x16xf32> to vector<16xf32>
    %swap3A_1029 = vector.shape_cast %get3A_1011 : vector<16xf32> to vector<1x16xf32>
    tpu.vector_store %arg6[%swap3A_1025, %swap3A_1026], %swap3A_1029 {strides = array<i32>} : memref<16x128xf32, #tpu.memory_space<vmem>>, vector<1x16xf32>,
    %swap3A_1030 = arith.constant 3 : i32
    %swap3A_1031 = arith.index_cast %swap3A_1030 : i32 to index
    %swap3A_1032 = arith.constant 32 : index
    %swap3A_1033 = tpu.vector_load %arg6[%swap3A_1031, %swap3A_1032] {strides = array<i32>} : memref<16x128xf32, #tpu.memory_space<vmem>>, vector<1x16xf32>,
    %swap3A_1034 = vector.shape_cast %swap3A_1033 : vector<1x16xf32> to vector<16xf32>
    %swap3A_1035 = vector.shape_cast %get3A_1011 : vector<16xf32> to vector<1x16xf32>
    tpu.vector_store %arg6[%swap3A_1031, %swap3A_1032], %swap3A_1035 {strides = array<i32>} : memref<16x128xf32, #tpu.memory_space<vmem>>, vector<1x16xf32>,
    %swap3A_1036 = arith.constant 4 : i32
    %swap3A_1037 = arith.index_cast %swap3A_1036 : i32 to index
    %swap3A_1038 = arith.constant 32 : index
    %swap3A_1039 = tpu.vector_load %arg6[%swap3A_1037, %swap3A_1038] {strides = array<i32>} : memref<16x128xf32, #tpu.memory_space<vmem>>, vector<1x16xf32>,
    %swap3A_1040 = vector.shape_cast %swap3A_1039 : vector<1x16xf32> to vector<16xf32>
    %swap3A_1041 = vector.shape_cast %get3A_1011 : vector<16xf32> to vector<1x16xf32>
    tpu.vector_store %arg6[%swap3A_1037, %swap3A_1038], %swap3A_1041 {strides = array<i32>} : memref<16x128xf32, #tpu.memory_space<vmem>>, vector<1x16xf32>,
    %swap3A_1042 = arith.constant 5 : i32
    %swap3A_1043 = arith.index_cast %swap3A_1042 : i32 to index
    %swap3A_1044 = arith.constant 32 : index
    %swap3A_1045 = tpu.vector_load %arg6[%swap3A_1043, %swap3A_1044] {strides = array<i32>} : memref<16x128xf32, #tpu.memory_space<vmem>>, vector<1x16xf32>,
    %swap3A_1046 = vector.shape_cast %swap3A_1045 : vector<1x16xf32> to vector<16xf32>
    %swap3A_1047 = vector.shape_cast %get3A_1011 : vector<16xf32> to vector<1x16xf32>
    tpu.vector_store %arg6[%swap3A_1043, %swap3A_1044], %swap3A_1047 {strides = array<i32>} : memref<16x128xf32, #tpu.memory_space<vmem>>, vector<1x16xf32>,
    %swap3A_1048 = arith.constant 6 : i32
    %swap3A_1049 = arith.index_cast %swap3A_1048 : i32 to index
    %swap3A_1050 = arith.constant 32 : index
    %swap3A_1051 = tpu.vector_load %arg6[%swap3A_1049, %swap3A_1050] {strides = array<i32>} : memref<16x128xf32, #tpu.memory_space<vmem>>, vector<1x16xf32>,
    %swap3A_1052 = vector.shape_cast %swap3A_1051 : vector<1x16xf32> to vector<16xf32>
    %swap3A_1053 = vector.shape_cast %get3A_1011 : vector<16xf32> to vector<1x16xf32>
    tpu.vector_store %arg6[%swap3A_1049, %swap3A_1050], %swap3A_1053 {strides = array<i32>} : memref<16x128xf32, #tpu.memory_space<vmem>>, vector<1x16xf32>,
    %swap3A_1054 = arith.constant 7 : i32
    %swap3A_1055 = arith.index_cast %swap3A_1054 : i32 to index
    %swap3A_1056 = arith.constant 32 : index
    %swap3A_1057 = tpu.vector_load %arg6[%swap3A_1055, %swap3A_1056] {strides = array<i32>} : memref<16x128xf32, #tpu.memory_space<vmem>>, vector<1x16xf32>,
    %swap3A_1058 = vector.shape_cast %swap3A_1057 : vector<1x16xf32> to vector<16xf32>
    %swap3A_1059 = vector.shape_cast %get3A_1011 : vector<16xf32> to vector<1x16xf32>
    tpu.vector_store %arg6[%swap3A_1055, %swap3A_1056], %swap3A_1059 {strides = array<i32>} : memref<16x128xf32, #tpu.memory_space<vmem>>, vector<1x16xf32>,
    %swap3A_1060 = arith.constant 8 : i32
    %swap3A_1061 = arith.index_cast %swap3A_1060 : i32 to index
    %swap3A_1062 = arith.constant 32 : index
    %swap3A_1063 = tpu.vector_load %arg6[%swap3A_1061, %swap3A_1062] {strides = array<i32>} : memref<16x128xf32, #tpu.memory_space<vmem>>, vector<1x16xf32>,
    %swap3A_1064 = vector.shape_cast %swap3A_1063 : vector<1x16xf32> to vector<16xf32>
    %swap3A_1065 = vector.shape_cast %get3A_1011 : vector<16xf32> to vector<1x16xf32>
    tpu.vector_store %arg6[%swap3A_1061, %swap3A_1062], %swap3A_1065 {strides = array<i32>} : memref<16x128xf32, #tpu.memory_space<vmem>>, vector<1x16xf32>,
    %swap3A_1066 = arith.constant 9 : i32
    %swap3A_1067 = arith.index_cast %swap3A_1066 : i32 to index
    %swap3A_1068 = arith.constant 32 : index
    %swap3A_1069 = tpu.vector_load %arg6[%swap3A_1067, %swap3A_1068] {strides = array<i32>} : memref<16x128xf32, #tpu.memory_space<vmem>>, vector<1x16xf32>,
    %swap3A_1070 = vector.shape_cast %swap3A_1069 : vector<1x16xf32> to vector<16xf32>
    %swap3A_1071 = vector.shape_cast %get3A_1011 : vector<16xf32> to vector<1x16xf32>
    tpu.vector_store %arg6[%swap3A_1067, %swap3A_1068], %swap3A_1071 {strides = array<i32>} : memref<16x128xf32, #tpu.memory_space<vmem>>, vector<1x16xf32>,
    %swap3A_1072 = arith.constant 10 : i32
    %swap3A_1073 = arith.index_cast %swap3A_1072 : i32 to index
    %swap3A_1074 = arith.constant 32 : index
    %swap3A_1075 = tpu.vector_load %arg6[%swap3A_1073, %swap3A_1074] {strides = array<i32>} : memref<16x128xf32, #tpu.memory_space<vmem>>, vector<1x16xf32>,
    %swap3A_1076 = vector.shape_cast %swap3A_1075 : vector<1x16xf32> to vector<16xf32>
    %swap3A_1077 = vector.shape_cast %get3A_1011 : vector<16xf32> to vector<1x16xf32>
    tpu.vector_store %arg6[%swap3A_1073, %swap3A_1074], %swap3A_1077 {strides = array<i32>} : memref<16x128xf32, #tpu.memory_space<vmem>>, vector<1x16xf32>,
    %swap3A_1078 = arith.constant 11 : i32
    %swap3A_1079 = arith.index_cast %swap3A_1078 : i32 to index
    %swap3A_1080 = arith.constant 32 : index
    %swap3A_1081 = tpu.vector_load %arg6[%swap3A_1079, %swap3A_1080] {strides = array<i32>} : memref<16x128xf32, #tpu.memory_space<vmem>>, vector<1x16xf32>,
    %swap3A_1082 = vector.shape_cast %swap3A_1081 : vector<1x16xf32> to vector<16xf32>
    %swap3A_1083 = vector.shape_cast %get3A_1011 : vector<16xf32> to vector<1x16xf32>
    tpu.vector_store %arg6[%swap3A_1079, %swap3A_1080], %swap3A_1083 {strides = array<i32>} : memref<16x128xf32, #tpu.memory_space<vmem>>, vector<1x16xf32>,
    %swap3A_1084 = arith.constant 12 : i32
    %swap3A_1085 = arith.index_cast %swap3A_1084 : i32 to index
    %swap3A_1086 = arith.constant 32 : index
    %swap3A_1087 = tpu.vector_load %arg6[%swap3A_1085, %swap3A_1086] {strides = array<i32>} : memref<16x128xf32, #tpu.memory_space<vmem>>, vector<1x16xf32>,
    %swap3A_1088 = vector.shape_cast %swap3A_1087 : vector<1x16xf32> to vector<16xf32>
    %swap3A_1089 = vector.shape_cast %get3A_1011 : vector<16xf32> to vector<1x16xf32>
    tpu.vector_store %arg6[%swap3A_1085, %swap3A_1086], %swap3A_1089 {strides = array<i32>} : memref<16x128xf32, #tpu.memory_space<vmem>>, vector<1x16xf32>,
    %swap3A_1090 = arith.constant 13 : i32
    %swap3A_1091 = arith.index_cast %swap3A_1090 : i32 to index
    %swap3A_1092 = arith.constant 32 : index
    %swap3A_1093 = tpu.vector_load %arg6[%swap3A_1091, %swap3A_1092] {strides = array<i32>} : memref<16x128xf32, #tpu.memory_space<vmem>>, vector<1x16xf32>,
    %swap3A_1094 = vector.shape_cast %swap3A_1093 : vector<1x16xf32> to vector<16xf32>
    %swap3A_1095 = vector.shape_cast %get3A_1011 : vector<16xf32> to vector<1x16xf32>
    tpu.vector_store %arg6[%swap3A_1091, %swap3A_1092], %swap3A_1095 {strides = array<i32>} : memref<16x128xf32, #tpu.memory_space<vmem>>, vector<1x16xf32>,
    %swap3A_1096 = arith.constant 14 : i32
    %swap3A_1097 = arith.index_cast %swap3A_1096 : i32 to index
    %swap3A_1098 = arith.constant 32 : index
    %swap3A_1099 = tpu.vector_load %arg6[%swap3A_1097, %swap3A_1098] {strides = array<i32>} : memref<16x128xf32, #tpu.memory_space<vmem>>, vector<1x16xf32>,
    %swap3A_1100 = vector.shape_cast %swap3A_1099 : vector<1x16xf32> to vector<16xf32>
    %swap3A_1101 = vector.shape_cast %get3A_1011 : vector<16xf32> to vector<1x16xf32>
    tpu.vector_store %arg6[%swap3A_1097, %swap3A_1098], %swap3A_1101 {strides = array<i32>} : memref<16x128xf32, #tpu.memory_space<vmem>>, vector<1x16xf32>,
    %swap3A_1102 = arith.constant 15 : i32
    %swap3A_1103 = arith.index_cast %swap3A_1102 : i32 to index
    %swap3A_1104 = arith.constant 32 : index
    %swap3A_1105 = tpu.vector_load %arg6[%swap3A_1103, %swap3A_1104] {strides = array<i32>} : memref<16x128xf32, #tpu.memory_space<vmem>>, vector<1x16xf32>,
    %swap3A_1106 = vector.shape_cast %swap3A_1105 : vector<1x16xf32> to vector<16xf32>
    %swap3A_1107 = vector.shape_cast %get3A_1011 : vector<16xf32> to vector<1x16xf32>
    tpu.vector_store %arg6[%swap3A_1103, %swap3A_1104], %swap3A_1107 {strides = array<i32>} : memref<16x128xf32, #tpu.memory_space<vmem>>, vector<1x16xf32>,
    %get3A_1108 = arith.constant 48 : index
    %get3A_1109 = tpu.vector_load %arg5[%get3A_1108] {strides = array<i32>} : memref<128xf32, #tpu.memory_space<vmem>>, vector<16xf32>,
    %get3A_1110 = vector.shape_cast %get3A_1109 : vector<16xf32> to vector<16xf32>
    %swap3A_1111 = arith.constant 0 : i32
    %swap3A_1112 = arith.index_cast %swap3A_1111 : i32 to index
    %swap3A_1113 = arith.constant 48 : index
    %swap3A_1114 = tpu.vector_load %arg6[%swap3A_1112, %swap3A_1113] {strides = array<i32>} : memref<16x128xf32, #tpu.memory_space<vmem>>, vector<1x16xf32>,
    %swap3A_1115 = vector.shape_cast %swap3A_1114 : vector<1x16xf32> to vector<16xf32>
    %swap3A_1116 = vector.shape_cast %get3A_1110 : vector<16xf32> to vector<1x16xf32>
    tpu.vector_store %arg6[%swap3A_1112, %swap3A_1113], %swap3A_1116 {strides = array<i32>} : memref<16x128xf32, #tpu.memory_space<vmem>>, vector<1x16xf32>,
    %swap3A_1117 = arith.constant 1 : i32
    %swap3A_1118 = arith.index_cast %swap3A_1117 : i32 to index
    %swap3A_1119 = arith.constant 48 : index
    %swap3A_1120 = tpu.vector_load %arg6[%swap3A_1118, %swap3A_1119] {strides = array<i32>} : memref<16x128xf32, #tpu.memory_space<vmem>>, vector<1x16xf32>,
    %swap3A_1121 = vector.shape_cast %swap3A_1120 : vector<1x16xf32> to vector<16xf32>
    %swap3A_1122 = vector.shape_cast %get3A_1110 : vector<16xf32> to vector<1x16xf32>
    tpu.vector_store %arg6[%swap3A_1118, %swap3A_1119], %swap3A_1122 {strides = array<i32>} : memref<16x128xf32, #tpu.memory_space<vmem>>, vector<1x16xf32>,
    %swap3A_1123 = arith.constant 2 : i32
    %swap3A_1124 = arith.index_cast %swap3A_1123 : i32 to index
    %swap3A_1125 = arith.constant 48 : index
    %swap3A_1126 = tpu.vector_load %arg6[%swap3A_1124, %swap3A_1125] {strides = array<i32>} : memref<16x128xf32, #tpu.memory_space<vmem>>, vector<1x16xf32>,
    %swap3A_1127 = vector.shape_cast %swap3A_1126 : vector<1x16xf32> to vector<16xf32>
    %swap3A_1128 = vector.shape_cast %get3A_1110 : vector<16xf32> to vector<1x16xf32>
    tpu.vector_store %arg6[%swap3A_1124, %swap3A_1125], %swap3A_1128 {strides = array<i32>} : memref<16x128xf32, #tpu.memory_space<vmem>>, vector<1x16xf32>,
    %swap3A_1129 = arith.constant 3 : i32
    %swap3A_1130 = arith.index_cast %swap3A_1129 : i32 to index
    %swap3A_1131 = arith.constant 48 : index
    %swap3A_1132 = tpu.vector_load %arg6[%swap3A_1130, %swap3A_1131] {strides = array<i32>} : memref<16x128xf32, #tpu.memory_space<vmem>>, vector<1x16xf32>,
    %swap3A_1133 = vector.shape_cast %swap3A_1132 : vector<1x16xf32> to vector<16xf32>
    %swap3A_1134 = vector.shape_cast %get3A_1110 : vector<16xf32> to vector<1x16xf32>
    tpu.vector_store %arg6[%swap3A_1130, %swap3A_1131], %swap3A_1134 {strides = array<i32>} : memref<16x128xf32, #tpu.memory_space<vmem>>, vector<1x16xf32>,
    %swap3A_1135 = arith.constant 4 : i32
    %swap3A_1136 = arith.index_cast %swap3A_1135 : i32 to index
    %swap3A_1137 = arith.constant 48 : index
    %swap3A_1138 = tpu.vector_load %arg6[%swap3A_1136, %swap3A_1137] {strides = array<i32>} : memref<16x128xf32, #tpu.memory_space<vmem>>, vector<1x16xf32>,
    %swap3A_1139 = vector.shape_cast %swap3A_1138 : vector<1x16xf32> to vector<16xf32>
    %swap3A_1140 = vector.shape_cast %get3A_1110 : vector<16xf32> to vector<1x16xf32>
    tpu.vector_store %arg6[%swap3A_1136, %swap3A_1137], %swap3A_1140 {strides = array<i32>} : memref<16x128xf32, #tpu.memory_space<vmem>>, vector<1x16xf32>,
    %swap3A_1141 = arith.constant 5 : i32
    %swap3A_1142 = arith.index_cast %swap3A_1141 : i32 to index
    %swap3A_1143 = arith.constant 48 : index
    %swap3A_1144 = tpu.vector_load %arg6[%swap3A_1142, %swap3A_1143] {strides = array<i32>} : memref<16x128xf32, #tpu.memory_space<vmem>>, vector<1x16xf32>,
    %swap3A_1145 = vector.shape_cast %swap3A_1144 : vector<1x16xf32> to vector<16xf32>
    %swap3A_1146 = vector.shape_cast %get3A_1110 : vector<16xf32> to vector<1x16xf32>
    tpu.vector_store %arg6[%swap3A_1142, %swap3A_1143], %swap3A_1146 {strides = array<i32>} : memref<16x128xf32, #tpu.memory_space<vmem>>, vector<1x16xf32>,
    %swap3A_1147 = arith.constant 6 : i32
    %swap3A_1148 = arith.index_cast %swap3A_1147 : i32 to index
    %swap3A_1149 = arith.constant 48 : index
    %swap3A_1150 = tpu.vector_load %arg6[%swap3A_1148, %swap3A_1149] {strides = array<i32>} : memref<16x128xf32, #tpu.memory_space<vmem>>, vector<1x16xf32>,
    %swap3A_1151 = vector.shape_cast %swap3A_1150 : vector<1x16xf32> to vector<16xf32>
    %swap3A_1152 = vector.shape_cast %get3A_1110 : vector<16xf32> to vector<1x16xf32>
    tpu.vector_store %arg6[%swap3A_1148, %swap3A_1149], %swap3A_1152 {strides = array<i32>} : memref<16x128xf32, #tpu.memory_space<vmem>>, vector<1x16xf32>,
    %swap3A_1153 = arith.constant 7 : i32
    %swap3A_1154 = arith.index_cast %swap3A_1153 : i32 to index
    %swap3A_1155 = arith.constant 48 : index
    %swap3A_1156 = tpu.vector_load %arg6[%swap3A_1154, %swap3A_1155] {strides = array<i32>} : memref<16x128xf32, #tpu.memory_space<vmem>>, vector<1x16xf32>,
    %swap3A_1157 = vector.shape_cast %swap3A_1156 : vector<1x16xf32> to vector<16xf32>
    %swap3A_1158 = vector.shape_cast %get3A_1110 : vector<16xf32> to vector<1x16xf32>
    tpu.vector_store %arg6[%swap3A_1154, %swap3A_1155], %swap3A_1158 {strides = array<i32>} : memref<16x128xf32, #tpu.memory_space<vmem>>, vector<1x16xf32>,
    %swap3A_1159 = arith.constant 8 : i32
    %swap3A_1160 = arith.index_cast %swap3A_1159 : i32 to index
    %swap3A_1161 = arith.constant 48 : index
    %swap3A_1162 = tpu.vector_load %arg6[%swap3A_1160, %swap3A_1161] {strides = array<i32>} : memref<16x128xf32, #tpu.memory_space<vmem>>, vector<1x16xf32>,
    %swap3A_1163 = vector.shape_cast %swap3A_1162 : vector<1x16xf32> to vector<16xf32>
    %swap3A_1164 = vector.shape_cast %get3A_1110 : vector<16xf32> to vector<1x16xf32>
    tpu.vector_store %arg6[%swap3A_1160, %swap3A_1161], %swap3A_1164 {strides = array<i32>} : memref<16x128xf32, #tpu.memory_space<vmem>>, vector<1x16xf32>,
    %swap3A_1165 = arith.constant 9 : i32
    %swap3A_1166 = arith.index_cast %swap3A_1165 : i32 to index
    %swap3A_1167 = arith.constant 48 : index
    %swap3A_1168 = tpu.vector_load %arg6[%swap3A_1166, %swap3A_1167] {strides = array<i32>} : memref<16x128xf32, #tpu.memory_space<vmem>>, vector<1x16xf32>,
    %swap3A_1169 = vector.shape_cast %swap3A_1168 : vector<1x16xf32> to vector<16xf32>
    %swap3A_1170 = vector.shape_cast %get3A_1110 : vector<16xf32> to vector<1x16xf32>
    tpu.vector_store %arg6[%swap3A_1166, %swap3A_1167], %swap3A_1170 {strides = array<i32>} : memref<16x128xf32, #tpu.memory_space<vmem>>, vector<1x16xf32>,
    %swap3A_1171 = arith.constant 10 : i32
    %swap3A_1172 = arith.index_cast %swap3A_1171 : i32 to index
    %swap3A_1173 = arith.constant 48 : index
    %swap3A_1174 = tpu.vector_load %arg6[%swap3A_1172, %swap3A_1173] {strides = array<i32>} : memref<16x128xf32, #tpu.memory_space<vmem>>, vector<1x16xf32>,
    %swap3A_1175 = vector.shape_cast %swap3A_1174 : vector<1x16xf32> to vector<16xf32>
    %swap3A_1176 = vector.shape_cast %get3A_1110 : vector<16xf32> to vector<1x16xf32>
    tpu.vector_store %arg6[%swap3A_1172, %swap3A_1173], %swap3A_1176 {strides = array<i32>} : memref<16x128xf32, #tpu.memory_space<vmem>>, vector<1x16xf32>,
    %swap3A_1177 = arith.constant 11 : i32
    %swap3A_1178 = arith.index_cast %swap3A_1177 : i32 to index
    %swap3A_1179 = arith.constant 48 : index
    %swap3A_1180 = tpu.vector_load %arg6[%swap3A_1178, %swap3A_1179] {strides = array<i32>} : memref<16x128xf32, #tpu.memory_space<vmem>>, vector<1x16xf32>,
    %swap3A_1181 = vector.shape_cast %swap3A_1180 : vector<1x16xf32> to vector<16xf32>
    %swap3A_1182 = vector.shape_cast %get3A_1110 : vector<16xf32> to vector<1x16xf32>
    tpu.vector_store %arg6[%swap3A_1178, %swap3A_1179], %swap3A_1182 {strides = array<i32>} : memref<16x128xf32, #tpu.memory_space<vmem>>, vector<1x16xf32>,
    %swap3A_1183 = arith.constant 12 : i32
    %swap3A_1184 = arith.index_cast %swap3A_1183 : i32 to index
    %swap3A_1185 = arith.constant 48 : index
    %swap3A_1186 = tpu.vector_load %arg6[%swap3A_1184, %swap3A_1185] {strides = array<i32>} : memref<16x128xf32, #tpu.memory_space<vmem>>, vector<1x16xf32>,
    %swap3A_1187 = vector.shape_cast %swap3A_1186 : vector<1x16xf32> to vector<16xf32>
    %swap3A_1188 = vector.shape_cast %get3A_1110 : vector<16xf32> to vector<1x16xf32>
    tpu.vector_store %arg6[%swap3A_1184, %swap3A_1185], %swap3A_1188 {strides = array<i32>} : memref<16x128xf32, #tpu.memory_space<vmem>>, vector<1x16xf32>,
    %swap3A_1189 = arith.constant 13 : i32
    %swap3A_1190 = arith.index_cast %swap3A_1189 : i32 to index
    %swap3A_1191 = arith.constant 48 : index
    %swap3A_1192 = tpu.vector_load %arg6[%swap3A_1190, %swap3A_1191] {strides = array<i32>} : memref<16x128xf32, #tpu.memory_space<vmem>>, vector<1x16xf32>,
    %swap3A_1193 = vector.shape_cast %swap3A_1192 : vector<1x16xf32> to vector<16xf32>
    %swap3A_1194 = vector.shape_cast %get3A_1110 : vector<16xf32> to vector<1x16xf32>
    tpu.vector_store %arg6[%swap3A_1190, %swap3A_1191], %swap3A_1194 {strides = array<i32>} : memref<16x128xf32, #tpu.memory_space<vmem>>, vector<1x16xf32>,
    %swap3A_1195 = arith.constant 14 : i32
    %swap3A_1196 = arith.index_cast %swap3A_1195 : i32 to index
    %swap3A_1197 = arith.constant 48 : index
    %swap3A_1198 = tpu.vector_load %arg6[%swap3A_1196, %swap3A_1197] {strides = array<i32>} : memref<16x128xf32, #tpu.memory_space<vmem>>, vector<1x16xf32>,
    %swap3A_1199 = vector.shape_cast %swap3A_1198 : vector<1x16xf32> to vector<16xf32>
    %swap3A_1200 = vector.shape_cast %get3A_1110 : vector<16xf32> to vector<1x16xf32>
    tpu.vector_store %arg6[%swap3A_1196, %swap3A_1197], %swap3A_1200 {strides = array<i32>} : memref<16x128xf32, #tpu.memory_space<vmem>>, vector<1x16xf32>,
    %swap3A_1201 = arith.constant 15 : i32
    %swap3A_1202 = arith.index_cast %swap3A_1201 : i32 to index
    %swap3A_1203 = arith.constant 48 : index
    %swap3A_1204 = tpu.vector_load %arg6[%swap3A_1202, %swap3A_1203] {strides = array<i32>} : memref<16x128xf32, #tpu.memory_space<vmem>>, vector<1x16xf32>,
    %swap3A_1205 = vector.shape_cast %swap3A_1204 : vector<1x16xf32> to vector<16xf32>
    %swap3A_1206 = vector.shape_cast %get3A_1110 : vector<16xf32> to vector<1x16xf32>
    tpu.vector_store %arg6[%swap3A_1202, %swap3A_1203], %swap3A_1206 {strides = array<i32>} : memref<16x128xf32, #tpu.memory_space<vmem>>, vector<1x16xf32>,
    %get3A_1207 = arith.constant 64 : index
    %get3A_1208 = tpu.vector_load %arg5[%get3A_1207] {strides = array<i32>} : memref<128xf32, #tpu.memory_space<vmem>>, vector<16xf32>,
    %get3A_1209 = vector.shape_cast %get3A_1208 : vector<16xf32> to vector<16xf32>
    %swap3A_1210 = arith.constant 0 : i32
    %swap3A_1211 = arith.index_cast %swap3A_1210 : i32 to index
    %swap3A_1212 = arith.constant 64 : index
    %swap3A_1213 = tpu.vector_load %arg6[%swap3A_1211, %swap3A_1212] {strides = array<i32>} : memref<16x128xf32, #tpu.memory_space<vmem>>, vector<1x16xf32>,
    %swap3A_1214 = vector.shape_cast %swap3A_1213 : vector<1x16xf32> to vector<16xf32>
    %swap3A_1215 = vector.shape_cast %get3A_1209 : vector<16xf32> to vector<1x16xf32>
    tpu.vector_store %arg6[%swap3A_1211, %swap3A_1212], %swap3A_1215 {strides = array<i32>} : memref<16x128xf32, #tpu.memory_space<vmem>>, vector<1x16xf32>,
    %swap3A_1216 = arith.constant 1 : i32
    %swap3A_1217 = arith.index_cast %swap3A_1216 : i32 to index
    %swap3A_1218 = arith.constant 64 : index
    %swap3A_1219 = tpu.vector_load %arg6[%swap3A_1217, %swap3A_1218] {strides = array<i32>} : memref<16x128xf32, #tpu.memory_space<vmem>>, vector<1x16xf32>,
    %swap3A_1220 = vector.shape_cast %swap3A_1219 : vector<1x16xf32> to vector<16xf32>
    %swap3A_1221 = vector.shape_cast %get3A_1209 : vector<16xf32> to vector<1x16xf32>
    tpu.vector_store %arg6[%swap3A_1217, %swap3A_1218], %swap3A_1221 {strides = array<i32>} : memref<16x128xf32, #tpu.memory_space<vmem>>, vector<1x16xf32>,
    %swap3A_1222 = arith.constant 2 : i32
    %swap3A_1223 = arith.index_cast %swap3A_1222 : i32 to index
    %swap3A_1224 = arith.constant 64 : index
    %swap3A_1225 = tpu.vector_load %arg6[%swap3A_1223, %swap3A_1224] {strides = array<i32>} : memref<16x128xf32, #tpu.memory_space<vmem>>, vector<1x16xf32>,
    %swap3A_1226 = vector.shape_cast %swap3A_1225 : vector<1x16xf32> to vector<16xf32>
    %swap3A_1227 = vector.shape_cast %get3A_1209 : vector<16xf32> to vector<1x16xf32>
    tpu.vector_store %arg6[%swap3A_1223, %swap3A_1224], %swap3A_1227 {strides = array<i32>} : memref<16x128xf32, #tpu.memory_space<vmem>>, vector<1x16xf32>,
    %swap3A_1228 = arith.constant 3 : i32
    %swap3A_1229 = arith.index_cast %swap3A_1228 : i32 to index
    %swap3A_1230 = arith.constant 64 : index
    %swap3A_1231 = tpu.vector_load %arg6[%swap3A_1229, %swap3A_1230] {strides = array<i32>} : memref<16x128xf32, #tpu.memory_space<vmem>>, vector<1x16xf32>,
    %swap3A_1232 = vector.shape_cast %swap3A_1231 : vector<1x16xf32> to vector<16xf32>
    %swap3A_1233 = vector.shape_cast %get3A_1209 : vector<16xf32> to vector<1x16xf32>
    tpu.vector_store %arg6[%swap3A_1229, %swap3A_1230], %swap3A_1233 {strides = array<i32>} : memref<16x128xf32, #tpu.memory_space<vmem>>, vector<1x16xf32>,
    %swap3A_1234 = arith.constant 4 : i32
    %swap3A_1235 = arith.index_cast %swap3A_1234 : i32 to index
    %swap3A_1236 = arith.constant 64 : index
    %swap3A_1237 = tpu.vector_load %arg6[%swap3A_1235, %swap3A_1236] {strides = array<i32>} : memref<16x128xf32, #tpu.memory_space<vmem>>, vector<1x16xf32>,
    %swap3A_1238 = vector.shape_cast %swap3A_1237 : vector<1x16xf32> to vector<16xf32>
    %swap3A_1239 = vector.shape_cast %get3A_1209 : vector<16xf32> to vector<1x16xf32>
    tpu.vector_store %arg6[%swap3A_1235, %swap3A_1236], %swap3A_1239 {strides = array<i32>} : memref<16x128xf32, #tpu.memory_space<vmem>>, vector<1x16xf32>,
    %swap3A_1240 = arith.constant 5 : i32
    %swap3A_1241 = arith.index_cast %swap3A_1240 : i32 to index
    %swap3A_1242 = arith.constant 64 : index
    %swap3A_1243 = tpu.vector_load %arg6[%swap3A_1241, %swap3A_1242] {strides = array<i32>} : memref<16x128xf32, #tpu.memory_space<vmem>>, vector<1x16xf32>,
    %swap3A_1244 = vector.shape_cast %swap3A_1243 : vector<1x16xf32> to vector<16xf32>
    %swap3A_1245 = vector.shape_cast %get3A_1209 : vector<16xf32> to vector<1x16xf32>
    tpu.vector_store %arg6[%swap3A_1241, %swap3A_1242], %swap3A_1245 {strides = array<i32>} : memref<16x128xf32, #tpu.memory_space<vmem>>, vector<1x16xf32>,
    %swap3A_1246 = arith.constant 6 : i32
    %swap3A_1247 = arith.index_cast %swap3A_1246 : i32 to index
    %swap3A_1248 = arith.constant 64 : index
    %swap3A_1249 = tpu.vector_load %arg6[%swap3A_1247, %swap3A_1248] {strides = array<i32>} : memref<16x128xf32, #tpu.memory_space<vmem>>, vector<1x16xf32>,
    %swap3A_1250 = vector.shape_cast %swap3A_1249 : vector<1x16xf32> to vector<16xf32>
    %swap3A_1251 = vector.shape_cast %get3A_1209 : vector<16xf32> to vector<1x16xf32>
    tpu.vector_store %arg6[%swap3A_1247, %swap3A_1248], %swap3A_1251 {strides = array<i32>} : memref<16x128xf32, #tpu.memory_space<vmem>>, vector<1x16xf32>,
    %swap3A_1252 = arith.constant 7 : i32
    %swap3A_1253 = arith.index_cast %swap3A_1252 : i32 to index
    %swap3A_1254 = arith.constant 64 : index
    %swap3A_1255 = tpu.vector_load %arg6[%swap3A_1253, %swap3A_1254] {strides = array<i32>} : memref<16x128xf32, #tpu.memory_space<vmem>>, vector<1x16xf32>,
    %swap3A_1256 = vector.shape_cast %swap3A_1255 : vector<1x16xf32> to vector<16xf32>
    %swap3A_1257 = vector.shape_cast %get3A_1209 : vector<16xf32> to vector<1x16xf32>
    tpu.vector_store %arg6[%swap3A_1253, %swap3A_1254], %swap3A_1257 {strides = array<i32>} : memref<16x128xf32, #tpu.memory_space<vmem>>, vector<1x16xf32>,
    %swap3A_1258 = arith.constant 8 : i32
    %swap3A_1259 = arith.index_cast %swap3A_1258 : i32 to index
    %swap3A_1260 = arith.constant 64 : index
    %swap3A_1261 = tpu.vector_load %arg6[%swap3A_1259, %swap3A_1260] {strides = array<i32>} : memref<16x128xf32, #tpu.memory_space<vmem>>, vector<1x16xf32>,
    %swap3A_1262 = vector.shape_cast %swap3A_1261 : vector<1x16xf32> to vector<16xf32>
    %swap3A_1263 = vector.shape_cast %get3A_1209 : vector<16xf32> to vector<1x16xf32>
    tpu.vector_store %arg6[%swap3A_1259, %swap3A_1260], %swap3A_1263 {strides = array<i32>} : memref<16x128xf32, #tpu.memory_space<vmem>>, vector<1x16xf32>,
    %swap3A_1264 = arith.constant 9 : i32
    %swap3A_1265 = arith.index_cast %swap3A_1264 : i32 to index
    %swap3A_1266 = arith.constant 64 : index
    %swap3A_1267 = tpu.vector_load %arg6[%swap3A_1265, %swap3A_1266] {strides = array<i32>} : memref<16x128xf32, #tpu.memory_space<vmem>>, vector<1x16xf32>,
    %swap3A_1268 = vector.shape_cast %swap3A_1267 : vector<1x16xf32> to vector<16xf32>
    %swap3A_1269 = vector.shape_cast %get3A_1209 : vector<16xf32> to vector<1x16xf32>
    tpu.vector_store %arg6[%swap3A_1265, %swap3A_1266], %swap3A_1269 {strides = array<i32>} : memref<16x128xf32, #tpu.memory_space<vmem>>, vector<1x16xf32>,
    %swap3A_1270 = arith.constant 10 : i32
    %swap3A_1271 = arith.index_cast %swap3A_1270 : i32 to index
    %swap3A_1272 = arith.constant 64 : index
    %swap3A_1273 = tpu.vector_load %arg6[%swap3A_1271, %swap3A_1272] {strides = array<i32>} : memref<16x128xf32, #tpu.memory_space<vmem>>, vector<1x16xf32>,
    %swap3A_1274 = vector.shape_cast %swap3A_1273 : vector<1x16xf32> to vector<16xf32>
    %swap3A_1275 = vector.shape_cast %get3A_1209 : vector<16xf32> to vector<1x16xf32>
    tpu.vector_store %arg6[%swap3A_1271, %swap3A_1272], %swap3A_1275 {strides = array<i32>} : memref<16x128xf32, #tpu.memory_space<vmem>>, vector<1x16xf32>,
    %swap3A_1276 = arith.constant 11 : i32
    %swap3A_1277 = arith.index_cast %swap3A_1276 : i32 to index
    %swap3A_1278 = arith.constant 64 : index
    %swap3A_1279 = tpu.vector_load %arg6[%swap3A_1277, %swap3A_1278] {strides = array<i32>} : memref<16x128xf32, #tpu.memory_space<vmem>>, vector<1x16xf32>,
    %swap3A_1280 = vector.shape_cast %swap3A_1279 : vector<1x16xf32> to vector<16xf32>
    %swap3A_1281 = vector.shape_cast %get3A_1209 : vector<16xf32> to vector<1x16xf32>
    tpu.vector_store %arg6[%swap3A_1277, %swap3A_1278], %swap3A_1281 {strides = array<i32>} : memref<16x128xf32, #tpu.memory_space<vmem>>, vector<1x16xf32>,
    %swap3A_1282 = arith.constant 12 : i32
    %swap3A_1283 = arith.index_cast %swap3A_1282 : i32 to index
    %swap3A_1284 = arith.constant 64 : index
    %swap3A_1285 = tpu.vector_load %arg6[%swap3A_1283, %swap3A_1284] {strides = array<i32>} : memref<16x128xf32, #tpu.memory_space<vmem>>, vector<1x16xf32>,
    %swap3A_1286 = vector.shape_cast %swap3A_1285 : vector<1x16xf32> to vector<16xf32>
    %swap3A_1287 = vector.shape_cast %get3A_1209 : vector<16xf32> to vector<1x16xf32>
    tpu.vector_store %arg6[%swap3A_1283, %swap3A_1284], %swap3A_1287 {strides = array<i32>} : memref<16x128xf32, #tpu.memory_space<vmem>>, vector<1x16xf32>,
    %swap3A_1288 = arith.constant 13 : i32
    %swap3A_1289 = arith.index_cast %swap3A_1288 : i32 to index
    %swap3A_1290 = arith.constant 64 : index
    %swap3A_1291 = tpu.vector_load %arg6[%swap3A_1289, %swap3A_1290] {strides = array<i32>} : memref<16x128xf32, #tpu.memory_space<vmem>>, vector<1x16xf32>,
    %swap3A_1292 = vector.shape_cast %swap3A_1291 : vector<1x16xf32> to vector<16xf32>
    %swap3A_1293 = vector.shape_cast %get3A_1209 : vector<16xf32> to vector<1x16xf32>
    tpu.vector_store %arg6[%swap3A_1289, %swap3A_1290], %swap3A_1293 {strides = array<i32>} : memref<16x128xf32, #tpu.memory_space<vmem>>, vector<1x16xf32>,
    %swap3A_1294 = arith.constant 14 : i32
    %swap3A_1295 = arith.index_cast %swap3A_1294 : i32 to index
    %swap3A_1296 = arith.constant 64 : index
    %swap3A_1297 = tpu.vector_load %arg6[%swap3A_1295, %swap3A_1296] {strides = array<i32>} : memref<16x128xf32, #tpu.memory_space<vmem>>, vector<1x16xf32>,
    %swap3A_1298 = vector.shape_cast %swap3A_1297 : vector<1x16xf32> to vector<16xf32>
    %swap3A_1299 = vector.shape_cast %get3A_1209 : vector<16xf32> to vector<1x16xf32>
    tpu.vector_store %arg6[%swap3A_1295, %swap3A_1296], %swap3A_1299 {strides = array<i32>} : memref<16x128xf32, #tpu.memory_space<vmem>>, vector<1x16xf32>,
    %swap3A_1300 = arith.constant 15 : i32
    %swap3A_1301 = arith.index_cast %swap3A_1300 : i32 to index
    %swap3A_1302 = arith.constant 64 : index
    %swap3A_1303 = tpu.vector_load %arg6[%swap3A_1301, %swap3A_1302] {strides = array<i32>} : memref<16x128xf32, #tpu.memory_space<vmem>>, vector<1x16xf32>,
    %swap3A_1304 = vector.shape_cast %swap3A_1303 : vector<1x16xf32> to vector<16xf32>
    %swap3A_1305 = vector.shape_cast %get3A_1209 : vector<16xf32> to vector<1x16xf32>
    tpu.vector_store %arg6[%swap3A_1301, %swap3A_1302], %swap3A_1305 {strides = array<i32>} : memref<16x128xf32, #tpu.memory_space<vmem>>, vector<1x16xf32>,
    %get3A_1306 = arith.constant 80 : index
    %get3A_1307 = tpu.vector_load %arg5[%get3A_1306] {strides = array<i32>} : memref<128xf32, #tpu.memory_space<vmem>>, vector<16xf32>,
    %get3A_1308 = vector.shape_cast %get3A_1307 : vector<16xf32> to vector<16xf32>
    %swap3A_1309 = arith.constant 0 : i32
    %swap3A_1310 = arith.index_cast %swap3A_1309 : i32 to index
    %swap3A_1311 = arith.constant 80 : index
    %swap3A_1312 = tpu.vector_load %arg6[%swap3A_1310, %swap3A_1311] {strides = array<i32>} : memref<16x128xf32, #tpu.memory_space<vmem>>, vector<1x16xf32>,
    %swap3A_1313 = vector.shape_cast %swap3A_1312 : vector<1x16xf32> to vector<16xf32>
    %swap3A_1314 = vector.shape_cast %get3A_1308 : vector<16xf32> to vector<1x16xf32>
    tpu.vector_store %arg6[%swap3A_1310, %swap3A_1311], %swap3A_1314 {strides = array<i32>} : memref<16x128xf32, #tpu.memory_space<vmem>>, vector<1x16xf32>,
    %swap3A_1315 = arith.constant 1 : i32
    %swap3A_1316 = arith.index_cast %swap3A_1315 : i32 to index
    %swap3A_1317 = arith.constant 80 : index
    %swap3A_1318 = tpu.vector_load %arg6[%swap3A_1316, %swap3A_1317] {strides = array<i32>} : memref<16x128xf32, #tpu.memory_space<vmem>>, vector<1x16xf32>,
    %swap3A_1319 = vector.shape_cast %swap3A_1318 : vector<1x16xf32> to vector<16xf32>
    %swap3A_1320 = vector.shape_cast %get3A_1308 : vector<16xf32> to vector<1x16xf32>
    tpu.vector_store %arg6[%swap3A_1316, %swap3A_1317], %swap3A_1320 {strides = array<i32>} : memref<16x128xf32, #tpu.memory_space<vmem>>, vector<1x16xf32>,
    %swap3A_1321 = arith.constant 2 : i32
    %swap3A_1322 = arith.index_cast %swap3A_1321 : i32 to index
    %swap3A_1323 = arith.constant 80 : index
    %swap3A_1324 = tpu.vector_load %arg6[%swap3A_1322, %swap3A_1323] {strides = array<i32>} : memref<16x128xf32, #tpu.memory_space<vmem>>, vector<1x16xf32>,
    %swap3A_1325 = vector.shape_cast %swap3A_1324 : vector<1x16xf32> to vector<16xf32>
    %swap3A_1326 = vector.shape_cast %get3A_1308 : vector<16xf32> to vector<1x16xf32>
    tpu.vector_store %arg6[%swap3A_1322, %swap3A_1323], %swap3A_1326 {strides = array<i32>} : memref<16x128xf32, #tpu.memory_space<vmem>>, vector<1x16xf32>,
    %swap3A_1327 = arith.constant 3 : i32
    %swap3A_1328 = arith.index_cast %swap3A_1327 : i32 to index
    %swap3A_1329 = arith.constant 80 : index
    %swap3A_1330 = tpu.vector_load %arg6[%swap3A_1328, %swap3A_1329] {strides = array<i32>} : memref<16x128xf32, #tpu.memory_space<vmem>>, vector<1x16xf32>,
    %swap3A_1331 = vector.shape_cast %swap3A_1330 : vector<1x16xf32> to vector<16xf32>
    %swap3A_1332 = vector.shape_cast %get3A_1308 : vector<16xf32> to vector<1x16xf32>
    tpu.vector_store %arg6[%swap3A_1328, %swap3A_1329], %swap3A_1332 {strides = array<i32>} : memref<16x128xf32, #tpu.memory_space<vmem>>, vector<1x16xf32>,
    %swap3A_1333 = arith.constant 4 : i32
    %swap3A_1334 = arith.index_cast %swap3A_1333 : i32 to index
    %swap3A_1335 = arith.constant 80 : index
    %swap3A_1336 = tpu.vector_load %arg6[%swap3A_1334, %swap3A_1335] {strides = array<i32>} : memref<16x128xf32, #tpu.memory_space<vmem>>, vector<1x16xf32>,
    %swap3A_1337 = vector.shape_cast %swap3A_1336 : vector<1x16xf32> to vector<16xf32>
    %swap3A_1338 = vector.shape_cast %get3A_1308 : vector<16xf32> to vector<1x16xf32>
    tpu.vector_store %arg6[%swap3A_1334, %swap3A_1335], %swap3A_1338 {strides = array<i32>} : memref<16x128xf32, #tpu.memory_space<vmem>>, vector<1x16xf32>,
    %swap3A_1339 = arith.constant 5 : i32
    %swap3A_1340 = arith.index_cast %swap3A_1339 : i32 to index
    %swap3A_1341 = arith.constant 80 : index
    %swap3A_1342 = tpu.vector_load %arg6[%swap3A_1340, %swap3A_1341] {strides = array<i32>} : memref<16x128xf32, #tpu.memory_space<vmem>>, vector<1x16xf32>,
    %swap3A_1343 = vector.shape_cast %swap3A_1342 : vector<1x16xf32> to vector<16xf32>
    %swap3A_1344 = vector.shape_cast %get3A_1308 : vector<16xf32> to vector<1x16xf32>
    tpu.vector_store %arg6[%swap3A_1340, %swap3A_1341], %swap3A_1344 {strides = array<i32>} : memref<16x128xf32, #tpu.memory_space<vmem>>, vector<1x16xf32>,
    %swap3A_1345 = arith.constant 6 : i32
    %swap3A_1346 = arith.index_cast %swap3A_1345 : i32 to index
    %swap3A_1347 = arith.constant 80 : index
    %swap3A_1348 = tpu.vector_load %arg6[%swap3A_1346, %swap3A_1347] {strides = array<i32>} : memref<16x128xf32, #tpu.memory_space<vmem>>, vector<1x16xf32>,
    %swap3A_1349 = vector.shape_cast %swap3A_1348 : vector<1x16xf32> to vector<16xf32>
    %swap3A_1350 = vector.shape_cast %get3A_1308 : vector<16xf32> to vector<1x16xf32>
    tpu.vector_store %arg6[%swap3A_1346, %swap3A_1347], %swap3A_1350 {strides = array<i32>} : memref<16x128xf32, #tpu.memory_space<vmem>>, vector<1x16xf32>,
    %swap3A_1351 = arith.constant 7 : i32
    %swap3A_1352 = arith.index_cast %swap3A_1351 : i32 to index
    %swap3A_1353 = arith.constant 80 : index
    %swap3A_1354 = tpu.vector_load %arg6[%swap3A_1352, %swap3A_1353] {strides = array<i32>} : memref<16x128xf32, #tpu.memory_space<vmem>>, vector<1x16xf32>,
    %swap3A_1355 = vector.shape_cast %swap3A_1354 : vector<1x16xf32> to vector<16xf32>
    %swap3A_1356 = vector.shape_cast %get3A_1308 : vector<16xf32> to vector<1x16xf32>
    tpu.vector_store %arg6[%swap3A_1352, %swap3A_1353], %swap3A_1356 {strides = array<i32>} : memref<16x128xf32, #tpu.memory_space<vmem>>, vector<1x16xf32>,
    %swap3A_1357 = arith.constant 8 : i32
    %swap3A_1358 = arith.index_cast %swap3A_1357 : i32 to index
    %swap3A_1359 = arith.constant 80 : index
    %swap3A_1360 = tpu.vector_load %arg6[%swap3A_1358, %swap3A_1359] {strides = array<i32>} : memref<16x128xf32, #tpu.memory_space<vmem>>, vector<1x16xf32>,
    %swap3A_1361 = vector.shape_cast %swap3A_1360 : vector<1x16xf32> to vector<16xf32>
    %swap3A_1362 = vector.shape_cast %get3A_1308 : vector<16xf32> to vector<1x16xf32>
    tpu.vector_store %arg6[%swap3A_1358, %swap3A_1359], %swap3A_1362 {strides = array<i32>} : memref<16x128xf32, #tpu.memory_space<vmem>>, vector<1x16xf32>,
    %swap3A_1363 = arith.constant 9 : i32
    %swap3A_1364 = arith.index_cast %swap3A_1363 : i32 to index
    %swap3A_1365 = arith.constant 80 : index
    %swap3A_1366 = tpu.vector_load %arg6[%swap3A_1364, %swap3A_1365] {strides = array<i32>} : memref<16x128xf32, #tpu.memory_space<vmem>>, vector<1x16xf32>,
    %swap3A_1367 = vector.shape_cast %swap3A_1366 : vector<1x16xf32> to vector<16xf32>
    %swap3A_1368 = vector.shape_cast %get3A_1308 : vector<16xf32> to vector<1x16xf32>
    tpu.vector_store %arg6[%swap3A_1364, %swap3A_1365], %swap3A_1368 {strides = array<i32>} : memref<16x128xf32, #tpu.memory_space<vmem>>, vector<1x16xf32>,
    %swap3A_1369 = arith.constant 10 : i32
    %swap3A_1370 = arith.index_cast %swap3A_1369 : i32 to index
    %swap3A_1371 = arith.constant 80 : index
    %swap3A_1372 = tpu.vector_load %arg6[%swap3A_1370, %swap3A_1371] {strides = array<i32>} : memref<16x128xf32, #tpu.memory_space<vmem>>, vector<1x16xf32>,
    %swap3A_1373 = vector.shape_cast %swap3A_1372 : vector<1x16xf32> to vector<16xf32>
    %swap3A_1374 = vector.shape_cast %get3A_1308 : vector<16xf32> to vector<1x16xf32>
    tpu.vector_store %arg6[%swap3A_1370, %swap3A_1371], %swap3A_1374 {strides = array<i32>} : memref<16x128xf32, #tpu.memory_space<vmem>>, vector<1x16xf32>,
    %swap3A_1375 = arith.constant 11 : i32
    %swap3A_1376 = arith.index_cast %swap3A_1375 : i32 to index
    %swap3A_1377 = arith.constant 80 : index
    %swap3A_1378 = tpu.vector_load %arg6[%swap3A_1376, %swap3A_1377] {strides = array<i32>} : memref<16x128xf32, #tpu.memory_space<vmem>>, vector<1x16xf32>,
    %swap3A_1379 = vector.shape_cast %swap3A_1378 : vector<1x16xf32> to vector<16xf32>
    %swap3A_1380 = vector.shape_cast %get3A_1308 : vector<16xf32> to vector<1x16xf32>
    tpu.vector_store %arg6[%swap3A_1376, %swap3A_1377], %swap3A_1380 {strides = array<i32>} : memref<16x128xf32, #tpu.memory_space<vmem>>, vector<1x16xf32>,
    %swap3A_1381 = arith.constant 12 : i32
    %swap3A_1382 = arith.index_cast %swap3A_1381 : i32 to index
    %swap3A_1383 = arith.constant 80 : index
    %swap3A_1384 = tpu.vector_load %arg6[%swap3A_1382, %swap3A_1383] {strides = array<i32>} : memref<16x128xf32, #tpu.memory_space<vmem>>, vector<1x16xf32>,
    %swap3A_1385 = vector.shape_cast %swap3A_1384 : vector<1x16xf32> to vector<16xf32>
    %swap3A_1386 = vector.shape_cast %get3A_1308 : vector<16xf32> to vector<1x16xf32>
    tpu.vector_store %arg6[%swap3A_1382, %swap3A_1383], %swap3A_1386 {strides = array<i32>} : memref<16x128xf32, #tpu.memory_space<vmem>>, vector<1x16xf32>,
    %swap3A_1387 = arith.constant 13 : i32
    %swap3A_1388 = arith.index_cast %swap3A_1387 : i32 to index
    %swap3A_1389 = arith.constant 80 : index
    %swap3A_1390 = tpu.vector_load %arg6[%swap3A_1388, %swap3A_1389] {strides = array<i32>} : memref<16x128xf32, #tpu.memory_space<vmem>>, vector<1x16xf32>,
    %swap3A_1391 = vector.shape_cast %swap3A_1390 : vector<1x16xf32> to vector<16xf32>
    %swap3A_1392 = vector.shape_cast %get3A_1308 : vector<16xf32> to vector<1x16xf32>
    tpu.vector_store %arg6[%swap3A_1388, %swap3A_1389], %swap3A_1392 {strides = array<i32>} : memref<16x128xf32, #tpu.memory_space<vmem>>, vector<1x16xf32>,
    %swap3A_1393 = arith.constant 14 : i32
    %swap3A_1394 = arith.index_cast %swap3A_1393 : i32 to index
    %swap3A_1395 = arith.constant 80 : index
    %swap3A_1396 = tpu.vector_load %arg6[%swap3A_1394, %swap3A_1395] {strides = array<i32>} : memref<16x128xf32, #tpu.memory_space<vmem>>, vector<1x16xf32>,
    %swap3A_1397 = vector.shape_cast %swap3A_1396 : vector<1x16xf32> to vector<16xf32>
    %swap3A_1398 = vector.shape_cast %get3A_1308 : vector<16xf32> to vector<1x16xf32>
    tpu.vector_store %arg6[%swap3A_1394, %swap3A_1395], %swap3A_1398 {strides = array<i32>} : memref<16x128xf32, #tpu.memory_space<vmem>>, vector<1x16xf32>,
    %swap3A_1399 = arith.constant 15 : i32
    %swap3A_1400 = arith.index_cast %swap3A_1399 : i32 to index
    %swap3A_1401 = arith.constant 80 : index
    %swap3A_1402 = tpu.vector_load %arg6[%swap3A_1400, %swap3A_1401] {strides = array<i32>} : memref<16x128xf32, #tpu.memory_space<vmem>>, vector<1x16xf32>,
    %swap3A_1403 = vector.shape_cast %swap3A_1402 : vector<1x16xf32> to vector<16xf32>
    %swap3A_1404 = vector.shape_cast %get3A_1308 : vector<16xf32> to vector<1x16xf32>
    tpu.vector_store %arg6[%swap3A_1400, %swap3A_1401], %swap3A_1404 {strides = array<i32>} : memref<16x128xf32, #tpu.memory_space<vmem>>, vector<1x16xf32>,
    %get3A_1405 = arith.constant 96 : index
    %get3A_1406 = tpu.vector_load %arg5[%get3A_1405] {strides = array<i32>} : memref<128xf32, #tpu.memory_space<vmem>>, vector<16xf32>,
    %get3A_1407 = vector.shape_cast %get3A_1406 : vector<16xf32> to vector<16xf32>
    %swap3A_1408 = arith.constant 0 : i32
    %swap3A_1409 = arith.index_cast %swap3A_1408 : i32 to index
    %swap3A_1410 = arith.constant 96 : index
    %swap3A_1411 = tpu.vector_load %arg6[%swap3A_1409, %swap3A_1410] {strides = array<i32>} : memref<16x128xf32, #tpu.memory_space<vmem>>, vector<1x16xf32>,
    %swap3A_1412 = vector.shape_cast %swap3A_1411 : vector<1x16xf32> to vector<16xf32>
    %swap3A_1413 = vector.shape_cast %get3A_1407 : vector<16xf32> to vector<1x16xf32>
    tpu.vector_store %arg6[%swap3A_1409, %swap3A_1410], %swap3A_1413 {strides = array<i32>} : memref<16x128xf32, #tpu.memory_space<vmem>>, vector<1x16xf32>,
    %swap3A_1414 = arith.constant 1 : i32
    %swap3A_1415 = arith.index_cast %swap3A_1414 : i32 to index
    %swap3A_1416 = arith.constant 96 : index
    %swap3A_1417 = tpu.vector_load %arg6[%swap3A_1415, %swap3A_1416] {strides = array<i32>} : memref<16x128xf32, #tpu.memory_space<vmem>>, vector<1x16xf32>,
    %swap3A_1418 = vector.shape_cast %swap3A_1417 : vector<1x16xf32> to vector<16xf32>
    %swap3A_1419 = vector.shape_cast %get3A_1407 : vector<16xf32> to vector<1x16xf32>
    tpu.vector_store %arg6[%swap3A_1415, %swap3A_1416], %swap3A_1419 {strides = array<i32>} : memref<16x128xf32, #tpu.memory_space<vmem>>, vector<1x16xf32>,
    %swap3A_1420 = arith.constant 2 : i32
    %swap3A_1421 = arith.index_cast %swap3A_1420 : i32 to index
    %swap3A_1422 = arith.constant 96 : index
    %swap3A_1423 = tpu.vector_load %arg6[%swap3A_1421, %swap3A_1422] {strides = array<i32>} : memref<16x128xf32, #tpu.memory_space<vmem>>, vector<1x16xf32>,
    %swap3A_1424 = vector.shape_cast %swap3A_1423 : vector<1x16xf32> to vector<16xf32>
    %swap3A_1425 = vector.shape_cast %get3A_1407 : vector<16xf32> to vector<1x16xf32>
    tpu.vector_store %arg6[%swap3A_1421, %swap3A_1422], %swap3A_1425 {strides = array<i32>} : memref<16x128xf32, #tpu.memory_space<vmem>>, vector<1x16xf32>,
    %swap3A_1426 = arith.constant 3 : i32
    %swap3A_1427 = arith.index_cast %swap3A_1426 : i32 to index
    %swap3A_1428 = arith.constant 96 : index
    %swap3A_1429 = tpu.vector_load %arg6[%swap3A_1427, %swap3A_1428] {strides = array<i32>} : memref<16x128xf32, #tpu.memory_space<vmem>>, vector<1x16xf32>,
    %swap3A_1430 = vector.shape_cast %swap3A_1429 : vector<1x16xf32> to vector<16xf32>
    %swap3A_1431 = vector.shape_cast %get3A_1407 : vector<16xf32> to vector<1x16xf32>
    tpu.vector_store %arg6[%swap3A_1427, %swap3A_1428], %swap3A_1431 {strides = array<i32>} : memref<16x128xf32, #tpu.memory_space<vmem>>, vector<1x16xf32>,
    %swap3A_1432 = arith.constant 4 : i32
    %swap3A_1433 = arith.index_cast %swap3A_1432 : i32 to index
    %swap3A_1434 = arith.constant 96 : index
    %swap3A_1435 = tpu.vector_load %arg6[%swap3A_1433, %swap3A_1434] {strides = array<i32>} : memref<16x128xf32, #tpu.memory_space<vmem>>, vector<1x16xf32>,
    %swap3A_1436 = vector.shape_cast %swap3A_1435 : vector<1x16xf32> to vector<16xf32>
    %swap3A_1437 = vector.shape_cast %get3A_1407 : vector<16xf32> to vector<1x16xf32>
    tpu.vector_store %arg6[%swap3A_1433, %swap3A_1434], %swap3A_1437 {strides = array<i32>} : memref<16x128xf32, #tpu.memory_space<vmem>>, vector<1x16xf32>,
    %swap3A_1438 = arith.constant 5 : i32
    %swap3A_1439 = arith.index_cast %swap3A_1438 : i32 to index
    %swap3A_1440 = arith.constant 96 : index
    %swap3A_1441 = tpu.vector_load %arg6[%swap3A_1439, %swap3A_1440] {strides = array<i32>} : memref<16x128xf32, #tpu.memory_space<vmem>>, vector<1x16xf32>,
    %swap3A_1442 = vector.shape_cast %swap3A_1441 : vector<1x16xf32> to vector<16xf32>
    %swap3A_1443 = vector.shape_cast %get3A_1407 : vector<16xf32> to vector<1x16xf32>
    tpu.vector_store %arg6[%swap3A_1439, %swap3A_1440], %swap3A_1443 {strides = array<i32>} : memref<16x128xf32, #tpu.memory_space<vmem>>, vector<1x16xf32>,
    %swap3A_1444 = arith.constant 6 : i32
    %swap3A_1445 = arith.index_cast %swap3A_1444 : i32 to index
    %swap3A_1446 = arith.constant 96 : index
    %swap3A_1447 = tpu.vector_load %arg6[%swap3A_1445, %swap3A_1446] {strides = array<i32>} : memref<16x128xf32, #tpu.memory_space<vmem>>, vector<1x16xf32>,
    %swap3A_1448 = vector.shape_cast %swap3A_1447 : vector<1x16xf32> to vector<16xf32>
    %swap3A_1449 = vector.shape_cast %get3A_1407 : vector<16xf32> to vector<1x16xf32>
    tpu.vector_store %arg6[%swap3A_1445, %swap3A_1446], %swap3A_1449 {strides = array<i32>} : memref<16x128xf32, #tpu.memory_space<vmem>>, vector<1x16xf32>,
    %swap3A_1450 = arith.constant 7 : i32
    %swap3A_1451 = arith.index_cast %swap3A_1450 : i32 to index
    %swap3A_1452 = arith.constant 96 : index
    %swap3A_1453 = tpu.vector_load %arg6[%swap3A_1451, %swap3A_1452] {strides = array<i32>} : memref<16x128xf32, #tpu.memory_space<vmem>>, vector<1x16xf32>,
    %swap3A_1454 = vector.shape_cast %swap3A_1453 : vector<1x16xf32> to vector<16xf32>
    %swap3A_1455 = vector.shape_cast %get3A_1407 : vector<16xf32> to vector<1x16xf32>
    tpu.vector_store %arg6[%swap3A_1451, %swap3A_1452], %swap3A_1455 {strides = array<i32>} : memref<16x128xf32, #tpu.memory_space<vmem>>, vector<1x16xf32>,
    %swap3A_1456 = arith.constant 8 : i32
    %swap3A_1457 = arith.index_cast %swap3A_1456 : i32 to index
    %swap3A_1458 = arith.constant 96 : index
    %swap3A_1459 = tpu.vector_load %arg6[%swap3A_1457, %swap3A_1458] {strides = array<i32>} : memref<16x128xf32, #tpu.memory_space<vmem>>, vector<1x16xf32>,
    %swap3A_1460 = vector.shape_cast %swap3A_1459 : vector<1x16xf32> to vector<16xf32>
    %swap3A_1461 = vector.shape_cast %get3A_1407 : vector<16xf32> to vector<1x16xf32>
    tpu.vector_store %arg6[%swap3A_1457, %swap3A_1458], %swap3A_1461 {strides = array<i32>} : memref<16x128xf32, #tpu.memory_space<vmem>>, vector<1x16xf32>,
    %swap3A_1462 = arith.constant 9 : i32
    %swap3A_1463 = arith.index_cast %swap3A_1462 : i32 to index
    %swap3A_1464 = arith.constant 96 : index
    %swap3A_1465 = tpu.vector_load %arg6[%swap3A_1463, %swap3A_1464] {strides = array<i32>} : memref<16x128xf32, #tpu.memory_space<vmem>>, vector<1x16xf32>,
    %swap3A_1466 = vector.shape_cast %swap3A_1465 : vector<1x16xf32> to vector<16xf32>
    %swap3A_1467 = vector.shape_cast %get3A_1407 : vector<16xf32> to vector<1x16xf32>
    tpu.vector_store %arg6[%swap3A_1463, %swap3A_1464], %swap3A_1467 {strides = array<i32>} : memref<16x128xf32, #tpu.memory_space<vmem>>, vector<1x16xf32>,
    %swap3A_1468 = arith.constant 10 : i32
    %swap3A_1469 = arith.index_cast %swap3A_1468 : i32 to index
    %swap3A_1470 = arith.constant 96 : index
    %swap3A_1471 = tpu.vector_load %arg6[%swap3A_1469, %swap3A_1470] {strides = array<i32>} : memref<16x128xf32, #tpu.memory_space<vmem>>, vector<1x16xf32>,
    %swap3A_1472 = vector.shape_cast %swap3A_1471 : vector<1x16xf32> to vector<16xf32>
    %swap3A_1473 = vector.shape_cast %get3A_1407 : vector<16xf32> to vector<1x16xf32>
    tpu.vector_store %arg6[%swap3A_1469, %swap3A_1470], %swap3A_1473 {strides = array<i32>} : memref<16x128xf32, #tpu.memory_space<vmem>>, vector<1x16xf32>,
    %swap3A_1474 = arith.constant 11 : i32
    %swap3A_1475 = arith.index_cast %swap3A_1474 : i32 to index
    %swap3A_1476 = arith.constant 96 : index
    %swap3A_1477 = tpu.vector_load %arg6[%swap3A_1475, %swap3A_1476] {strides = array<i32>} : memref<16x128xf32, #tpu.memory_space<vmem>>, vector<1x16xf32>,
    %swap3A_1478 = vector.shape_cast %swap3A_1477 : vector<1x16xf32> to vector<16xf32>
    %swap3A_1479 = vector.shape_cast %get3A_1407 : vector<16xf32> to vector<1x16xf32>
    tpu.vector_store %arg6[%swap3A_1475, %swap3A_1476], %swap3A_1479 {strides = array<i32>} : memref<16x128xf32, #tpu.memory_space<vmem>>, vector<1x16xf32>,
    %swap3A_1480 = arith.constant 12 : i32
    %swap3A_1481 = arith.index_cast %swap3A_1480 : i32 to index
    %swap3A_1482 = arith.constant 96 : index
    %swap3A_1483 = tpu.vector_load %arg6[%swap3A_1481, %swap3A_1482] {strides = array<i32>} : memref<16x128xf32, #tpu.memory_space<vmem>>, vector<1x16xf32>,
    %swap3A_1484 = vector.shape_cast %swap3A_1483 : vector<1x16xf32> to vector<16xf32>
    %swap3A_1485 = vector.shape_cast %get3A_1407 : vector<16xf32> to vector<1x16xf32>
    tpu.vector_store %arg6[%swap3A_1481, %swap3A_1482], %swap3A_1485 {strides = array<i32>} : memref<16x128xf32, #tpu.memory_space<vmem>>, vector<1x16xf32>,
    %swap3A_1486 = arith.constant 13 : i32
    %swap3A_1487 = arith.index_cast %swap3A_1486 : i32 to index
    %swap3A_1488 = arith.constant 96 : index
    %swap3A_1489 = tpu.vector_load %arg6[%swap3A_1487, %swap3A_1488] {strides = array<i32>} : memref<16x128xf32, #tpu.memory_space<vmem>>, vector<1x16xf32>,
    %swap3A_1490 = vector.shape_cast %swap3A_1489 : vector<1x16xf32> to vector<16xf32>
    %swap3A_1491 = vector.shape_cast %get3A_1407 : vector<16xf32> to vector<1x16xf32>
    tpu.vector_store %arg6[%swap3A_1487, %swap3A_1488], %swap3A_1491 {strides = array<i32>} : memref<16x128xf32, #tpu.memory_space<vmem>>, vector<1x16xf32>,
    %swap3A_1492 = arith.constant 14 : i32
    %swap3A_1493 = arith.index_cast %swap3A_1492 : i32 to index
    %swap3A_1494 = arith.constant 96 : index
    %swap3A_1495 = tpu.vector_load %arg6[%swap3A_1493, %swap3A_1494] {strides = array<i32>} : memref<16x128xf32, #tpu.memory_space<vmem>>, vector<1x16xf32>,
    %swap3A_1496 = vector.shape_cast %swap3A_1495 : vector<1x16xf32> to vector<16xf32>
    %swap3A_1497 = vector.shape_cast %get3A_1407 : vector<16xf32> to vector<1x16xf32>
    tpu.vector_store %arg6[%swap3A_1493, %swap3A_1494], %swap3A_1497 {strides = array<i32>} : memref<16x128xf32, #tpu.memory_space<vmem>>, vector<1x16xf32>,
    %swap3A_1498 = arith.constant 15 : i32
    %swap3A_1499 = arith.index_cast %swap3A_1498 : i32 to index
    %swap3A_1500 = arith.constant 96 : index
    %swap3A_1501 = tpu.vector_load %arg6[%swap3A_1499, %swap3A_1500] {strides = array<i32>} : memref<16x128xf32, #tpu.memory_space<vmem>>, vector<1x16xf32>,
    %swap3A_1502 = vector.shape_cast %swap3A_1501 : vector<1x16xf32> to vector<16xf32>
    %swap3A_1503 = vector.shape_cast %get3A_1407 : vector<16xf32> to vector<1x16xf32>
    tpu.vector_store %arg6[%swap3A_1499, %swap3A_1500], %swap3A_1503 {strides = array<i32>} : memref<16x128xf32, #tpu.memory_space<vmem>>, vector<1x16xf32>,
    %get3A_1504 = arith.constant 112 : index
    %get3A_1505 = tpu.vector_load %arg5[%get3A_1504] {strides = array<i32>} : memref<128xf32, #tpu.memory_space<vmem>>, vector<16xf32>,
    %get3A_1506 = vector.shape_cast %get3A_1505 : vector<16xf32> to vector<16xf32>
    %swap3A_1507 = arith.constant 0 : i32
    %swap3A_1508 = arith.index_cast %swap3A_1507 : i32 to index
    %swap3A_1509 = arith.constant 112 : index
    %swap3A_1510 = tpu.vector_load %arg6[%swap3A_1508, %swap3A_1509] {strides = array<i32>} : memref<16x128xf32, #tpu.memory_space<vmem>>, vector<1x16xf32>,
    %swap3A_1511 = vector.shape_cast %swap3A_1510 : vector<1x16xf32> to vector<16xf32>
    %swap3A_1512 = vector.shape_cast %get3A_1506 : vector<16xf32> to vector<1x16xf32>
    tpu.vector_store %arg6[%swap3A_1508, %swap3A_1509], %swap3A_1512 {strides = array<i32>} : memref<16x128xf32, #tpu.memory_space<vmem>>, vector<1x16xf32>,
    %swap3A_1513 = arith.constant 1 : i32
    %swap3A_1514 = arith.index_cast %swap3A_1513 : i32 to index
    %swap3A_1515 = arith.constant 112 : index
    %swap3A_1516 = tpu.vector_load %arg6[%swap3A_1514, %swap3A_1515] {strides = array<i32>} : memref<16x128xf32, #tpu.memory_space<vmem>>, vector<1x16xf32>,
    %swap3A_1517 = vector.shape_cast %swap3A_1516 : vector<1x16xf32> to vector<16xf32>
    %swap3A_1518 = vector.shape_cast %get3A_1506 : vector<16xf32> to vector<1x16xf32>
    tpu.vector_store %arg6[%swap3A_1514, %swap3A_1515], %swap3A_1518 {strides = array<i32>} : memref<16x128xf32, #tpu.memory_space<vmem>>, vector<1x16xf32>,
    %swap3A_1519 = arith.constant 2 : i32
    %swap3A_1520 = arith.index_cast %swap3A_1519 : i32 to index
    %swap3A_1521 = arith.constant 112 : index
    %swap3A_1522 = tpu.vector_load %arg6[%swap3A_1520, %swap3A_1521] {strides = array<i32>} : memref<16x128xf32, #tpu.memory_space<vmem>>, vector<1x16xf32>,
    %swap3A_1523 = vector.shape_cast %swap3A_1522 : vector<1x16xf32> to vector<16xf32>
    %swap3A_1524 = vector.shape_cast %get3A_1506 : vector<16xf32> to vector<1x16xf32>
    tpu.vector_store %arg6[%swap3A_1520, %swap3A_1521], %swap3A_1524 {strides = array<i32>} : memref<16x128xf32, #tpu.memory_space<vmem>>, vector<1x16xf32>,
    %swap3A_1525 = arith.constant 3 : i32
    %swap3A_1526 = arith.index_cast %swap3A_1525 : i32 to index
    %swap3A_1527 = arith.constant 112 : index
    %swap3A_1528 = tpu.vector_load %arg6[%swap3A_1526, %swap3A_1527] {strides = array<i32>} : memref<16x128xf32, #tpu.memory_space<vmem>>, vector<1x16xf32>,
    %swap3A_1529 = vector.shape_cast %swap3A_1528 : vector<1x16xf32> to vector<16xf32>
    %swap3A_1530 = vector.shape_cast %get3A_1506 : vector<16xf32> to vector<1x16xf32>
    tpu.vector_store %arg6[%swap3A_1526, %swap3A_1527], %swap3A_1530 {strides = array<i32>} : memref<16x128xf32, #tpu.memory_space<vmem>>, vector<1x16xf32>,
    %swap3A_1531 = arith.constant 4 : i32
    %swap3A_1532 = arith.index_cast %swap3A_1531 : i32 to index
    %swap3A_1533 = arith.constant 112 : index
    %swap3A_1534 = tpu.vector_load %arg6[%swap3A_1532, %swap3A_1533] {strides = array<i32>} : memref<16x128xf32, #tpu.memory_space<vmem>>, vector<1x16xf32>,
    %swap3A_1535 = vector.shape_cast %swap3A_1534 : vector<1x16xf32> to vector<16xf32>
    %swap3A_1536 = vector.shape_cast %get3A_1506 : vector<16xf32> to vector<1x16xf32>
    tpu.vector_store %arg6[%swap3A_1532, %swap3A_1533], %swap3A_1536 {strides = array<i32>} : memref<16x128xf32, #tpu.memory_space<vmem>>, vector<1x16xf32>,
    %swap3A_1537 = arith.constant 5 : i32
    %swap3A_1538 = arith.index_cast %swap3A_1537 : i32 to index
    %swap3A_1539 = arith.constant 112 : index
    %swap3A_1540 = tpu.vector_load %arg6[%swap3A_1538, %swap3A_1539] {strides = array<i32>} : memref<16x128xf32, #tpu.memory_space<vmem>>, vector<1x16xf32>,
    %swap3A_1541 = vector.shape_cast %swap3A_1540 : vector<1x16xf32> to vector<16xf32>
    %swap3A_1542 = vector.shape_cast %get3A_1506 : vector<16xf32> to vector<1x16xf32>
    tpu.vector_store %arg6[%swap3A_1538, %swap3A_1539], %swap3A_1542 {strides = array<i32>} : memref<16x128xf32, #tpu.memory_space<vmem>>, vector<1x16xf32>,
    %swap3A_1543 = arith.constant 6 : i32
    %swap3A_1544 = arith.index_cast %swap3A_1543 : i32 to index
    %swap3A_1545 = arith.constant 112 : index
    %swap3A_1546 = tpu.vector_load %arg6[%swap3A_1544, %swap3A_1545] {strides = array<i32>} : memref<16x128xf32, #tpu.memory_space<vmem>>, vector<1x16xf32>,
    %swap3A_1547 = vector.shape_cast %swap3A_1546 : vector<1x16xf32> to vector<16xf32>
    %swap3A_1548 = vector.shape_cast %get3A_1506 : vector<16xf32> to vector<1x16xf32>
    tpu.vector_store %arg6[%swap3A_1544, %swap3A_1545], %swap3A_1548 {strides = array<i32>} : memref<16x128xf32, #tpu.memory_space<vmem>>, vector<1x16xf32>,
    %swap3A_1549 = arith.constant 7 : i32
    %swap3A_1550 = arith.index_cast %swap3A_1549 : i32 to index
    %swap3A_1551 = arith.constant 112 : index
    %swap3A_1552 = tpu.vector_load %arg6[%swap3A_1550, %swap3A_1551] {strides = array<i32>} : memref<16x128xf32, #tpu.memory_space<vmem>>, vector<1x16xf32>,
    %swap3A_1553 = vector.shape_cast %swap3A_1552 : vector<1x16xf32> to vector<16xf32>
    %swap3A_1554 = vector.shape_cast %get3A_1506 : vector<16xf32> to vector<1x16xf32>
    tpu.vector_store %arg6[%swap3A_1550, %swap3A_1551], %swap3A_1554 {strides = array<i32>} : memref<16x128xf32, #tpu.memory_space<vmem>>, vector<1x16xf32>,
    %swap3A_1555 = arith.constant 8 : i32
    %swap3A_1556 = arith.index_cast %swap3A_1555 : i32 to index
    %swap3A_1557 = arith.constant 112 : index
    %swap3A_1558 = tpu.vector_load %arg6[%swap3A_1556, %swap3A_1557] {strides = array<i32>} : memref<16x128xf32, #tpu.memory_space<vmem>>, vector<1x16xf32>,
    %swap3A_1559 = vector.shape_cast %swap3A_1558 : vector<1x16xf32> to vector<16xf32>
    %swap3A_1560 = vector.shape_cast %get3A_1506 : vector<16xf32> to vector<1x16xf32>
    tpu.vector_store %arg6[%swap3A_1556, %swap3A_1557], %swap3A_1560 {strides = array<i32>} : memref<16x128xf32, #tpu.memory_space<vmem>>, vector<1x16xf32>,
    %swap3A_1561 = arith.constant 9 : i32
    %swap3A_1562 = arith.index_cast %swap3A_1561 : i32 to index
    %swap3A_1563 = arith.constant 112 : index
    %swap3A_1564 = tpu.vector_load %arg6[%swap3A_1562, %swap3A_1563] {strides = array<i32>} : memref<16x128xf32, #tpu.memory_space<vmem>>, vector<1x16xf32>,
    %swap3A_1565 = vector.shape_cast %swap3A_1564 : vector<1x16xf32> to vector<16xf32>
    %swap3A_1566 = vector.shape_cast %get3A_1506 : vector<16xf32> to vector<1x16xf32>
    tpu.vector_store %arg6[%swap3A_1562, %swap3A_1563], %swap3A_1566 {strides = array<i32>} : memref<16x128xf32, #tpu.memory_space<vmem>>, vector<1x16xf32>,
    %swap3A_1567 = arith.constant 10 : i32
    %swap3A_1568 = arith.index_cast %swap3A_1567 : i32 to index
    %swap3A_1569 = arith.constant 112 : index
    %swap3A_1570 = tpu.vector_load %arg6[%swap3A_1568, %swap3A_1569] {strides = array<i32>} : memref<16x128xf32, #tpu.memory_space<vmem>>, vector<1x16xf32>,
    %swap3A_1571 = vector.shape_cast %swap3A_1570 : vector<1x16xf32> to vector<16xf32>
    %swap3A_1572 = vector.shape_cast %get3A_1506 : vector<16xf32> to vector<1x16xf32>
    tpu.vector_store %arg6[%swap3A_1568, %swap3A_1569], %swap3A_1572 {strides = array<i32>} : memref<16x128xf32, #tpu.memory_space<vmem>>, vector<1x16xf32>,
    %swap3A_1573 = arith.constant 11 : i32
    %swap3A_1574 = arith.index_cast %swap3A_1573 : i32 to index
    %swap3A_1575 = arith.constant 112 : index
    %swap3A_1576 = tpu.vector_load %arg6[%swap3A_1574, %swap3A_1575] {strides = array<i32>} : memref<16x128xf32, #tpu.memory_space<vmem>>, vector<1x16xf32>,
    %swap3A_1577 = vector.shape_cast %swap3A_1576 : vector<1x16xf32> to vector<16xf32>
    %swap3A_1578 = vector.shape_cast %get3A_1506 : vector<16xf32> to vector<1x16xf32>
    tpu.vector_store %arg6[%swap3A_1574, %swap3A_1575], %swap3A_1578 {strides = array<i32>} : memref<16x128xf32, #tpu.memory_space<vmem>>, vector<1x16xf32>,
    %swap3A_1579 = arith.constant 12 : i32
    %swap3A_1580 = arith.index_cast %swap3A_1579 : i32 to index
    %swap3A_1581 = arith.constant 112 : index
    %swap3A_1582 = tpu.vector_load %arg6[%swap3A_1580, %swap3A_1581] {strides = array<i32>} : memref<16x128xf32, #tpu.memory_space<vmem>>, vector<1x16xf32>,
    %swap3A_1583 = vector.shape_cast %swap3A_1582 : vector<1x16xf32> to vector<16xf32>
    %swap3A_1584 = vector.shape_cast %get3A_1506 : vector<16xf32> to vector<1x16xf32>
    tpu.vector_store %arg6[%swap3A_1580, %swap3A_1581], %swap3A_1584 {strides = array<i32>} : memref<16x128xf32, #tpu.memory_space<vmem>>, vector<1x16xf32>,
    %swap3A_1585 = arith.constant 13 : i32
    %swap3A_1586 = arith.index_cast %swap3A_1585 : i32 to index
    %swap3A_1587 = arith.constant 112 : index
    %swap3A_1588 = tpu.vector_load %arg6[%swap3A_1586, %swap3A_1587] {strides = array<i32>} : memref<16x128xf32, #tpu.memory_space<vmem>>, vector<1x16xf32>,
    %swap3A_1589 = vector.shape_cast %swap3A_1588 : vector<1x16xf32> to vector<16xf32>
    %swap3A_1590 = vector.shape_cast %get3A_1506 : vector<16xf32> to vector<1x16xf32>
    tpu.vector_store %arg6[%swap3A_1586, %swap3A_1587], %swap3A_1590 {strides = array<i32>} : memref<16x128xf32, #tpu.memory_space<vmem>>, vector<1x16xf32>,
    %swap3A_1591 = arith.constant 14 : i32
    %swap3A_1592 = arith.index_cast %swap3A_1591 : i32 to index
    %swap3A_1593 = arith.constant 112 : index
    %swap3A_1594 = tpu.vector_load %arg6[%swap3A_1592, %swap3A_1593] {strides = array<i32>} : memref<16x128xf32, #tpu.memory_space<vmem>>, vector<1x16xf32>,
    %swap3A_1595 = vector.shape_cast %swap3A_1594 : vector<1x16xf32> to vector<16xf32>
    %swap3A_1596 = vector.shape_cast %get3A_1506 : vector<16xf32> to vector<1x16xf32>
    tpu.vector_store %arg6[%swap3A_1592, %swap3A_1593], %swap3A_1596 {strides = array<i32>} : memref<16x128xf32, #tpu.memory_space<vmem>>, vector<1x16xf32>,
    %swap3A_1597 = arith.constant 15 : i32
    %swap3A_1598 = arith.index_cast %swap3A_1597 : i32 to index
    %swap3A_1599 = arith.constant 112 : index
    %swap3A_1600 = tpu.vector_load %arg6[%swap3A_1598, %swap3A_1599] {strides = array<i32>} : memref<16x128xf32, #tpu.memory_space<vmem>>, vector<1x16xf32>,
    %swap3A_1601 = vector.shape_cast %swap3A_1600 : vector<1x16xf32> to vector<16xf32>
    %swap3A_1602 = vector.shape_cast %get3A_1506 : vector<16xf32> to vector<1x16xf32>
    tpu.vector_store %arg6[%swap3A_1598, %swap3A_1599], %swap3A_1602 {strides = array<i32>} : memref<16x128xf32, #tpu.memory_space<vmem>>, vector<1x16xf32>,
    %mul3A_1603 = arith.constant 16 : i32
    %mul3A_1604 = arith.muli %arg1, %mul3A_1603 : i32
    %add3A_1605 = arith.constant 768 : i32
    %add3A_1606 = arith.addi %add3A_1605, %mul3A_1604 : i32
    %dma_start3A_1607 = arith.constant 0 : i32
    %dma_start3A_1608 = tpu.memref_slice %arg4[%add3A_1606, %dma_start3A_1607] : memref<1024x128xf32, #tpu.memory_space<vmem_shared>> -> memref<16x128xf32, #tpu.memory_space<vmem_shared>>
    %dma_start3A_1609 = arith.constant 0 : i32
    %dma_start3A_1610 = tpu.memref_slice %arg4[%add3A_1606, %dma_start3A_1609] : memref<1024x128xf32, #tpu.memory_space<vmem_shared>> -> memref<16x128xf32, #tpu.memory_space<vmem_shared>>
    tpu.enqueue_dma source(%arg6 : memref<16x128xf32, #tpu.memory_space<vmem>>) target(%dma_start3A_1610 : memref<16x128xf32, #tpu.memory_space<vmem_shared>>) target_semaphore(%arg7 : memref<!tpu.dma_semaphore, #tpu.memory_space<semaphore_mem>>)
    %eq3A = arith.constant 15 : i32
    %eq3A_1611 = arith.cmpi eq, %arg1, %eq3A : i32
    %convert_element_type3A = arith.extui %eq3A_1611 : i1 to i32
    %cond3A = arith.constant 0 : i32
    %cond3A_1612 = arith.cmpi ne, %convert_element_type3A, %cond3A : i32
    scf.if %cond3A_1612 {
      %run_scoped3A_1765 = arith.constant 510 : i32
      %run_scoped3A_1766 = arith.constant 767 : i32
      "tpu.region"() ({
        %run_scoped3A_1767 = tpu.sem_alloc : memref<!tpu.dma_semaphore, #tpu.memory_space<semaphore_mem>>
        %dma_start3A_1768 = arith.constant 0 : i32
        %dma_start3A_1769 = tpu.memref_slice %arg4[%run_scoped3A_1766, %dma_start3A_1768] : memref<1024x128xf32, #tpu.memory_space<vmem_shared>> -> memref<1x128xf32, #tpu.memory_space<vmem_shared>>
        %dma_start3A_1770 = tpu.memref_squeeze %dma_start3A_1769 : memref<1x128xf32, #tpu.memory_space<vmem_shared>> -> memref<128xf32, #tpu.memory_space<vmem_shared>>
        %dma_start3A_1771 = arith.constant 0 : i32
        %dma_start3A_1772 = tpu.memref_slice %arg2[%run_scoped3A_1765, %dma_start3A_1771] : memref<512x128xf32, #tpu.memory_space<hbm>> -> memref<1x128xf32, #tpu.memory_space<hbm>>
        %dma_start3A_1773 = tpu.memref_squeeze %dma_start3A_1772 : memref<1x128xf32, #tpu.memory_space<hbm>> -> memref<128xf32, #tpu.memory_space<hbm>>
        tpu.enqueue_dma source(%dma_start3A_1773 : memref<128xf32, #tpu.memory_space<hbm>>) target(%dma_start3A_1770 : memref<128xf32, #tpu.memory_space<vmem_shared>>) target_semaphore(%run_scoped3A_1767 : memref<!tpu.dma_semaphore, #tpu.memory_space<semaphore_mem>>)
        %dma_wait3A_1774 = arith.constant 0 : i32
        %dma_wait3A_1775 = tpu.memref_slice %arg4[%run_scoped3A_1766, %dma_wait3A_1774] : memref<1024x128xf32, #tpu.memory_space<vmem_shared>> -> memref<1x128xf32, #tpu.memory_space<vmem_shared>>
        %dma_wait3A_1776 = tpu.memref_squeeze %dma_wait3A_1775 : memref<1x128xf32, #tpu.memory_space<vmem_shared>> -> memref<128xf32, #tpu.memory_space<vmem_shared>>
        %dma_wait3A_1777 = arith.constant 0 : i32
        %dma_wait3A_1778 = tpu.memref_slice %arg2[%run_scoped3A_1765, %dma_wait3A_1777] : memref<512x128xf32, #tpu.memory_space<hbm>> -> memref<1x128xf32, #tpu.memory_space<hbm>>
        %dma_wait3A_1779 = tpu.memref_squeeze %dma_wait3A_1778 : memref<1x128xf32, #tpu.memory_space<hbm>> -> memref<128xf32, #tpu.memory_space<hbm>>
        tpu.wait_dma2 semaphore(%run_scoped3A_1767 : memref<!tpu.dma_semaphore, #tpu.memory_space<semaphore_mem>>) src(%dma_wait3A_1779 : memref<128xf32, #tpu.memory_space<hbm>>) dst(%dma_wait3A_1776 : memref<128xf32, #tpu.memory_space<vmem_shared>>)
        tpu.yield
      }) : () -> ()
    } else {
    }
    %dma_wait3A_1613 = arith.constant 0 : i32
    %dma_wait3A_1614 = tpu.memref_slice %arg4[%add3A_1606, %dma_wait3A_1613] : memref<1024x128xf32, #tpu.memory_space<vmem_shared>> -> memref<16x128xf32, #tpu.memory_space<vmem_shared>>
    %dma_wait3A_1615 = arith.constant 0 : i32
    %dma_wait3A_1616 = tpu.memref_slice %arg4[%add3A_1606, %dma_wait3A_1615] : memref<1024x128xf32, #tpu.memory_space<vmem_shared>> -> memref<16x128xf32, #tpu.memory_space<vmem_shared>>
    tpu.wait_dma2 semaphore(%arg7 : memref<!tpu.dma_semaphore, #tpu.memory_space<semaphore_mem>>) src(%arg6 : memref<16x128xf32, #tpu.memory_space<vmem>>) dst(%dma_wait3A_1616 : memref<16x128xf32, #tpu.memory_space<vmem_shared>>)
    %barrier3A = arith.constant 0 : index
    tpu.barrier barrier_id(%barrier3A)
    %mul3A_1617 = arith.constant 2 : i32
    %mul3A_1618 = arith.muli %arg1, %mul3A_1617 : i32
    %add3A_1619 = arith.addi %mul3A_1618, %arg0 : i32
    %mul3A_1620 = arith.constant 4 : i32
    %mul3A_1621 = arith.muli %add3A_1619, %mul3A_1620 : i32
    %add3A_1622 = arith.constant 0 : i32
    %add3A_1623 = arith.addi %mul3A_1621, %add3A_1622 : i32
    %sub3A = arith.constant 511 : i32
    %sub3A_1624 = arith.subi %sub3A, %add3A_1623 : i32
    %dma_start3A_1625 = arith.constant 0 : i32
    %dma_start3A_1626 = arith.constant 0 : i32
    %dma_start3A_1627 = arith.constant 0 : i32
    %dma_start3A_1628 = tpu.memref_slice %arg3[%dma_start3A_1625, %add3A_1623, %dma_start3A_1626, %dma_start3A_1627] : memref<2x512x512x128xf32, #tpu.memory_space<hbm>> -> memref<1x1x512x128xf32, #tpu.memory_space<hbm>>
    %dma_start3A_1629 = tpu.memref_squeeze %dma_start3A_1628 : memref<1x1x512x128xf32, #tpu.memory_space<hbm>> -> memref<512x128xf32, #tpu.memory_space<hbm>>
    %dma_start3A_1630 = arith.constant 0 : i32
    %dma_start3A_1631 = tpu.memref_slice %arg4[%sub3A_1624, %dma_start3A_1630] : memref<1024x128xf32, #tpu.memory_space<vmem_shared>> -> memref<512x128xf32, #tpu.memory_space<vmem_shared>>
    tpu.enqueue_dma source(%dma_start3A_1631 : memref<512x128xf32, #tpu.memory_space<vmem_shared>>) target(%dma_start3A_1629 : memref<512x128xf32, #tpu.memory_space<hbm>>) target_semaphore(%arg8 : memref<!tpu.dma_semaphore, #tpu.memory_space<semaphore_mem>>)
    %add3A_1632 = arith.constant 0 : i32
    %add3A_1633 = arith.addi %mul3A_1621, %add3A_1632 : i32
    %sub3A_1634 = arith.constant 511 : i32
    %sub3A_1635 = arith.subi %sub3A_1634, %add3A_1633 : i32
    %dma_start3A_1636 = arith.constant 1 : i32
    %dma_start3A_1637 = arith.constant 0 : i32
    %dma_start3A_1638 = arith.constant 0 : i32
    %dma_start3A_1639 = tpu.memref_slice %arg3[%dma_start3A_1636, %add3A_1633, %dma_start3A_1637, %dma_start3A_1638] : memref<2x512x512x128xf32, #tpu.memory_space<hbm>> -> memref<1x1x512x128xf32, #tpu.memory_space<hbm>>
    %dma_start3A_1640 = tpu.memref_squeeze %dma_start3A_1639 : memref<1x1x512x128xf32, #tpu.memory_space<hbm>> -> memref<512x128xf32, #tpu.memory_space<hbm>>
    %dma_start3A_1641 = arith.constant 0 : i32
    %dma_start3A_1642 = tpu.memref_slice %arg4[%sub3A_1635, %dma_start3A_1641] : memref<1024x128xf32, #tpu.memory_space<vmem_shared>> -> memref<512x128xf32, #tpu.memory_space<vmem_shared>>
    tpu.enqueue_dma source(%dma_start3A_1642 : memref<512x128xf32, #tpu.memory_space<vmem_shared>>) target(%dma_start3A_1640 : memref<512x128xf32, #tpu.memory_space<hbm>>) target_semaphore(%arg8 : memref<!tpu.dma_semaphore, #tpu.memory_space<semaphore_mem>>)
    %add3A_1643 = arith.constant 1 : i32
    %add3A_1644 = arith.addi %mul3A_1621, %add3A_1643 : i32
    %sub3A_1645 = arith.constant 511 : i32
    %sub3A_1646 = arith.subi %sub3A_1645, %add3A_1644 : i32
    %dma_start3A_1647 = arith.constant 0 : i32
    %dma_start3A_1648 = arith.constant 0 : i32
    %dma_start3A_1649 = arith.constant 0 : i32
    %dma_start3A_1650 = tpu.memref_slice %arg3[%dma_start3A_1647, %add3A_1644, %dma_start3A_1648, %dma_start3A_1649] : memref<2x512x512x128xf32, #tpu.memory_space<hbm>> -> memref<1x1x512x128xf32, #tpu.memory_space<hbm>>
    %dma_start3A_1651 = tpu.memref_squeeze %dma_start3A_1650 : memref<1x1x512x128xf32, #tpu.memory_space<hbm>> -> memref<512x128xf32, #tpu.memory_space<hbm>>
    %dma_start3A_1652 = arith.constant 0 : i32
    %dma_start3A_1653 = tpu.memref_slice %arg4[%sub3A_1646, %dma_start3A_1652] : memref<1024x128xf32, #tpu.memory_space<vmem_shared>> -> memref<512x128xf32, #tpu.memory_space<vmem_shared>>
    tpu.enqueue_dma source(%dma_start3A_1653 : memref<512x128xf32, #tpu.memory_space<vmem_shared>>) target(%dma_start3A_1651 : memref<512x128xf32, #tpu.memory_space<hbm>>) target_semaphore(%arg8 : memref<!tpu.dma_semaphore, #tpu.memory_space<semaphore_mem>>)
    %add3A_1654 = arith.constant 1 : i32
    %add3A_1655 = arith.addi %mul3A_1621, %add3A_1654 : i32
    %sub3A_1656 = arith.constant 511 : i32
    %sub3A_1657 = arith.subi %sub3A_1656, %add3A_1655 : i32
    %dma_start3A_1658 = arith.constant 1 : i32
    %dma_start3A_1659 = arith.constant 0 : i32
    %dma_start3A_1660 = arith.constant 0 : i32
    %dma_start3A_1661 = tpu.memref_slice %arg3[%dma_start3A_1658, %add3A_1655, %dma_start3A_1659, %dma_start3A_1660] : memref<2x512x512x128xf32, #tpu.memory_space<hbm>> -> memref<1x1x512x128xf32, #tpu.memory_space<hbm>>
    %dma_start3A_1662 = tpu.memref_squeeze %dma_start3A_1661 : memref<1x1x512x128xf32, #tpu.memory_space<hbm>> -> memref<512x128xf32, #tpu.memory_space<hbm>>
    %dma_start3A_1663 = arith.constant 0 : i32
    %dma_start3A_1664 = tpu.memref_slice %arg4[%sub3A_1657, %dma_start3A_1663] : memref<1024x128xf32, #tpu.memory_space<vmem_shared>> -> memref<512x128xf32, #tpu.memory_space<vmem_shared>>
    tpu.enqueue_dma source(%dma_start3A_1664 : memref<512x128xf32, #tpu.memory_space<vmem_shared>>) target(%dma_start3A_1662 : memref<512x128xf32, #tpu.memory_space<hbm>>) target_semaphore(%arg8 : memref<!tpu.dma_semaphore, #tpu.memory_space<semaphore_mem>>)
    %add3A_1665 = arith.constant 2 : i32
    %add3A_1666 = arith.addi %mul3A_1621, %add3A_1665 : i32
    %sub3A_1667 = arith.constant 511 : i32
    %sub3A_1668 = arith.subi %sub3A_1667, %add3A_1666 : i32
    %dma_start3A_1669 = arith.constant 0 : i32
    %dma_start3A_1670 = arith.constant 0 : i32
    %dma_start3A_1671 = arith.constant 0 : i32
    %dma_start3A_1672 = tpu.memref_slice %arg3[%dma_start3A_1669, %add3A_1666, %dma_start3A_1670, %dma_start3A_1671] : memref<2x512x512x128xf32, #tpu.memory_space<hbm>> -> memref<1x1x512x128xf32, #tpu.memory_space<hbm>>
    %dma_start3A_1673 = tpu.memref_squeeze %dma_start3A_1672 : memref<1x1x512x128xf32, #tpu.memory_space<hbm>> -> memref<512x128xf32, #tpu.memory_space<hbm>>
    %dma_start3A_1674 = arith.constant 0 : i32
    %dma_start3A_1675 = tpu.memref_slice %arg4[%sub3A_1668, %dma_start3A_1674] : memref<1024x128xf32, #tpu.memory_space<vmem_shared>> -> memref<512x128xf32, #tpu.memory_space<vmem_shared>>
    tpu.enqueue_dma source(%dma_start3A_1675 : memref<512x128xf32, #tpu.memory_space<vmem_shared>>) target(%dma_start3A_1673 : memref<512x128xf32, #tpu.memory_space<hbm>>) target_semaphore(%arg8 : memref<!tpu.dma_semaphore, #tpu.memory_space<semaphore_mem>>)
    %add3A_1676 = arith.constant 2 : i32
    %add3A_1677 = arith.addi %mul3A_1621, %add3A_1676 : i32
    %sub3A_1678 = arith.constant 511 : i32
    %sub3A_1679 = arith.subi %sub3A_1678, %add3A_1677 : i32
    %dma_start3A_1680 = arith.constant 1 : i32
    %dma_start3A_1681 = arith.constant 0 : i32
    %dma_start3A_1682 = arith.constant 0 : i32
    %dma_start3A_1683 = tpu.memref_slice %arg3[%dma_start3A_1680, %add3A_1677, %dma_start3A_1681, %dma_start3A_1682] : memref<2x512x512x128xf32, #tpu.memory_space<hbm>> -> memref<1x1x512x128xf32, #tpu.memory_space<hbm>>
    %dma_start3A_1684 = tpu.memref_squeeze %dma_start3A_1683 : memref<1x1x512x128xf32, #tpu.memory_space<hbm>> -> memref<512x128xf32, #tpu.memory_space<hbm>>
    %dma_start3A_1685 = arith.constant 0 : i32
    %dma_start3A_1686 = tpu.memref_slice %arg4[%sub3A_1679, %dma_start3A_1685] : memref<1024x128xf32, #tpu.memory_space<vmem_shared>> -> memref<512x128xf32, #tpu.memory_space<vmem_shared>>
    tpu.enqueue_dma source(%dma_start3A_1686 : memref<512x128xf32, #tpu.memory_space<vmem_shared>>) target(%dma_start3A_1684 : memref<512x128xf32, #tpu.memory_space<hbm>>) target_semaphore(%arg8 : memref<!tpu.dma_semaphore, #tpu.memory_space<semaphore_mem>>)
    %add3A_1687 = arith.constant 3 : i32
    %add3A_1688 = arith.addi %mul3A_1621, %add3A_1687 : i32
    %sub3A_1689 = arith.constant 511 : i32
    %sub3A_1690 = arith.subi %sub3A_1689, %add3A_1688 : i32
    %dma_start3A_1691 = arith.constant 0 : i32
    %dma_start3A_1692 = arith.constant 0 : i32
    %dma_start3A_1693 = arith.constant 0 : i32
    %dma_start3A_1694 = tpu.memref_slice %arg3[%dma_start3A_1691, %add3A_1688, %dma_start3A_1692, %dma_start3A_1693] : memref<2x512x512x128xf32, #tpu.memory_space<hbm>> -> memref<1x1x512x128xf32, #tpu.memory_space<hbm>>
    %dma_start3A_1695 = tpu.memref_squeeze %dma_start3A_1694 : memref<1x1x512x128xf32, #tpu.memory_space<hbm>> -> memref<512x128xf32, #tpu.memory_space<hbm>>
    %dma_start3A_1696 = arith.constant 0 : i32
    %dma_start3A_1697 = tpu.memref_slice %arg4[%sub3A_1690, %dma_start3A_1696] : memref<1024x128xf32, #tpu.memory_space<vmem_shared>> -> memref<512x128xf32, #tpu.memory_space<vmem_shared>>
    tpu.enqueue_dma source(%dma_start3A_1697 : memref<512x128xf32, #tpu.memory_space<vmem_shared>>) target(%dma_start3A_1695 : memref<512x128xf32, #tpu.memory_space<hbm>>) target_semaphore(%arg8 : memref<!tpu.dma_semaphore, #tpu.memory_space<semaphore_mem>>)
    %add3A_1698 = arith.constant 3 : i32
    %add3A_1699 = arith.addi %mul3A_1621, %add3A_1698 : i32
    %sub3A_1700 = arith.constant 511 : i32
    %sub3A_1701 = arith.subi %sub3A_1700, %add3A_1699 : i32
    %dma_start3A_1702 = arith.constant 1 : i32
    %dma_start3A_1703 = arith.constant 0 : i32
    %dma_start3A_1704 = arith.constant 0 : i32
    %dma_start3A_1705 = tpu.memref_slice %arg3[%dma_start3A_1702, %add3A_1699, %dma_start3A_1703, %dma_start3A_1704] : memref<2x512x512x128xf32, #tpu.memory_space<hbm>> -> memref<1x1x512x128xf32, #tpu.memory_space<hbm>>
    %dma_start3A_1706 = tpu.memref_squeeze %dma_start3A_1705 : memref<1x1x512x128xf32, #tpu.memory_space<hbm>> -> memref<512x128xf32, #tpu.memory_space<hbm>>
    %dma_start3A_1707 = arith.constant 0 : i32
    %dma_start3A_1708 = tpu.memref_slice %arg4[%sub3A_1701, %dma_start3A_1707] : memref<1024x128xf32, #tpu.memory_space<vmem_shared>> -> memref<512x128xf32, #tpu.memory_space<vmem_shared>>
    tpu.enqueue_dma source(%dma_start3A_1708 : memref<512x128xf32, #tpu.memory_space<vmem_shared>>) target(%dma_start3A_1706 : memref<512x128xf32, #tpu.memory_space<hbm>>) target_semaphore(%arg8 : memref<!tpu.dma_semaphore, #tpu.memory_space<semaphore_mem>>)
    %dma_wait3A_1709 = arith.constant 0 : i32
    %dma_wait3A_1710 = arith.constant 0 : i32
    %dma_wait3A_1711 = arith.constant 0 : i32
    %dma_wait3A_1712 = tpu.memref_slice %arg3[%dma_wait3A_1709, %add3A_1623, %dma_wait3A_1710, %dma_wait3A_1711] : memref<2x512x512x128xf32, #tpu.memory_space<hbm>> -> memref<1x1x512x128xf32, #tpu.memory_space<hbm>>
    %dma_wait3A_1713 = tpu.memref_squeeze %dma_wait3A_1712 : memref<1x1x512x128xf32, #tpu.memory_space<hbm>> -> memref<512x128xf32, #tpu.memory_space<hbm>>
    %dma_wait3A_1714 = arith.constant 0 : i32
    %dma_wait3A_1715 = tpu.memref_slice %arg4[%sub3A_1624, %dma_wait3A_1714] : memref<1024x128xf32, #tpu.memory_space<vmem_shared>> -> memref<512x128xf32, #tpu.memory_space<vmem_shared>>
    tpu.wait_dma2 semaphore(%arg8 : memref<!tpu.dma_semaphore, #tpu.memory_space<semaphore_mem>>) src(%dma_wait3A_1715 : memref<512x128xf32, #tpu.memory_space<vmem_shared>>) dst(%dma_wait3A_1713 : memref<512x128xf32, #tpu.memory_space<hbm>>)
    %dma_wait3A_1716 = arith.constant 1 : i32
    %dma_wait3A_1717 = arith.constant 0 : i32
    %dma_wait3A_1718 = arith.constant 0 : i32
    %dma_wait3A_1719 = tpu.memref_slice %arg3[%dma_wait3A_1716, %add3A_1633, %dma_wait3A_1717, %dma_wait3A_1718] : memref<2x512x512x128xf32, #tpu.memory_space<hbm>> -> memref<1x1x512x128xf32, #tpu.memory_space<hbm>>
    %dma_wait3A_1720 = tpu.memref_squeeze %dma_wait3A_1719 : memref<1x1x512x128xf32, #tpu.memory_space<hbm>> -> memref<512x128xf32, #tpu.memory_space<hbm>>
    %dma_wait3A_1721 = arith.constant 0 : i32
    %dma_wait3A_1722 = tpu.memref_slice %arg4[%sub3A_1635, %dma_wait3A_1721] : memref<1024x128xf32, #tpu.memory_space<vmem_shared>> -> memref<512x128xf32, #tpu.memory_space<vmem_shared>>
    tpu.wait_dma2 semaphore(%arg8 : memref<!tpu.dma_semaphore, #tpu.memory_space<semaphore_mem>>) src(%dma_wait3A_1722 : memref<512x128xf32, #tpu.memory_space<vmem_shared>>) dst(%dma_wait3A_1720 : memref<512x128xf32, #tpu.memory_space<hbm>>)
    %dma_wait3A_1723 = arith.constant 0 : i32
    %dma_wait3A_1724 = arith.constant 0 : i32
    %dma_wait3A_1725 = arith.constant 0 : i32
    %dma_wait3A_1726 = tpu.memref_slice %arg3[%dma_wait3A_1723, %add3A_1644, %dma_wait3A_1724, %dma_wait3A_1725] : memref<2x512x512x128xf32, #tpu.memory_space<hbm>> -> memref<1x1x512x128xf32, #tpu.memory_space<hbm>>
    %dma_wait3A_1727 = tpu.memref_squeeze %dma_wait3A_1726 : memref<1x1x512x128xf32, #tpu.memory_space<hbm>> -> memref<512x128xf32, #tpu.memory_space<hbm>>
    %dma_wait3A_1728 = arith.constant 0 : i32
    %dma_wait3A_1729 = tpu.memref_slice %arg4[%sub3A_1646, %dma_wait3A_1728] : memref<1024x128xf32, #tpu.memory_space<vmem_shared>> -> memref<512x128xf32, #tpu.memory_space<vmem_shared>>
    tpu.wait_dma2 semaphore(%arg8 : memref<!tpu.dma_semaphore, #tpu.memory_space<semaphore_mem>>) src(%dma_wait3A_1729 : memref<512x128xf32, #tpu.memory_space<vmem_shared>>) dst(%dma_wait3A_1727 : memref<512x128xf32, #tpu.memory_space<hbm>>)
    %dma_wait3A_1730 = arith.constant 1 : i32
    %dma_wait3A_1731 = arith.constant 0 : i32
    %dma_wait3A_1732 = arith.constant 0 : i32
    %dma_wait3A_1733 = tpu.memref_slice %arg3[%dma_wait3A_1730, %add3A_1655, %dma_wait3A_1731, %dma_wait3A_1732] : memref<2x512x512x128xf32, #tpu.memory_space<hbm>> -> memref<1x1x512x128xf32, #tpu.memory_space<hbm>>
    %dma_wait3A_1734 = tpu.memref_squeeze %dma_wait3A_1733 : memref<1x1x512x128xf32, #tpu.memory_space<hbm>> -> memref<512x128xf32, #tpu.memory_space<hbm>>
    %dma_wait3A_1735 = arith.constant 0 : i32
    %dma_wait3A_1736 = tpu.memref_slice %arg4[%sub3A_1657, %dma_wait3A_1735] : memref<1024x128xf32, #tpu.memory_space<vmem_shared>> -> memref<512x128xf32, #tpu.memory_space<vmem_shared>>
    tpu.wait_dma2 semaphore(%arg8 : memref<!tpu.dma_semaphore, #tpu.memory_space<semaphore_mem>>) src(%dma_wait3A_1736 : memref<512x128xf32, #tpu.memory_space<vmem_shared>>) dst(%dma_wait3A_1734 : memref<512x128xf32, #tpu.memory_space<hbm>>)
    %dma_wait3A_1737 = arith.constant 0 : i32
    %dma_wait3A_1738 = arith.constant 0 : i32
    %dma_wait3A_1739 = arith.constant 0 : i32
    %dma_wait3A_1740 = tpu.memref_slice %arg3[%dma_wait3A_1737, %add3A_1666, %dma_wait3A_1738, %dma_wait3A_1739] : memref<2x512x512x128xf32, #tpu.memory_space<hbm>> -> memref<1x1x512x128xf32, #tpu.memory_space<hbm>>
    %dma_wait3A_1741 = tpu.memref_squeeze %dma_wait3A_1740 : memref<1x1x512x128xf32, #tpu.memory_space<hbm>> -> memref<512x128xf32, #tpu.memory_space<hbm>>
    %dma_wait3A_1742 = arith.constant 0 : i32
    %dma_wait3A_1743 = tpu.memref_slice %arg4[%sub3A_1668, %dma_wait3A_1742] : memref<1024x128xf32, #tpu.memory_space<vmem_shared>> -> memref<512x128xf32, #tpu.memory_space<vmem_shared>>
    tpu.wait_dma2 semaphore(%arg8 : memref<!tpu.dma_semaphore, #tpu.memory_space<semaphore_mem>>) src(%dma_wait3A_1743 : memref<512x128xf32, #tpu.memory_space<vmem_shared>>) dst(%dma_wait3A_1741 : memref<512x128xf32, #tpu.memory_space<hbm>>)
    %dma_wait3A_1744 = arith.constant 1 : i32
    %dma_wait3A_1745 = arith.constant 0 : i32
    %dma_wait3A_1746 = arith.constant 0 : i32
    %dma_wait3A_1747 = tpu.memref_slice %arg3[%dma_wait3A_1744, %add3A_1677, %dma_wait3A_1745, %dma_wait3A_1746] : memref<2x512x512x128xf32, #tpu.memory_space<hbm>> -> memref<1x1x512x128xf32, #tpu.memory_space<hbm>>
    %dma_wait3A_1748 = tpu.memref_squeeze %dma_wait3A_1747 : memref<1x1x512x128xf32, #tpu.memory_space<hbm>> -> memref<512x128xf32, #tpu.memory_space<hbm>>
    %dma_wait3A_1749 = arith.constant 0 : i32
    %dma_wait3A_1750 = tpu.memref_slice %arg4[%sub3A_1679, %dma_wait3A_1749] : memref<1024x128xf32, #tpu.memory_space<vmem_shared>> -> memref<512x128xf32, #tpu.memory_space<vmem_shared>>
    tpu.wait_dma2 semaphore(%arg8 : memref<!tpu.dma_semaphore, #tpu.memory_space<semaphore_mem>>) src(%dma_wait3A_1750 : memref<512x128xf32, #tpu.memory_space<vmem_shared>>) dst(%dma_wait3A_1748 : memref<512x128xf32, #tpu.memory_space<hbm>>)
    %dma_wait3A_1751 = arith.constant 0 : i32
    %dma_wait3A_1752 = arith.constant 0 : i32
    %dma_wait3A_1753 = arith.constant 0 : i32
    %dma_wait3A_1754 = tpu.memref_slice %arg3[%dma_wait3A_1751, %add3A_1688, %dma_wait3A_1752, %dma_wait3A_1753] : memref<2x512x512x128xf32, #tpu.memory_space<hbm>> -> memref<1x1x512x128xf32, #tpu.memory_space<hbm>>
    %dma_wait3A_1755 = tpu.memref_squeeze %dma_wait3A_1754 : memref<1x1x512x128xf32, #tpu.memory_space<hbm>> -> memref<512x128xf32, #tpu.memory_space<hbm>>
    %dma_wait3A_1756 = arith.constant 0 : i32
    %dma_wait3A_1757 = tpu.memref_slice %arg4[%sub3A_1690, %dma_wait3A_1756] : memref<1024x128xf32, #tpu.memory_space<vmem_shared>> -> memref<512x128xf32, #tpu.memory_space<vmem_shared>>
    tpu.wait_dma2 semaphore(%arg8 : memref<!tpu.dma_semaphore, #tpu.memory_space<semaphore_mem>>) src(%dma_wait3A_1757 : memref<512x128xf32, #tpu.memory_space<vmem_shared>>) dst(%dma_wait3A_1755 : memref<512x128xf32, #tpu.memory_space<hbm>>)
    %dma_wait3A_1758 = arith.constant 1 : i32
    %dma_wait3A_1759 = arith.constant 0 : i32
    %dma_wait3A_1760 = arith.constant 0 : i32
    %dma_wait3A_1761 = tpu.memref_slice %arg3[%dma_wait3A_1758, %add3A_1699, %dma_wait3A_1759, %dma_wait3A_1760] : memref<2x512x512x128xf32, #tpu.memory_space<hbm>> -> memref<1x1x512x128xf32, #tpu.memory_space<hbm>>
    %dma_wait3A_1762 = tpu.memref_squeeze %dma_wait3A_1761 : memref<1x1x512x128xf32, #tpu.memory_space<hbm>> -> memref<512x128xf32, #tpu.memory_space<hbm>>
    %dma_wait3A_1763 = arith.constant 0 : i32
    %dma_wait3A_1764 = tpu.memref_slice %arg4[%sub3A_1701, %dma_wait3A_1763] : memref<1024x128xf32, #tpu.memory_space<vmem_shared>> -> memref<512x128xf32, #tpu.memory_space<vmem_shared>>
    tpu.wait_dma2 semaphore(%arg8 : memref<!tpu.dma_semaphore, #tpu.memory_space<semaphore_mem>>) src(%dma_wait3A_1764 : memref<512x128xf32, #tpu.memory_space<vmem_shared>>) dst(%dma_wait3A_1762 : memref<512x128xf32, #tpu.memory_space<hbm>>)
    return
  }
}

module attributes {stable_mosaic.version = 14 : i64} {
  func.func @tc_body(%arg0: i32, %arg1: i32, %arg2: memref<512x128xf32, #tpu.memory_space<vmem>>, %arg3: memref<2x512x512x128xf32, #tpu.memory_space<any>>, %arg4: memref<1x16x512x128xf32, #tpu.memory_space<vmem>>, %arg5: memref<1024x128xf32, #tpu.memory_space<vmem>>) attributes {dimension_semantics = [#tpu.dimension_semantics<arbitrary>, #tpu.dimension_semantics<arbitrary>], iteration_bounds = array<i64: 2, 24>, scalar_prefetch = 0 : i64, scratch_operands = 1 : i64, tpu.core_type = #tpu.core_type<tc>, window_params = [{pipeline_mode = #tpu.pipeline_mode<synchronous>, transform_indices = @transform_0, window_bounds = array<i64: 512, 128>}, {}, {transform_indices = @transform_2, window_bounds = array<i64: 1, 16, 512, 128>}]} {
    %eq3A = arith.constant 0 : i32
    %eq3A_0 = arith.cmpi eq, %arg0, %eq3A : i32
    %eq3A_1 = arith.constant 0 : i32
    %eq3A_2 = arith.cmpi eq, %arg1, %eq3A_1 : i32
    %and3A = arith.andi %eq3A_0, %eq3A_2 : i1
    %convert_element_type3A = arith.extui %and3A : i1 to i32
    %cond3A = arith.constant 0 : i32
    %cond3A_3 = arith.cmpi ne, %convert_element_type3A, %cond3A : i32
    scf.if %cond3A_3 {
      %get3A_287 = arith.constant 0 : index
      %get3A_288 = arith.constant 0 : index
      %get3A_289 = vector.load %arg2[%get3A_287, %get3A_288] : memref<512x128xf32, #tpu.memory_space<vmem>>, vector<512x128xf32>
      %swap3A_290 = arith.constant 256 : index
      %swap3A_291 = arith.constant 0 : index
      %swap3A_292 = vector.load %arg5[%swap3A_290, %swap3A_291] : memref<1024x128xf32, #tpu.memory_space<vmem>>, vector<512x128xf32>
      tpu.vector_store %arg5[%swap3A_290, %swap3A_291], %get3A_289 {strides = array<i32>} : memref<1024x128xf32, #tpu.memory_space<vmem>>, vector<512x128xf32>,
      %get3A_293 = arith.constant 0 : index
      %get3A_294 = arith.constant 0 : index
      %get3A_295 = vector.load %arg2[%get3A_293, %get3A_294] : memref<512x128xf32, #tpu.memory_space<vmem>>, vector<1x128xf32>
      %broadcast_in_dim3A = vector.shape_cast %get3A_295 : vector<1x128xf32> to vector<1x128xf32>
      %broadcast_in_dim3A_296 = vector.broadcast %broadcast_in_dim3A : vector<1x128xf32> to vector<256x128xf32>
      %swap3A_297 = arith.constant 0 : index
      %swap3A_298 = arith.constant 0 : index
      %swap3A_299 = vector.load %arg5[%swap3A_297, %swap3A_298] : memref<1024x128xf32, #tpu.memory_space<vmem>>, vector<256x128xf32>
      tpu.vector_store %arg5[%swap3A_297, %swap3A_298], %broadcast_in_dim3A_296 {strides = array<i32>} : memref<1024x128xf32, #tpu.memory_space<vmem>>, vector<256x128xf32>,
      %get3A_300 = arith.constant 510 : index
      %get3A_301 = arith.constant 0 : index
      %get3A_302 = vector.load %arg2[%get3A_300, %get3A_301] : memref<512x128xf32, #tpu.memory_space<vmem>>, vector<1x128xf32>
      %broadcast_in_dim3A_303 = vector.shape_cast %get3A_302 : vector<1x128xf32> to vector<1x128xf32>
      %broadcast_in_dim3A_304 = vector.broadcast %broadcast_in_dim3A_303 : vector<1x128xf32> to vector<257x128xf32>
      %swap3A_305 = arith.constant 767 : index
      %swap3A_306 = arith.constant 0 : index
      %swap3A_307 = vector.load %arg5[%swap3A_305, %swap3A_306] : memref<1024x128xf32, #tpu.memory_space<vmem>>, vector<257x128xf32>
      tpu.vector_store %arg5[%swap3A_305, %swap3A_306], %broadcast_in_dim3A_304 {strides = array<i32>} : memref<1024x128xf32, #tpu.memory_space<vmem>>, vector<257x128xf32>,
    } else {
    }
    %mul3A = arith.constant 16 : i32
    %mul3A_4 = arith.muli %arg1, %mul3A : i32
    %add3A = arith.constant 128 : i32
    %add3A_5 = arith.addi %add3A, %mul3A_4 : i32
    %add3A_6 = arith.constant 0 : i32
    %add3A_7 = arith.addi %add3A_5, %add3A_6 : i32
    %sub3A = arith.constant 511 : i32
    %sub3A_8 = arith.subi %sub3A, %add3A_7 : i32
    %get3A = arith.index_cast %sub3A_8 : i32 to index
    %get3A_9 = arith.constant 0 : index
    %get3A_10 = vector.load %arg5[%get3A, %get3A_9] : memref<1024x128xf32, #tpu.memory_space<vmem>>, vector<512x128xf32>
    %swap3A = arith.constant 0 : index
    %swap3A_11 = arith.constant 0 : index
    %swap3A_12 = arith.constant 0 : index
    %swap3A_13 = arith.constant 0 : index
    %swap3A_14 = vector.load %arg4[%swap3A, %swap3A_11, %swap3A_12, %swap3A_13] : memref<1x16x512x128xf32, #tpu.memory_space<vmem>>, vector<1x1x512x128xf32>
    %swap3A_15 = vector.shape_cast %swap3A_14 : vector<1x1x512x128xf32> to vector<512x128xf32>
    %swap3A_16 = vector.shape_cast %get3A_10 : vector<512x128xf32> to vector<1x1x512x128xf32>
    tpu.vector_store %arg4[%swap3A, %swap3A_11, %swap3A_12, %swap3A_13], %swap3A_16 {strides = array<i32>} : memref<1x16x512x128xf32, #tpu.memory_space<vmem>>, vector<1x1x512x128xf32>,
    %mul3A_17 = arith.constant 16 : i32
    %mul3A_18 = arith.muli %arg1, %mul3A_17 : i32
    %add3A_19 = arith.constant 128 : i32
    %add3A_20 = arith.addi %add3A_19, %mul3A_18 : i32
    %add3A_21 = arith.constant 1 : i32
    %add3A_22 = arith.addi %add3A_20, %add3A_21 : i32
    %sub3A_23 = arith.constant 511 : i32
    %sub3A_24 = arith.subi %sub3A_23, %add3A_22 : i32
    %get3A_25 = arith.index_cast %sub3A_24 : i32 to index
    %get3A_26 = arith.constant 0 : index
    %get3A_27 = vector.load %arg5[%get3A_25, %get3A_26] : memref<1024x128xf32, #tpu.memory_space<vmem>>, vector<512x128xf32>
    %swap3A_28 = arith.constant 0 : index
    %swap3A_29 = arith.constant 1 : index
    %swap3A_30 = arith.constant 0 : index
    %swap3A_31 = arith.constant 0 : index
    %swap3A_32 = vector.load %arg4[%swap3A_28, %swap3A_29, %swap3A_30, %swap3A_31] : memref<1x16x512x128xf32, #tpu.memory_space<vmem>>, vector<1x1x512x128xf32>
    %swap3A_33 = vector.shape_cast %swap3A_32 : vector<1x1x512x128xf32> to vector<512x128xf32>
    %swap3A_34 = vector.shape_cast %get3A_27 : vector<512x128xf32> to vector<1x1x512x128xf32>
    tpu.vector_store %arg4[%swap3A_28, %swap3A_29, %swap3A_30, %swap3A_31], %swap3A_34 {strides = array<i32>} : memref<1x16x512x128xf32, #tpu.memory_space<vmem>>, vector<1x1x512x128xf32>,
    %mul3A_35 = arith.constant 16 : i32
    %mul3A_36 = arith.muli %arg1, %mul3A_35 : i32
    %add3A_37 = arith.constant 128 : i32
    %add3A_38 = arith.addi %add3A_37, %mul3A_36 : i32
    %add3A_39 = arith.constant 2 : i32
    %add3A_40 = arith.addi %add3A_38, %add3A_39 : i32
    %sub3A_41 = arith.constant 511 : i32
    %sub3A_42 = arith.subi %sub3A_41, %add3A_40 : i32
    %get3A_43 = arith.index_cast %sub3A_42 : i32 to index
    %get3A_44 = arith.constant 0 : index
    %get3A_45 = vector.load %arg5[%get3A_43, %get3A_44] : memref<1024x128xf32, #tpu.memory_space<vmem>>, vector<512x128xf32>
    %swap3A_46 = arith.constant 0 : index
    %swap3A_47 = arith.constant 2 : index
    %swap3A_48 = arith.constant 0 : index
    %swap3A_49 = arith.constant 0 : index
    %swap3A_50 = vector.load %arg4[%swap3A_46, %swap3A_47, %swap3A_48, %swap3A_49] : memref<1x16x512x128xf32, #tpu.memory_space<vmem>>, vector<1x1x512x128xf32>
    %swap3A_51 = vector.shape_cast %swap3A_50 : vector<1x1x512x128xf32> to vector<512x128xf32>
    %swap3A_52 = vector.shape_cast %get3A_45 : vector<512x128xf32> to vector<1x1x512x128xf32>
    tpu.vector_store %arg4[%swap3A_46, %swap3A_47, %swap3A_48, %swap3A_49], %swap3A_52 {strides = array<i32>} : memref<1x16x512x128xf32, #tpu.memory_space<vmem>>, vector<1x1x512x128xf32>,
    %mul3A_53 = arith.constant 16 : i32
    %mul3A_54 = arith.muli %arg1, %mul3A_53 : i32
    %add3A_55 = arith.constant 128 : i32
    %add3A_56 = arith.addi %add3A_55, %mul3A_54 : i32
    %add3A_57 = arith.constant 3 : i32
    %add3A_58 = arith.addi %add3A_56, %add3A_57 : i32
    %sub3A_59 = arith.constant 511 : i32
    %sub3A_60 = arith.subi %sub3A_59, %add3A_58 : i32
    %get3A_61 = arith.index_cast %sub3A_60 : i32 to index
    %get3A_62 = arith.constant 0 : index
    %get3A_63 = vector.load %arg5[%get3A_61, %get3A_62] : memref<1024x128xf32, #tpu.memory_space<vmem>>, vector<512x128xf32>
    %swap3A_64 = arith.constant 0 : index
    %swap3A_65 = arith.constant 3 : index
    %swap3A_66 = arith.constant 0 : index
    %swap3A_67 = arith.constant 0 : index
    %swap3A_68 = vector.load %arg4[%swap3A_64, %swap3A_65, %swap3A_66, %swap3A_67] : memref<1x16x512x128xf32, #tpu.memory_space<vmem>>, vector<1x1x512x128xf32>
    %swap3A_69 = vector.shape_cast %swap3A_68 : vector<1x1x512x128xf32> to vector<512x128xf32>
    %swap3A_70 = vector.shape_cast %get3A_63 : vector<512x128xf32> to vector<1x1x512x128xf32>
    tpu.vector_store %arg4[%swap3A_64, %swap3A_65, %swap3A_66, %swap3A_67], %swap3A_70 {strides = array<i32>} : memref<1x16x512x128xf32, #tpu.memory_space<vmem>>, vector<1x1x512x128xf32>,
    %mul3A_71 = arith.constant 16 : i32
    %mul3A_72 = arith.muli %arg1, %mul3A_71 : i32
    %add3A_73 = arith.constant 128 : i32
    %add3A_74 = arith.addi %add3A_73, %mul3A_72 : i32
    %add3A_75 = arith.constant 4 : i32
    %add3A_76 = arith.addi %add3A_74, %add3A_75 : i32
    %sub3A_77 = arith.constant 511 : i32
    %sub3A_78 = arith.subi %sub3A_77, %add3A_76 : i32
    %get3A_79 = arith.index_cast %sub3A_78 : i32 to index
    %get3A_80 = arith.constant 0 : index
    %get3A_81 = vector.load %arg5[%get3A_79, %get3A_80] : memref<1024x128xf32, #tpu.memory_space<vmem>>, vector<512x128xf32>
    %swap3A_82 = arith.constant 0 : index
    %swap3A_83 = arith.constant 4 : index
    %swap3A_84 = arith.constant 0 : index
    %swap3A_85 = arith.constant 0 : index
    %swap3A_86 = vector.load %arg4[%swap3A_82, %swap3A_83, %swap3A_84, %swap3A_85] : memref<1x16x512x128xf32, #tpu.memory_space<vmem>>, vector<1x1x512x128xf32>
    %swap3A_87 = vector.shape_cast %swap3A_86 : vector<1x1x512x128xf32> to vector<512x128xf32>
    %swap3A_88 = vector.shape_cast %get3A_81 : vector<512x128xf32> to vector<1x1x512x128xf32>
    tpu.vector_store %arg4[%swap3A_82, %swap3A_83, %swap3A_84, %swap3A_85], %swap3A_88 {strides = array<i32>} : memref<1x16x512x128xf32, #tpu.memory_space<vmem>>, vector<1x1x512x128xf32>,
    %mul3A_89 = arith.constant 16 : i32
    %mul3A_90 = arith.muli %arg1, %mul3A_89 : i32
    %add3A_91 = arith.constant 128 : i32
    %add3A_92 = arith.addi %add3A_91, %mul3A_90 : i32
    %add3A_93 = arith.constant 5 : i32
    %add3A_94 = arith.addi %add3A_92, %add3A_93 : i32
    %sub3A_95 = arith.constant 511 : i32
    %sub3A_96 = arith.subi %sub3A_95, %add3A_94 : i32
    %get3A_97 = arith.index_cast %sub3A_96 : i32 to index
    %get3A_98 = arith.constant 0 : index
    %get3A_99 = vector.load %arg5[%get3A_97, %get3A_98] : memref<1024x128xf32, #tpu.memory_space<vmem>>, vector<512x128xf32>
    %swap3A_100 = arith.constant 0 : index
    %swap3A_101 = arith.constant 5 : index
    %swap3A_102 = arith.constant 0 : index
    %swap3A_103 = arith.constant 0 : index
    %swap3A_104 = vector.load %arg4[%swap3A_100, %swap3A_101, %swap3A_102, %swap3A_103] : memref<1x16x512x128xf32, #tpu.memory_space<vmem>>, vector<1x1x512x128xf32>
    %swap3A_105 = vector.shape_cast %swap3A_104 : vector<1x1x512x128xf32> to vector<512x128xf32>
    %swap3A_106 = vector.shape_cast %get3A_99 : vector<512x128xf32> to vector<1x1x512x128xf32>
    tpu.vector_store %arg4[%swap3A_100, %swap3A_101, %swap3A_102, %swap3A_103], %swap3A_106 {strides = array<i32>} : memref<1x16x512x128xf32, #tpu.memory_space<vmem>>, vector<1x1x512x128xf32>,
    %mul3A_107 = arith.constant 16 : i32
    %mul3A_108 = arith.muli %arg1, %mul3A_107 : i32
    %add3A_109 = arith.constant 128 : i32
    %add3A_110 = arith.addi %add3A_109, %mul3A_108 : i32
    %add3A_111 = arith.constant 6 : i32
    %add3A_112 = arith.addi %add3A_110, %add3A_111 : i32
    %sub3A_113 = arith.constant 511 : i32
    %sub3A_114 = arith.subi %sub3A_113, %add3A_112 : i32
    %get3A_115 = arith.index_cast %sub3A_114 : i32 to index
    %get3A_116 = arith.constant 0 : index
    %get3A_117 = vector.load %arg5[%get3A_115, %get3A_116] : memref<1024x128xf32, #tpu.memory_space<vmem>>, vector<512x128xf32>
    %swap3A_118 = arith.constant 0 : index
    %swap3A_119 = arith.constant 6 : index
    %swap3A_120 = arith.constant 0 : index
    %swap3A_121 = arith.constant 0 : index
    %swap3A_122 = vector.load %arg4[%swap3A_118, %swap3A_119, %swap3A_120, %swap3A_121] : memref<1x16x512x128xf32, #tpu.memory_space<vmem>>, vector<1x1x512x128xf32>
    %swap3A_123 = vector.shape_cast %swap3A_122 : vector<1x1x512x128xf32> to vector<512x128xf32>
    %swap3A_124 = vector.shape_cast %get3A_117 : vector<512x128xf32> to vector<1x1x512x128xf32>
    tpu.vector_store %arg4[%swap3A_118, %swap3A_119, %swap3A_120, %swap3A_121], %swap3A_124 {strides = array<i32>} : memref<1x16x512x128xf32, #tpu.memory_space<vmem>>, vector<1x1x512x128xf32>,
    %mul3A_125 = arith.constant 16 : i32
    %mul3A_126 = arith.muli %arg1, %mul3A_125 : i32
    %add3A_127 = arith.constant 128 : i32
    %add3A_128 = arith.addi %add3A_127, %mul3A_126 : i32
    %add3A_129 = arith.constant 7 : i32
    %add3A_130 = arith.addi %add3A_128, %add3A_129 : i32
    %sub3A_131 = arith.constant 511 : i32
    %sub3A_132 = arith.subi %sub3A_131, %add3A_130 : i32
    %get3A_133 = arith.index_cast %sub3A_132 : i32 to index
    %get3A_134 = arith.constant 0 : index
    %get3A_135 = vector.load %arg5[%get3A_133, %get3A_134] : memref<1024x128xf32, #tpu.memory_space<vmem>>, vector<512x128xf32>
    %swap3A_136 = arith.constant 0 : index
    %swap3A_137 = arith.constant 7 : index
    %swap3A_138 = arith.constant 0 : index
    %swap3A_139 = arith.constant 0 : index
    %swap3A_140 = vector.load %arg4[%swap3A_136, %swap3A_137, %swap3A_138, %swap3A_139] : memref<1x16x512x128xf32, #tpu.memory_space<vmem>>, vector<1x1x512x128xf32>
    %swap3A_141 = vector.shape_cast %swap3A_140 : vector<1x1x512x128xf32> to vector<512x128xf32>
    %swap3A_142 = vector.shape_cast %get3A_135 : vector<512x128xf32> to vector<1x1x512x128xf32>
    tpu.vector_store %arg4[%swap3A_136, %swap3A_137, %swap3A_138, %swap3A_139], %swap3A_142 {strides = array<i32>} : memref<1x16x512x128xf32, #tpu.memory_space<vmem>>, vector<1x1x512x128xf32>,
    %mul3A_143 = arith.constant 16 : i32
    %mul3A_144 = arith.muli %arg1, %mul3A_143 : i32
    %add3A_145 = arith.constant 128 : i32
    %add3A_146 = arith.addi %add3A_145, %mul3A_144 : i32
    %add3A_147 = arith.constant 8 : i32
    %add3A_148 = arith.addi %add3A_146, %add3A_147 : i32
    %sub3A_149 = arith.constant 511 : i32
    %sub3A_150 = arith.subi %sub3A_149, %add3A_148 : i32
    %get3A_151 = arith.index_cast %sub3A_150 : i32 to index
    %get3A_152 = arith.constant 0 : index
    %get3A_153 = vector.load %arg5[%get3A_151, %get3A_152] : memref<1024x128xf32, #tpu.memory_space<vmem>>, vector<512x128xf32>
    %swap3A_154 = arith.constant 0 : index
    %swap3A_155 = arith.constant 8 : index
    %swap3A_156 = arith.constant 0 : index
    %swap3A_157 = arith.constant 0 : index
    %swap3A_158 = vector.load %arg4[%swap3A_154, %swap3A_155, %swap3A_156, %swap3A_157] : memref<1x16x512x128xf32, #tpu.memory_space<vmem>>, vector<1x1x512x128xf32>
    %swap3A_159 = vector.shape_cast %swap3A_158 : vector<1x1x512x128xf32> to vector<512x128xf32>
    %swap3A_160 = vector.shape_cast %get3A_153 : vector<512x128xf32> to vector<1x1x512x128xf32>
    tpu.vector_store %arg4[%swap3A_154, %swap3A_155, %swap3A_156, %swap3A_157], %swap3A_160 {strides = array<i32>} : memref<1x16x512x128xf32, #tpu.memory_space<vmem>>, vector<1x1x512x128xf32>,
    %mul3A_161 = arith.constant 16 : i32
    %mul3A_162 = arith.muli %arg1, %mul3A_161 : i32
    %add3A_163 = arith.constant 128 : i32
    %add3A_164 = arith.addi %add3A_163, %mul3A_162 : i32
    %add3A_165 = arith.constant 9 : i32
    %add3A_166 = arith.addi %add3A_164, %add3A_165 : i32
    %sub3A_167 = arith.constant 511 : i32
    %sub3A_168 = arith.subi %sub3A_167, %add3A_166 : i32
    %get3A_169 = arith.index_cast %sub3A_168 : i32 to index
    %get3A_170 = arith.constant 0 : index
    %get3A_171 = vector.load %arg5[%get3A_169, %get3A_170] : memref<1024x128xf32, #tpu.memory_space<vmem>>, vector<512x128xf32>
    %swap3A_172 = arith.constant 0 : index
    %swap3A_173 = arith.constant 9 : index
    %swap3A_174 = arith.constant 0 : index
    %swap3A_175 = arith.constant 0 : index
    %swap3A_176 = vector.load %arg4[%swap3A_172, %swap3A_173, %swap3A_174, %swap3A_175] : memref<1x16x512x128xf32, #tpu.memory_space<vmem>>, vector<1x1x512x128xf32>
    %swap3A_177 = vector.shape_cast %swap3A_176 : vector<1x1x512x128xf32> to vector<512x128xf32>
    %swap3A_178 = vector.shape_cast %get3A_171 : vector<512x128xf32> to vector<1x1x512x128xf32>
    tpu.vector_store %arg4[%swap3A_172, %swap3A_173, %swap3A_174, %swap3A_175], %swap3A_178 {strides = array<i32>} : memref<1x16x512x128xf32, #tpu.memory_space<vmem>>, vector<1x1x512x128xf32>,
    %mul3A_179 = arith.constant 16 : i32
    %mul3A_180 = arith.muli %arg1, %mul3A_179 : i32
    %add3A_181 = arith.constant 128 : i32
    %add3A_182 = arith.addi %add3A_181, %mul3A_180 : i32
    %add3A_183 = arith.constant 10 : i32
    %add3A_184 = arith.addi %add3A_182, %add3A_183 : i32
    %sub3A_185 = arith.constant 511 : i32
    %sub3A_186 = arith.subi %sub3A_185, %add3A_184 : i32
    %get3A_187 = arith.index_cast %sub3A_186 : i32 to index
    %get3A_188 = arith.constant 0 : index
    %get3A_189 = vector.load %arg5[%get3A_187, %get3A_188] : memref<1024x128xf32, #tpu.memory_space<vmem>>, vector<512x128xf32>
    %swap3A_190 = arith.constant 0 : index
    %swap3A_191 = arith.constant 10 : index
    %swap3A_192 = arith.constant 0 : index
    %swap3A_193 = arith.constant 0 : index
    %swap3A_194 = vector.load %arg4[%swap3A_190, %swap3A_191, %swap3A_192, %swap3A_193] : memref<1x16x512x128xf32, #tpu.memory_space<vmem>>, vector<1x1x512x128xf32>
    %swap3A_195 = vector.shape_cast %swap3A_194 : vector<1x1x512x128xf32> to vector<512x128xf32>
    %swap3A_196 = vector.shape_cast %get3A_189 : vector<512x128xf32> to vector<1x1x512x128xf32>
    tpu.vector_store %arg4[%swap3A_190, %swap3A_191, %swap3A_192, %swap3A_193], %swap3A_196 {strides = array<i32>} : memref<1x16x512x128xf32, #tpu.memory_space<vmem>>, vector<1x1x512x128xf32>,
    %mul3A_197 = arith.constant 16 : i32
    %mul3A_198 = arith.muli %arg1, %mul3A_197 : i32
    %add3A_199 = arith.constant 128 : i32
    %add3A_200 = arith.addi %add3A_199, %mul3A_198 : i32
    %add3A_201 = arith.constant 11 : i32
    %add3A_202 = arith.addi %add3A_200, %add3A_201 : i32
    %sub3A_203 = arith.constant 511 : i32
    %sub3A_204 = arith.subi %sub3A_203, %add3A_202 : i32
    %get3A_205 = arith.index_cast %sub3A_204 : i32 to index
    %get3A_206 = arith.constant 0 : index
    %get3A_207 = vector.load %arg5[%get3A_205, %get3A_206] : memref<1024x128xf32, #tpu.memory_space<vmem>>, vector<512x128xf32>
    %swap3A_208 = arith.constant 0 : index
    %swap3A_209 = arith.constant 11 : index
    %swap3A_210 = arith.constant 0 : index
    %swap3A_211 = arith.constant 0 : index
    %swap3A_212 = vector.load %arg4[%swap3A_208, %swap3A_209, %swap3A_210, %swap3A_211] : memref<1x16x512x128xf32, #tpu.memory_space<vmem>>, vector<1x1x512x128xf32>
    %swap3A_213 = vector.shape_cast %swap3A_212 : vector<1x1x512x128xf32> to vector<512x128xf32>
    %swap3A_214 = vector.shape_cast %get3A_207 : vector<512x128xf32> to vector<1x1x512x128xf32>
    tpu.vector_store %arg4[%swap3A_208, %swap3A_209, %swap3A_210, %swap3A_211], %swap3A_214 {strides = array<i32>} : memref<1x16x512x128xf32, #tpu.memory_space<vmem>>, vector<1x1x512x128xf32>,
    %mul3A_215 = arith.constant 16 : i32
    %mul3A_216 = arith.muli %arg1, %mul3A_215 : i32
    %add3A_217 = arith.constant 128 : i32
    %add3A_218 = arith.addi %add3A_217, %mul3A_216 : i32
    %add3A_219 = arith.constant 12 : i32
    %add3A_220 = arith.addi %add3A_218, %add3A_219 : i32
    %sub3A_221 = arith.constant 511 : i32
    %sub3A_222 = arith.subi %sub3A_221, %add3A_220 : i32
    %get3A_223 = arith.index_cast %sub3A_222 : i32 to index
    %get3A_224 = arith.constant 0 : index
    %get3A_225 = vector.load %arg5[%get3A_223, %get3A_224] : memref<1024x128xf32, #tpu.memory_space<vmem>>, vector<512x128xf32>
    %swap3A_226 = arith.constant 0 : index
    %swap3A_227 = arith.constant 12 : index
    %swap3A_228 = arith.constant 0 : index
    %swap3A_229 = arith.constant 0 : index
    %swap3A_230 = vector.load %arg4[%swap3A_226, %swap3A_227, %swap3A_228, %swap3A_229] : memref<1x16x512x128xf32, #tpu.memory_space<vmem>>, vector<1x1x512x128xf32>
    %swap3A_231 = vector.shape_cast %swap3A_230 : vector<1x1x512x128xf32> to vector<512x128xf32>
    %swap3A_232 = vector.shape_cast %get3A_225 : vector<512x128xf32> to vector<1x1x512x128xf32>
    tpu.vector_store %arg4[%swap3A_226, %swap3A_227, %swap3A_228, %swap3A_229], %swap3A_232 {strides = array<i32>} : memref<1x16x512x128xf32, #tpu.memory_space<vmem>>, vector<1x1x512x128xf32>,
    %mul3A_233 = arith.constant 16 : i32
    %mul3A_234 = arith.muli %arg1, %mul3A_233 : i32
    %add3A_235 = arith.constant 128 : i32
    %add3A_236 = arith.addi %add3A_235, %mul3A_234 : i32
    %add3A_237 = arith.constant 13 : i32
    %add3A_238 = arith.addi %add3A_236, %add3A_237 : i32
    %sub3A_239 = arith.constant 511 : i32
    %sub3A_240 = arith.subi %sub3A_239, %add3A_238 : i32
    %get3A_241 = arith.index_cast %sub3A_240 : i32 to index
    %get3A_242 = arith.constant 0 : index
    %get3A_243 = vector.load %arg5[%get3A_241, %get3A_242] : memref<1024x128xf32, #tpu.memory_space<vmem>>, vector<512x128xf32>
    %swap3A_244 = arith.constant 0 : index
    %swap3A_245 = arith.constant 13 : index
    %swap3A_246 = arith.constant 0 : index
    %swap3A_247 = arith.constant 0 : index
    %swap3A_248 = vector.load %arg4[%swap3A_244, %swap3A_245, %swap3A_246, %swap3A_247] : memref<1x16x512x128xf32, #tpu.memory_space<vmem>>, vector<1x1x512x128xf32>
    %swap3A_249 = vector.shape_cast %swap3A_248 : vector<1x1x512x128xf32> to vector<512x128xf32>
    %swap3A_250 = vector.shape_cast %get3A_243 : vector<512x128xf32> to vector<1x1x512x128xf32>
    tpu.vector_store %arg4[%swap3A_244, %swap3A_245, %swap3A_246, %swap3A_247], %swap3A_250 {strides = array<i32>} : memref<1x16x512x128xf32, #tpu.memory_space<vmem>>, vector<1x1x512x128xf32>,
    %mul3A_251 = arith.constant 16 : i32
    %mul3A_252 = arith.muli %arg1, %mul3A_251 : i32
    %add3A_253 = arith.constant 128 : i32
    %add3A_254 = arith.addi %add3A_253, %mul3A_252 : i32
    %add3A_255 = arith.constant 14 : i32
    %add3A_256 = arith.addi %add3A_254, %add3A_255 : i32
    %sub3A_257 = arith.constant 511 : i32
    %sub3A_258 = arith.subi %sub3A_257, %add3A_256 : i32
    %get3A_259 = arith.index_cast %sub3A_258 : i32 to index
    %get3A_260 = arith.constant 0 : index
    %get3A_261 = vector.load %arg5[%get3A_259, %get3A_260] : memref<1024x128xf32, #tpu.memory_space<vmem>>, vector<512x128xf32>
    %swap3A_262 = arith.constant 0 : index
    %swap3A_263 = arith.constant 14 : index
    %swap3A_264 = arith.constant 0 : index
    %swap3A_265 = arith.constant 0 : index
    %swap3A_266 = vector.load %arg4[%swap3A_262, %swap3A_263, %swap3A_264, %swap3A_265] : memref<1x16x512x128xf32, #tpu.memory_space<vmem>>, vector<1x1x512x128xf32>
    %swap3A_267 = vector.shape_cast %swap3A_266 : vector<1x1x512x128xf32> to vector<512x128xf32>
    %swap3A_268 = vector.shape_cast %get3A_261 : vector<512x128xf32> to vector<1x1x512x128xf32>
    tpu.vector_store %arg4[%swap3A_262, %swap3A_263, %swap3A_264, %swap3A_265], %swap3A_268 {strides = array<i32>} : memref<1x16x512x128xf32, #tpu.memory_space<vmem>>, vector<1x1x512x128xf32>,
    %mul3A_269 = arith.constant 16 : i32
    %mul3A_270 = arith.muli %arg1, %mul3A_269 : i32
    %add3A_271 = arith.constant 128 : i32
    %add3A_272 = arith.addi %add3A_271, %mul3A_270 : i32
    %add3A_273 = arith.constant 15 : i32
    %add3A_274 = arith.addi %add3A_272, %add3A_273 : i32
    %sub3A_275 = arith.constant 511 : i32
    %sub3A_276 = arith.subi %sub3A_275, %add3A_274 : i32
    %get3A_277 = arith.index_cast %sub3A_276 : i32 to index
    %get3A_278 = arith.constant 0 : index
    %get3A_279 = vector.load %arg5[%get3A_277, %get3A_278] : memref<1024x128xf32, #tpu.memory_space<vmem>>, vector<512x128xf32>
    %swap3A_280 = arith.constant 0 : index
    %swap3A_281 = arith.constant 15 : index
    %swap3A_282 = arith.constant 0 : index
    %swap3A_283 = arith.constant 0 : index
    %swap3A_284 = vector.load %arg4[%swap3A_280, %swap3A_281, %swap3A_282, %swap3A_283] : memref<1x16x512x128xf32, #tpu.memory_space<vmem>>, vector<1x1x512x128xf32>
    %swap3A_285 = vector.shape_cast %swap3A_284 : vector<1x1x512x128xf32> to vector<512x128xf32>
    %swap3A_286 = vector.shape_cast %get3A_279 : vector<512x128xf32> to vector<1x1x512x128xf32>
    tpu.vector_store %arg4[%swap3A_280, %swap3A_281, %swap3A_282, %swap3A_283], %swap3A_286 {strides = array<i32>} : memref<1x16x512x128xf32, #tpu.memory_space<vmem>>, vector<1x1x512x128xf32>,
    return
  }
  func.func @transform_0(%arg0: i32, %arg1: i32) -> (i32, i32) {
    %c0_i32 = arith.constant 0 : i32
    %c0_i32_0 = arith.constant 0 : i32
    %c0_i32_1 = arith.constant 0 : i32
    return %c0_i32, %c0_i32_0 : i32, i32
  }
  func.func @transform_2(%arg0: i32, %arg1: i32) -> (i32, i32, i32, i32) {
    %add3A = arith.constant 8 : i32
    %add3A_0 = arith.addi %arg1, %add3A : i32
    %c0_i32 = arith.constant 0 : i32
    %c0_i32_1 = arith.constant 0 : i32
    %c0_i32_2 = arith.constant 0 : i32
    return %arg0, %add3A_0, %c0_i32, %c0_i32_1 : i32, i32, i32, i32
  }
}

</mosaic_0001>

<sc_bundles>
// kernel: kernel.4.cloned.1.call-start
scs
__scs_entry_jumppad:
0x0: {  	(pc) =	sbr.rel $0x88, $3  }
0x1: {  	(tag) =	ssettag $0x0;
	lr =	simm.s32 $0x1  }
0x2: {  	[smem:$0x3FA0] =	sst lr;
	_ =	strace $0xD0000000  }
0x3: {  	_ = 	snop  }
0x4: {  	_ = 	snop  }
0x5: {  	_ = 	snop  }
0x6: {  	_ = 	snop  }
0x7: {  	_ = 	snop  }
__scs_overlays_trampoline_lowered:
0x8: {  	[smem:$0x3FAF] =	sst s0  }
0x9: {  	[smem:$0x3FB0] =	sst s1  }
0xa: {  	[smem:$0x3FB1] =	sst s2  }
0xb: {  	[smem:$0x3FB2] =	sst s3  }
0xc: {  	[smem:$0x3FB3] =	sst s4  }
0xd: {  	[smem:$0x3FB4] =	sst s5  }
0xe: {  	[smem:$0x3FB5] =	sst s6  }
0xf: {  	[smem:$0x3FB6] =	sst s7  }
0x10: {  	[smem:$0x3FB7] =	sst s8  }
0x11: {  	[smem:$0x3FB8] =	sst s9;
	s0 =	simm.s32 @!p0 $0x0  }
0x12: {  	s1 =	sld [smem:$0x3F9E];
	s0 =	simm.s32 @p0 $0x1  }
0x13: {  	[smem:$0x3FB9] =	sst s0;
	s0 =	simm.s32 @!p1 $0x0  }
0x14: {  	s2 =	sld [smem:$0x3F9D];
	s0 =	simm.s32 @p1 $0x1  }
0x15: {  	[smem:$0x3FBA] =	sst s0;
	s0 =	simm.s32 @!p2 $0x0  }
0x16: {  	s3 =	sld [smem:$0x3FDB];
	s0 =	simm.s32 @p2 $0x1  }
0x17: {  	s4 =	simm.s32 $0x1BF5;
	[smem:$0x3FBC] =	sst s0  }
0x18: {  	s0 =	sld [smem:$0x3F9F];
	_ =	swait.ge [sflag:s4], $0x0  }
0x19: {  	s7 =	sld [smem:$0x3FA0]  }
0x1a: {  	s8 =	sadd.s32 $0xFFFFE003, lr  }
0x1b: {  	s9 =	sadd.s32 $0xFFFFFEF7, lr;
	s5 =	simm.s32 $0xFFFFFFFF;
	p2 =	slt.u32 s8, $0xFFFFF086  }
0x1c: {  	p1 =	slt.u32 s9, $0xF7A;
	s5 =	simm.s32 @!p2 $0x0  }
0x1d: {  	s5 =	simm.s32 @p1 $0x1;
	p0 =	seq.s32 s7, s2  }
0x1e: {  	s7 =	smul.u32 @!p0 $0xF7A, s2;
	p2 =	seq.s32 @!p0 s5, $0x0  }
0x1f: {  	s9 =	smul.u32 $0xF7A, s1;
	s8 =	simm.s32 @!p0 $0x1BF5;
	p2 =	por !p2, p0  }
0x20: {  	[sflag:s8] =	ssyncset.s32 @!p0 $0xFFFFF086;
	s6 =	sadd.s32 @!p0 s3, s7;
	s7 =	simm.s32 @!p0 $0x108  }
0x21: {  	s3 =	sadd.s32 s3, s9;
	s6 =	sadd.s32 @!p0 $0x88, s6;
	s7 =	simm.s32 @p2 $0x1082  }
0x22: {  	[simem:s7], [sflag:s8] =	dma.local @!p0 [hbm:s6], $0xF7A  }
0x23: {  	s9 =	sor.u32 $0xD0000000, s2;
	s6 =	simm.s32 $0x108;
	_ =	swait.ge @!p0 [sflag:s8], $0x0  }
0x24: {  	s3 =	sadd.s32 $0x88, s3;
	s6 =	simm.s32 @!p1 $0x1082;
	[sflag:s4] =	ssyncset.s32 $0xFFFFF086  }
0x25: {  	[simem:s6], [sflag:s4] =	dma.local [hbm:s3], $0xF7A  }
0x26: {  	[smem:$0x3FA0] =	sst s1;
	(tag) =	ssettag s2;
	_ =	strace s9  }
0x27: {  	s1 =	sld [smem:$0x3FB0]  }
0x28: {  	s2 =	sld [smem:$0x3FB1]  }
0x29: {  	s4 =	sld [smem:$0x3FB3]  }
0x2a: {  	p0 =	seq.s32 s5, $0x0;
	s5 =	sld [smem:$0x3FB4]  }
0x2b: {  	s6 =	sld [smem:$0x3FB5]  }
0x2c: {  	s7 =	sld [smem:$0x3FB6]  }
0x2d: {  	s3 =	simm.s32 $0x108;
	s8 =	sld [smem:$0x3FB7]  }
0x2e: {  	s3 =	simm.s32 @!p0 $0x1082;
	s9 =	sld [smem:$0x3FB8]  }
0x2f: {  	lr =	sadd.s32 s0, s3;
	s0 =	sld [smem:$0x3FAF]  }
0x30: {  	s3 =	sld [smem:$0x3FB2]  }
0x31: {  	[smem:$0x3FBB] =	sst s10  }
0x32: {  	s10 =	sld [smem:$0x3FB9];
	_ =	sdelay $0x3  }
0x33: {  	p0 =	seq.s32 s10, $0x1;
	s10 =	sld [smem:$0x3FBB];
	_ =	sdelay $0x3  }
0x34: {  	[smem:$0x3FBB] =	sst s10  }
0x35: {  	s10 =	sld [smem:$0x3FBA];
	_ =	sdelay $0x3  }
0x36: {  	p1 =	seq.s32 s10, $0x1;
	s10 =	sld [smem:$0x3FBB];
	_ =	sdelay $0x3  }
0x37: {  	[smem:$0x3FBB] =	sst s10  }
0x38: {  	s10 =	sld [smem:$0x3FBC]  }
0x39: {  	_ = 	snop;
	(pc) =	sbr.ind lr, $3  }
0x3a: {  	_ = 	snop  }
0x3b: {  	_ = 	snop  }
0x3c: {  	p2 =	seq.s32 s10, $0x1;
	s10 =	sld [smem:$0x3FBB]  }
0x3d: {  	_ =	shalt  }
0x3e: {  	_ =	shalt  }
0x3f: {  	_ =	shalt  }
0x40: {  	_ =	shalt  }
0x41: {  	_ =	shalt  }
0x42: {  	_ =	shalt  }
0x43: {  	_ =	shalt  }
0x44: {  	_ =	shalt  }
0x45: {  	_ =	shalt  }
0x46: {  	_ =	shalt  }
0x47: {  	_ =	shalt  }
0x48: {  	_ =	shalt  }
0x49: {  	_ =	shalt  }
0x4a: {  	_ =	shalt  }
0x4b: {  	_ =	shalt  }
0x4c: {  	_ =	shalt  }
0x4d: {  	_ =	shalt  }
0x4e: {  	_ =	shalt  }
0x4f: {  	_ =	shalt  }
0x50: {  	_ =	shalt  }
0x51: {  	_ =	shalt  }
0x52: {  	_ =	shalt  }
0x53: {  	_ =	shalt  }
0x54: {  	_ =	shalt  }
0x55: {  	_ =	shalt  }
0x56: {  	_ =	shalt  }
0x57: {  	_ =	shalt  }
0x58: {  	_ =	shalt  }
0x59: {  	_ =	shalt  }
0x5a: {  	_ =	shalt  }
0x5b: {  	_ =	shalt  }
0x5c: {  	_ =	shalt  }
0x5d: {  	_ =	shalt  }
0x5e: {  	_ =	shalt  }
0x5f: {  	_ =	shalt  }
0x60: {  	_ =	shalt  }
0x61: {  	_ =	shalt  }
0x62: {  	_ =	shalt  }
0x63: {  	_ =	shalt  }
0x64: {  	_ =	shalt  }
0x65: {  	_ =	shalt  }
0x66: {  	_ =	shalt  }
0x67: {  	_ =	shalt  }
0x68: {  	_ =	shalt  }
0x69: {  	_ =	shalt  }
0x6a: {  	_ =	shalt  }
0x6b: {  	_ =	shalt  }
0x6c: {  	_ =	shalt  }
0x6d: {  	_ =	shalt  }
0x6e: {  	_ =	shalt  }
0x6f: {  	_ =	shalt  }
0x70: {  	_ =	shalt  }
0x71: {  	_ =	shalt  }
0x72: {  	_ =	shalt  }
0x73: {  	_ =	shalt  }
0x74: {  	_ =	shalt  }
0x75: {  	_ =	shalt  }
0x76: {  	_ =	shalt  }
0x77: {  	_ =	shalt  }
0x78: {  	_ =	shalt  }
0x79: {  	_ =	shalt  }
0x7a: {  	_ =	shalt  }
0x7b: {  	_ =	shalt  }
0x7c: {  	_ =	shalt  }
0x7d: {  	_ =	shalt  }
0x7e: {  	_ =	shalt  }
0x7f: {  	_ =	shalt  }
0x80: {  	_ =	shalt  }
0x81: {  	_ =	shalt  }
0x82: {  	_ =	shalt  }
0x83: {  	_ =	shalt  }
0x84: {  	_ =	shalt  }
0x85: {  	_ =	shalt  }
0x86: {  	_ =	shalt  }
0x87: {  	_ =	shalt  }
.Lfunc_end0:
.L_simem_size_0:
called_computation_lowered:
.L_overlay_start_0:
0x88: {  	s2 =	sld [smem:$0x3FD9]  }
0x89: {  	s3 =	sld [smem:$0x3FFE];
	_ =	sdelay $0x1  }
0x8a: {  	s1 =	srdreg.scid  }
0x8b: {  	s0 =	sand.u32 $0x1, s1  }
0x8c: {  	s18 =	sshll.u32 s0, $0xA;
	s2 =	sadd.s32 s3, s2  }
0x8d: {  	s2 =	sadd.s32 s2, s18  }
0x8e: {  	[smem:$0x3FC7] =	sst s2  }
0x8f: {  	_ = 	snop  }
0x90: {  	s2 =	sld [smem:$0x3FC9]  }
0x91: {  	s19 =	sld [smem:$0x3FD0];
	(tm) =	ssettm $0x1  }
0x92: {  	s4 =	sld [smem:$0x3FFB];
	_ =	sdelay $0x3  }
0x93: {  	_ =	strace s4  }
0x94: {  	s4 =	sld [smem:$0x3FFC];
	_ =	sdelay $0x3  }
0x95: {  	_ =	strace s4  }
0x96: {  	s4 =	sld [smem:$0x3FFD];
	_ =	sdelay $0x3  }
0x97: {  	_ =	strace s4  }
0x98: {  	_ =	strace $0x8FFFFFFF  }
0x99: {  	s20 =	sld [smem:$0x3FDB];
	_ =	sdelay $0x1  }
0x9a: {  	s5 =	simm.s32 $_scs_section_size  }
0x9b: {  	s6 =	simm.s32 $_size__tile_overlayer_lowered;
	s7 =	simm.s32 $_tile_overlayer_lowered  }
0x9c: {  	s23 =	simm.s32 $0x1BFF;
	s22 =	sshll.u32 s7, $0x1;
	s4 =	sadd.s32 s5, s20  }
0x9d: {  	s8 =	simm.s32 $0x0;
	s21 =	sshll.u32 s6, $0x1;
	s6 =	sadd.s32 s22, s4  }
0x9e: {  	[timem:s8], [sflag:s23] =	dma.local [hbm:s6], s21  }
0x9f: {  	_ =	swait.ge [sflag:s23], s21  }
0xa0: {  	s5 =	ssub.s32 $0x0, s21;
	[sflag:s23] =	ssyncset.done $0x0  }
0xa1: {  	[sflag:s23] =	ssyncadd.s32 s5;
	_ =	sdelay $0x1  }
0xa2: {  	s24 =	simm.s32 $0x1B8B  }
0xa3: {  	_ =	swait.ge [sflag:s24], $0x1  }
0xa4: {  	[sflag:s24] =	ssyncset.done $0x0  }
0xa5: {  	s25 =	simm.s32 $0x1B8E;
	[sflag:s24] =	ssyncadd.s32 $0xFFFFFFFF  }
0xa6: {  	s26 =	simm.s32 $execute0_lowered;
	[smem:$0x3FD2] =	sst s25  }
0xa7: {  	s5 =	sshll.u32 s26, $0x1;
	_ =	strace $0x80000046;
	[dreg:$0x1] =	wrdreg $0xFFFFFFFF  }
0xa8: {  	s28 =	simm.s32 $_size_execute0_lowered;
	s4 =	sadd.s32 s4, s5;
	[dreg:$0x0] =	wrdreg $0x0  }
0xa9: {  	s5 =	sshll.u32 s28, $0x1;
	[dreg:$0x2] =	wrdreg s4  }
0xaa: {  	[dreg:$0x3] =	wrdreg s5  }
0xab: {  	[dreg:$0x4] =	wrdreg $0xC0  }
0xac: {  	_ =	task [dreg:s8], $0x5FFFF  }
0xad: {  	[dreg:$0x1] =	wrdreg $0xFFFFFFFF  }
0xae: {  	[dreg:$0x0] =	wrdreg $0x60  }
0xaf: {  	[dreg:$0x2] =	wrdreg s2  }
0xb0: {  	[dreg:$0x3] =	wrdreg s19  }
0xb1: {  	[dreg:$0x4] =	wrdreg $0x0  }
0xb2: {  	[dreg:$0x5] =	wrdreg $0x9  }
0xb3: {  	_ =	task.clear_ibuf [dreg:s8], $0x6FFFF;
	_ =	strace $0x90000046  }
0xb4: {  	s29 =	simm.s32 $0x9;
	_ =	strace $0x80000048  }
0xb5: {  	_ =	swait.ge [sflag:s29], $0x1  }
0xb6: {  	[sflag:s29] =	ssyncadd.s32 $0xFFFFFFFF  }
0xb7: {  	_ =	strace $0x90000048  }
0xb8: {  	_ =	sfence  }
0xb9: {  	s30 =	sld [smem:$0x0];
	_ =	sdelay $0x2  }
0xba: {  	s31 =	sshll.u32 s1, $0xD;
	s1 =	sshrl.u32 s1, $0x2  }
0xbb: {  	s3 =	sand.u32 $0x4000, s31;
	s1 =	sadd.s32 s1, s30  }
0xbc: {  	s0 =	sor.u32 s3, s0;
	s1 =	sshll.u32 s1, $0x11  }
0xbd: {  	s0 =	sor.u32 s1, s0  }
0xbe: {  	s0 =	sadd.s32 $0x8F2B, s0  }
0xbf: {  	[sflag:s0] =	ssyncadd.remote.s32 $0x1  }
0xc0: {  	_ =	sfence.sel $0xFFFF  }
0xc1: {  	[dreg:$0x0] =	wrdreg $0xFFFFFFFF;
	(pc) =	sbr.abs _section_cstart, $3  }
0xc2: {  	[dreg:$0x1] =	wrdreg $0xFFFFFFFF  }
0xc3: {  	_ =	task.clear_ibuf [dreg:s8], $0x2FFFF;
	_ =	strace $0x9FFFFFFF  }
0xc4: {  	(tm) =	ssettm $0x7FFFFFFF  }
0xc5: {  	_ =	shalt  }
tec
execute0_lowered:
.L_overlay_start_1:
0x0: {  	(tag) =	ssettag $0x1  }
0x1: {  	s1 =	rddreg [dreg:$0x0]  }
0x2: {  	s9 =	rddreg [dreg:$0x1]  }
0x3: {  	s10 =	rddreg [dreg:$0x2]  }
0x4: {  	s3 =	srdreg.scid;
	s0 =	rddreg [dreg:$0x3];
	s2 =	simm.s32 $0x0  }
0x5: {  	s19 =	simm.s32 $0x2000;
	s20 =	simm.s32 $0x3;
	s28 =	simm.s32 $0x1  }
0x6: {  	s29 =	simm.s32 $0x2;
	s6 =	sand.u32 $0x1, s3;
	[smem:$0x7FF] =	sst s2  }
0x7: {  	s3 =	stileid.u32;
	s21 =	sadd.s32 $0x17F80, s10;
	s4 =	ssub.s32 $0x2, s6  }
0x8: {  	_ =	strace $0x80000047;
	s26 =	sshll.u32 s3, $0xC;
	s30 =	sshll.u32 s3, $0x9  }
0x9: {  	s31 =	sshll.u32 s3, $0xB;
	s8 =	sshll.u32 s3, $0x3;
	s11 =	sshll.u32 s6, $0x2  }
0xa: {  	p0 =	sne.s32 s3, $0xF;
	s5 =	sshrl.u32 s4, $0x1;
	s7 =	sadd.s32 s26, s10  }
0xb: {  	s6 =	sadd.s32 s31, s10;
	s11 =	sor.u32 s11, s8;
	s21 =	sshrl.u32 @!p0 s21, $0x3  }
0xc: {  	s26 =	simm.s32 $0x2080;
	s17 =	ssub.s32 s4, s5;
	s5 =	sadd.s32 s1, s30  }
0xd: {  	s4 =	sshll.u32 s3, $0x6;
	s18 =	sadd.s32 $0x8000, s7;
	s7 =	sadd.s32 $0x1FE0, s1  }
0xe: {  	s8 =	sadd.s32 $0x18000, s6;
	s12 =	sshll.u32 s11, $0xD;
	s11 =	sshll.u32 s11, $0x7  }
0xf: {  	[dreg:$0x4] =	wrdreg s5;
	s5 =	sor.u32 $0x1C01, s4;
	s9 =	sadd.s32 s9, s12  }
0x10: {  	s16 =	ssub.s32 s10, s11;
	s17 =	smax.u32 s17, $0x1;
	s18 =	sshrl.u32 s18, $0x3  }
0x11: {  	s22 =	sadd.s32 $0xFF80, s16;
	s10 =	sadd.s32 $0x400000, s9;
	s11 =	sadd.s32 $0x2000, s9  }
0x12: {  	s23 =	sadd.s32 $0xFF00, s16;
	s12 =	sadd.s32 $0x402000, s9;
	s13 =	sadd.s32 $0x4000, s9  }
0x13: {  	s24 =	sadd.s32 $0xFE80, s16;
	s14 =	sadd.s32 $0x404000, s9;
	s15 =	sadd.s32 $0x6000, s9  }
0x14: {  	s25 =	sadd.s32 $0xFE00, s16;
	s16 =	sadd.s32 $0x406000, s9;
	s22 =	sshrl.u32 s22, $0x3  }
0x15: {  	s23 =	sshrl.u32 s23, $0x3;
	s24 =	sshrl.u32 s24, $0x3;
	s25 =	sshrl.u32 s25, $0x3  }
.LBB2_1:
0x16: {  	s30 =	rddreg [dreg:$0x4]  }
0x17: {  	[spmem:s18], [sflag:s5] =	dma.local [hbm:s30], $0x200  }
0x18: {  	[tilespmem:s19], [sflag:$0x3] =	stream.linear.gather [hbm4b:s1+s2], $0x80, $0x38;
	[tilespmem:$0x2880] =	vst v63  }
0x19: {  	_ =	swait.ge [sflag:s20], $0x80  }
0x1a: {  	[sflag:s20] =	ssyncset.done $0x0  }
0x1b: {  	[sflag:s20] =	ssyncadd.s32 $0xFFFFFF80  }
0x1c: {  	v0 =	vld [tilespmem:$0x2000];
	_ =	sdelay $0x4  }
0x1d: {  	[tilespmem:$0x2080] =	vst v0  }
0x1e: {  	[tilespmem:$0x2100] =	vst v0  }
0x1f: {  	[tilespmem:$0x2180] =	vst v0  }
0x20: {  	[tilespmem:$0x2200] =	vst v0  }
0x21: {  	[tilespmem:$0x2280] =	vst v0  }
0x22: {  	[tilespmem:$0x2300] =	vst v0  }
0x23: {  	[tilespmem:$0x2380] =	vst v0  }
0x24: {  	[tilespmem:$0x2400] =	vst v0  }
0x25: {  	[tilespmem:$0x2480] =	vst v0  }
0x26: {  	[tilespmem:$0x2500] =	vst v0  }
0x27: {  	[tilespmem:$0x2580] =	vst v0  }
0x28: {  	v1 =	vld [tilespmem:$0x2010];
	[tilespmem:$0x2600] =	vst v0  }
0x29: {  	[tilespmem:$0x2680] =	vst v0  }
0x2a: {  	[tilespmem:$0x2700] =	vst v0  }
0x2b: {  	[tilespmem:$0x2780] =	vst v0  }
0x2c: {  	[tilespmem:$0x2800] =	vst v0  }
0x2d: {  	[tilespmem:$0x2090] =	vst v1  }
0x2e: {  	[tilespmem:$0x2110] =	vst v1  }
0x2f: {  	[tilespmem:$0x2190] =	vst v1  }
0x30: {  	[tilespmem:$0x2210] =	vst v1  }
0x31: {  	[tilespmem:$0x2290] =	vst v1  }
0x32: {  	[tilespmem:$0x2310] =	vst v1  }
0x33: {  	[tilespmem:$0x2390] =	vst v1  }
0x34: {  	[tilespmem:$0x2410] =	vst v1  }
0x35: {  	[tilespmem:$0x2490] =	vst v1  }
0x36: {  	[tilespmem:$0x2510] =	vst v1  }
0x37: {  	[tilespmem:$0x2590] =	vst v1  }
0x38: {  	v50 =	vld [tilespmem:$0x2020];
	[tilespmem:$0x2610] =	vst v1  }
0x39: {  	[tilespmem:$0x2690] =	vst v1  }
0x3a: {  	[tilespmem:$0x2710] =	vst v1  }
0x3b: {  	[tilespmem:$0x2790] =	vst v1  }
0x3c: {  	[tilespmem:$0x2810] =	vst v1  }
0x3d: {  	[tilespmem:$0x20A0] =	vst v50  }
0x3e: {  	[tilespmem:$0x2120] =	vst v50  }
0x3f: {  	[tilespmem:$0x21A0] =	vst v50  }
0x40: {  	[tilespmem:$0x2220] =	vst v50  }
0x41: {  	[tilespmem:$0x22A0] =	vst v50  }
0x42: {  	[tilespmem:$0x2320] =	vst v50  }
0x43: {  	[tilespmem:$0x23A0] =	vst v50  }
0x44: {  	[tilespmem:$0x2420] =	vst v50  }
0x45: {  	[tilespmem:$0x24A0] =	vst v50  }
0x46: {  	[tilespmem:$0x2520] =	vst v50  }
0x47: {  	[tilespmem:$0x25A0] =	vst v50  }
0x48: {  	v51 =	vld [tilespmem:$0x2030];
	[tilespmem:$0x2620] =	vst v50  }
0x49: {  	[tilespmem:$0x26A0] =	vst v50  }
0x4a: {  	[tilespmem:$0x2720] =	vst v50  }
0x4b: {  	[tilespmem:$0x27A0] =	vst v50  }
0x4c: {  	[tilespmem:$0x2820] =	vst v50  }
0x4d: {  	[tilespmem:$0x20B0] =	vst v51  }
0x4e: {  	[tilespmem:$0x2130] =	vst v51  }
0x4f: {  	[tilespmem:$0x21B0] =	vst v51  }
0x50: {  	[tilespmem:$0x2230] =	vst v51  }
0x51: {  	[tilespmem:$0x22B0] =	vst v51  }
0x52: {  	[tilespmem:$0x2330] =	vst v51  }
0x53: {  	[tilespmem:$0x23B0] =	vst v51  }
0x54: {  	[tilespmem:$0x2430] =	vst v51  }
0x55: {  	[tilespmem:$0x24B0] =	vst v51  }
0x56: {  	[tilespmem:$0x2530] =	vst v51  }
0x57: {  	[tilespmem:$0x25B0] =	vst v51  }
0x58: {  	v52 =	vld [tilespmem:$0x2040];
	[tilespmem:$0x2630] =	vst v51  }
0x59: {  	[tilespmem:$0x26B0] =	vst v51  }
0x5a: {  	[tilespmem:$0x2730] =	vst v51  }
0x5b: {  	[tilespmem:$0x27B0] =	vst v51  }
0x5c: {  	[tilespmem:$0x2830] =	vst v51  }
0x5d: {  	[tilespmem:$0x20C0] =	vst v52  }
0x5e: {  	[tilespmem:$0x2140] =	vst v52  }
0x5f: {  	[tilespmem:$0x21C0] =	vst v52  }
0x60: {  	[tilespmem:$0x2240] =	vst v52  }
0x61: {  	[tilespmem:$0x22C0] =	vst v52  }
0x62: {  	[tilespmem:$0x2340] =	vst v52  }
0x63: {  	[tilespmem:$0x23C0] =	vst v52  }
0x64: {  	[tilespmem:$0x2440] =	vst v52  }
0x65: {  	[tilespmem:$0x24C0] =	vst v52  }
0x66: {  	[tilespmem:$0x2540] =	vst v52  }
0x67: {  	[tilespmem:$0x25C0] =	vst v52  }
0x68: {  	v53 =	vld [tilespmem:$0x2050];
	[tilespmem:$0x2640] =	vst v52  }
0x69: {  	[tilespmem:$0x26C0] =	vst v52  }
0x6a: {  	[tilespmem:$0x2740] =	vst v52  }
0x6b: {  	[tilespmem:$0x27C0] =	vst v52  }
0x6c: {  	[tilespmem:$0x2840] =	vst v52  }
0x6d: {  	[tilespmem:$0x20D0] =	vst v53  }
0x6e: {  	[tilespmem:$0x2150] =	vst v53  }
0x6f: {  	[tilespmem:$0x21D0] =	vst v53  }
0x70: {  	[tilespmem:$0x2250] =	vst v53  }
0x71: {  	[tilespmem:$0x22D0] =	vst v53  }
0x72: {  	[tilespmem:$0x2350] =	vst v53  }
0x73: {  	[tilespmem:$0x23D0] =	vst v53  }
0x74: {  	[tilespmem:$0x2450] =	vst v53  }
0x75: {  	[tilespmem:$0x24D0] =	vst v53  }
0x76: {  	[tilespmem:$0x2550] =	vst v53  }
0x77: {  	[tilespmem:$0x25D0] =	vst v53  }
0x78: {  	v54 =	vld [tilespmem:$0x2060];
	[tilespmem:$0x2650] =	vst v53  }
0x79: {  	[tilespmem:$0x26D0] =	vst v53  }
0x7a: {  	[tilespmem:$0x2750] =	vst v53  }
0x7b: {  	[tilespmem:$0x27D0] =	vst v53  }
0x7c: {  	[tilespmem:$0x2850] =	vst v53  }
0x7d: {  	[tilespmem:$0x20E0] =	vst v54  }
0x7e: {  	[tilespmem:$0x2160] =	vst v54  }
0x7f: {  	[tilespmem:$0x21E0] =	vst v54  }
0x80: {  	[tilespmem:$0x2260] =	vst v54  }
0x81: {  	[tilespmem:$0x22E0] =	vst v54  }
0x82: {  	[tilespmem:$0x2360] =	vst v54  }
0x83: {  	[tilespmem:$0x23E0] =	vst v54  }
0x84: {  	[tilespmem:$0x2460] =	vst v54  }
0x85: {  	[tilespmem:$0x24E0] =	vst v54  }
0x86: {  	[tilespmem:$0x2560] =	vst v54  }
0x87: {  	[tilespmem:$0x25E0] =	vst v54  }
0x88: {  	v55 =	vld [tilespmem:$0x2070];
	[tilespmem:$0x2660] =	vst v54  }
0x89: {  	[tilespmem:$0x26E0] =	vst v54  }
0x8a: {  	[tilespmem:$0x2760] =	vst v54  }
0x8b: {  	[tilespmem:$0x27E0] =	vst v54  }
0x8c: {  	[tilespmem:$0x2860] =	vst v54  }
0x8d: {  	[tilespmem:$0x20F0] =	vst v55  }
0x8e: {  	[tilespmem:$0x2170] =	vst v55  }
0x8f: {  	[tilespmem:$0x21F0] =	vst v55  }
0x90: {  	[tilespmem:$0x2270] =	vst v55  }
0x91: {  	[tilespmem:$0x22F0] =	vst v55  }
0x92: {  	[tilespmem:$0x2370] =	vst v55  }
0x93: {  	[tilespmem:$0x23F0] =	vst v55  }
0x94: {  	[tilespmem:$0x2470] =	vst v55  }
0x95: {  	[tilespmem:$0x24F0] =	vst v55  }
0x96: {  	[tilespmem:$0x2570] =	vst v55  }
0x97: {  	[tilespmem:$0x25F0] =	vst v55  }
0x98: {  	[tilespmem:$0x2670] =	vst v55  }
0x99: {  	[tilespmem:$0x26F0] =	vst v55  }
0x9a: {  	[tilespmem:$0x2770] =	vst v55  }
0x9b: {  	[tilespmem:$0x27F0] =	vst v55  }
0x9c: {  	[tilespmem:$0x2870] =	vst v55  }
0x9d: {  	[spmem:s6] =	stream.linear.scatter [tilespmem:s26], [sflag:$0x1], $0x800, $0x38;
	[tilespmem:$0x2880] =	vst v63  }
0x9e: {  	_ =	swait.ge [sflag:s28], $0x200  }
0x9f: {  	[sflag:s28] =	ssyncset.done $0x0  }
0xa0: {  	[sflag:s28] =	ssyncadd.s32 $0xFFFFFE00  }
0xa1: {  	_ =	swait.ge [sflag:s28], $0x800  }
0xa2: {  	[sflag:s28] =	ssyncset.done $0x0  }
0xa3: {  	[sflag:s28] =	ssyncadd.s32 $0xFFFFF800  }
0xa4: {  	[tilespmem:s19], [sflag:$0x3] =	stream.linear.gather [hbm4b:s7+s2], $0x80, $0x38;
	[tilespmem:$0x2880] =	vst v63  }
0xa5: {  	_ =	swait.ge [sflag:s20], $0x80  }
0xa6: {  	[sflag:s20] =	ssyncset.done $0x0  }
0xa7: {  	[sflag:s20] =	ssyncadd.s32 $0xFFFFFF80  }
0xa8: {  	v56 =	vld [tilespmem:$0x2000];
	_ =	sdelay $0x4  }
0xa9: {  	[tilespmem:$0x2080] =	vst v56  }
0xaa: {  	[tilespmem:$0x2100] =	vst v56  }
0xab: {  	[tilespmem:$0x2180] =	vst v56  }
0xac: {  	[tilespmem:$0x2200] =	vst v56  }
0xad: {  	[tilespmem:$0x2280] =	vst v56  }
0xae: {  	[tilespmem:$0x2300] =	vst v56  }
0xaf: {  	[tilespmem:$0x2380] =	vst v56  }
0xb0: {  	[tilespmem:$0x2400] =	vst v56  }
0xb1: {  	[tilespmem:$0x2480] =	vst v56  }
0xb2: {  	[tilespmem:$0x2500] =	vst v56  }
0xb3: {  	[tilespmem:$0x2580] =	vst v56  }
0xb4: {  	v57 =	vld [tilespmem:$0x2010];
	[tilespmem:$0x2600] =	vst v56  }
0xb5: {  	[tilespmem:$0x2680] =	vst v56  }
0xb6: {  	[tilespmem:$0x2700] =	vst v56  }
0xb7: {  	[tilespmem:$0x2780] =	vst v56  }
0xb8: {  	[tilespmem:$0x2800] =	vst v56  }
0xb9: {  	[tilespmem:$0x2090] =	vst v57  }
0xba: {  	[tilespmem:$0x2110] =	vst v57  }
0xbb: {  	[tilespmem:$0x2190] =	vst v57  }
0xbc: {  	[tilespmem:$0x2210] =	vst v57  }
0xbd: {  	[tilespmem:$0x2290] =	vst v57  }
0xbe: {  	[tilespmem:$0x2310] =	vst v57  }
0xbf: {  	[tilespmem:$0x2390] =	vst v57  }
0xc0: {  	[tilespmem:$0x2410] =	vst v57  }
0xc1: {  	[tilespmem:$0x2490] =	vst v57  }
0xc2: {  	[tilespmem:$0x2510] =	vst v57  }
0xc3: {  	[tilespmem:$0x2590] =	vst v57  }
0xc4: {  	v58 =	vld [tilespmem:$0x2020];
	[tilespmem:$0x2610] =	vst v57  }
0xc5: {  	[tilespmem:$0x2690] =	vst v57  }
0xc6: {  	[tilespmem:$0x2710] =	vst v57  }
0xc7: {  	[tilespmem:$0x2790] =	vst v57  }
0xc8: {  	[tilespmem:$0x2810] =	vst v57  }
0xc9: {  	[tilespmem:$0x20A0] =	vst v58  }
0xca: {  	[tilespmem:$0x2120] =	vst v58  }
0xcb: {  	[tilespmem:$0x21A0] =	vst v58  }
0xcc: {  	[tilespmem:$0x2220] =	vst v58  }
0xcd: {  	[tilespmem:$0x22A0] =	vst v58  }
0xce: {  	[tilespmem:$0x2320] =	vst v58  }
0xcf: {  	[tilespmem:$0x23A0] =	vst v58  }
0xd0: {  	[tilespmem:$0x2420] =	vst v58  }
0xd1: {  	[tilespmem:$0x24A0] =	vst v58  }
0xd2: {  	[tilespmem:$0x2520] =	vst v58  }
0xd3: {  	[tilespmem:$0x25A0] =	vst v58  }
0xd4: {  	v59 =	vld [tilespmem:$0x2030];
	[tilespmem:$0x2620] =	vst v58  }
0xd5: {  	[tilespmem:$0x26A0] =	vst v58  }
0xd6: {  	[tilespmem:$0x2720] =	vst v58  }
0xd7: {  	[tilespmem:$0x27A0] =	vst v58  }
0xd8: {  	[tilespmem:$0x2820] =	vst v58  }
0xd9: {  	[tilespmem:$0x20B0] =	vst v59  }
0xda: {  	[tilespmem:$0x2130] =	vst v59  }
0xdb: {  	[tilespmem:$0x21B0] =	vst v59  }
0xdc: {  	[tilespmem:$0x2230] =	vst v59  }
0xdd: {  	[tilespmem:$0x22B0] =	vst v59  }
0xde: {  	[tilespmem:$0x2330] =	vst v59  }
0xdf: {  	[tilespmem:$0x23B0] =	vst v59  }
0xe0: {  	[tilespmem:$0x2430] =	vst v59  }
0xe1: {  	[tilespmem:$0x24B0] =	vst v59  }
0xe2: {  	[tilespmem:$0x2530] =	vst v59  }
0xe3: {  	[tilespmem:$0x25B0] =	vst v59  }
0xe4: {  	v60 =	vld [tilespmem:$0x2040];
	[tilespmem:$0x2630] =	vst v59  }
0xe5: {  	[tilespmem:$0x26B0] =	vst v59  }
0xe6: {  	[tilespmem:$0x2730] =	vst v59  }
0xe7: {  	[tilespmem:$0x27B0] =	vst v59  }
0xe8: {  	[tilespmem:$0x2830] =	vst v59  }
0xe9: {  	[tilespmem:$0x20C0] =	vst v60  }
0xea: {  	[tilespmem:$0x2140] =	vst v60  }
0xeb: {  	[tilespmem:$0x21C0] =	vst v60  }
0xec: {  	[tilespmem:$0x2240] =	vst v60  }
0xed: {  	[tilespmem:$0x22C0] =	vst v60  }
0xee: {  	[tilespmem:$0x2340] =	vst v60  }
0xef: {  	[tilespmem:$0x23C0] =	vst v60  }
0xf0: {  	[tilespmem:$0x2440] =	vst v60  }
0xf1: {  	[tilespmem:$0x24C0] =	vst v60  }
0xf2: {  	[tilespmem:$0x2540] =	vst v60  }
0xf3: {  	[tilespmem:$0x25C0] =	vst v60  }
0xf4: {  	v61 =	vld [tilespmem:$0x2050];
	[tilespmem:$0x2640] =	vst v60  }
0xf5: {  	[tilespmem:$0x26C0] =	vst v60  }
0xf6: {  	[tilespmem:$0x2740] =	vst v60  }
0xf7: {  	[tilespmem:$0x27C0] =	vst v60  }
0xf8: {  	[tilespmem:$0x2840] =	vst v60  }
0xf9: {  	[tilespmem:$0x20D0] =	vst v61  }
0xfa: {  	[tilespmem:$0x2150] =	vst v61  }
0xfb: {  	[tilespmem:$0x21D0] =	vst v61  }
0xfc: {  	[tilespmem:$0x2250] =	vst v61  }
0xfd: {  	[tilespmem:$0x22D0] =	vst v61  }
0xfe: {  	[tilespmem:$0x2350] =	vst v61  }
0xff: {  	[tilespmem:$0x23D0] =	vst v61  }
0x100: {  	[tilespmem:$0x2450] =	vst v61  }
0x101: {  	[tilespmem:$0x24D0] =	vst v61  }
0x102: {  	[tilespmem:$0x2550] =	vst v61  }
0x103: {  	[tilespmem:$0x25D0] =	vst v61  }
0x104: {  	v62 =	vld [tilespmem:$0x2060];
	[tilespmem:$0x2650] =	vst v61  }
0x105: {  	[tilespmem:$0x26D0] =	vst v61  }
0x106: {  	[tilespmem:$0x2750] =	vst v61  }
0x107: {  	[tilespmem:$0x27D0] =	vst v61  }
0x108: {  	[tilespmem:$0x2850] =	vst v61  }
0x109: {  	[tilespmem:$0x20E0] =	vst v62  }
0x10a: {  	[tilespmem:$0x2160] =	vst v62  }
0x10b: {  	[tilespmem:$0x21E0] =	vst v62  }
0x10c: {  	[tilespmem:$0x2260] =	vst v62  }
0x10d: {  	[tilespmem:$0x22E0] =	vst v62  }
0x10e: {  	[tilespmem:$0x2360] =	vst v62  }
0x10f: {  	[tilespmem:$0x23E0] =	vst v62  }
0x110: {  	[tilespmem:$0x2460] =	vst v62  }
0x111: {  	[tilespmem:$0x24E0] =	vst v62  }
0x112: {  	[tilespmem:$0x2560] =	vst v62  }
0x113: {  	[tilespmem:$0x25E0] =	vst v62  }
0x114: {  	v63 =	vld [tilespmem:$0x2070];
	[tilespmem:$0x2660] =	vst v62  }
0x115: {  	[tilespmem:$0x26E0] =	vst v62  }
0x116: {  	[tilespmem:$0x2760] =	vst v62  }
0x117: {  	[tilespmem:$0x27E0] =	vst v62  }
0x118: {  	[tilespmem:$0x2860] =	vst v62  }
0x119: {  	[tilespmem:$0x20F0] =	vst v63  }
0x11a: {  	[tilespmem:$0x2170] =	vst v63  }
0x11b: {  	[tilespmem:$0x21F0] =	vst v63  }
0x11c: {  	[tilespmem:$0x2270] =	vst v63  }
0x11d: {  	[tilespmem:$0x22F0] =	vst v63  }
0x11e: {  	[tilespmem:$0x2370] =	vst v63  }
0x11f: {  	[tilespmem:$0x23F0] =	vst v63  }
0x120: {  	[tilespmem:$0x2470] =	vst v63  }
0x121: {  	[tilespmem:$0x24F0] =	vst v63  }
0x122: {  	[tilespmem:$0x2570] =	vst v63  }
0x123: {  	[tilespmem:$0x25F0] =	vst v63  }
0x124: {  	[tilespmem:$0x2670] =	vst v63  }
0x125: {  	[tilespmem:$0x26F0] =	vst v63  }
0x126: {  	[tilespmem:$0x2770] =	vst v63  }
0x127: {  	[tilespmem:$0x27F0] =	vst v63  }
0x128: {  	s30 =	simm.s32 @!p0 $0x1FC3;
	[tilespmem:$0x2870] =	vst v63  }
0x129: {  	[spmem:s8] =	stream.linear.scatter [tilespmem:s26], [sflag:$0x1], $0x800, $0x38;
	[tilespmem:$0x2880] =	vst v63  }
0x12a: {  	[spmem:s21], [sflag:s30] =	dma.local @!p0 [hbm:s7], $0x10  }
0x12b: {  	s30 =	simm.s32 @!p0 $0x3  }
0x12c: {  	_ =	swait.ge @!p0 [sflag:s30], $0x10  }
0x12d: {  	[sflag:s30] =	ssyncset.done @!p0 $0x0  }
0x12e: {  	[sflag:s30] =	ssyncadd.s32 @!p0 $0xFFFFFFF0  }
0x12f: {  	_ =	swait.ge [sflag:s28], $0x800  }
0x130: {  	[sflag:s28] =	ssyncset.done $0x0  }
0x131: {  	[sflag:s28] =	ssyncadd.s32 $0xFFFFF800  }
0x132: {  	s31 =	sor.u32 $0x1C02, s4;
	[bflag:$0x0] =	sbarrier.arrive $0xFFFF  }
0x133: {  	[hbm:s9], [sflag:s31] =	dma.local [spmem:s22], $0x2000  }
0x134: {  	[hbm:s10], [sflag:s31] =	dma.local [spmem:s22], $0x2000  }
0x135: {  	[hbm:s11], [sflag:s31] =	dma.local [spmem:s23], $0x2000  }
0x136: {  	[hbm:s12], [sflag:s31] =	dma.local [spmem:s23], $0x2000  }
0x137: {  	[hbm:s13], [sflag:s31] =	dma.local [spmem:s24], $0x2000  }
0x138: {  	[hbm:s14], [sflag:s31] =	dma.local [spmem:s24], $0x2000  }
0x139: {  	[hbm:s15], [sflag:s31] =	dma.local [spmem:s25], $0x2000  }
0x13a: {  	[hbm:s16], [sflag:s31] =	dma.local [spmem:s25], $0x2000  }
0x13b: {  	_ =	swait.ge [sflag:s29], $0x2000  }
0x13c: {  	[sflag:s29] =	ssyncset.done $0x0  }
0x13d: {  	[sflag:s29] =	ssyncadd.s32 $0xFFFFE000  }
0x13e: {  	_ =	swait.ge [sflag:s29], $0x2000  }
0x13f: {  	[sflag:s29] =	ssyncset.done $0x0  }
0x140: {  	[sflag:s29] =	ssyncadd.s32 $0xFFFFE000  }
0x141: {  	_ =	swait.ge [sflag:s29], $0x2000  }
0x142: {  	[sflag:s29] =	ssyncset.done $0x0  }
0x143: {  	[sflag:s29] =	ssyncadd.s32 $0xFFFFE000  }
0x144: {  	_ =	swait.ge [sflag:s29], $0x2000  }
0x145: {  	[sflag:s29] =	ssyncset.done $0x0  }
0x146: {  	[sflag:s29] =	ssyncadd.s32 $0xFFFFE000  }
0x147: {  	_ =	swait.ge [sflag:s29], $0x2000  }
0x148: {  	[sflag:s29] =	ssyncset.done $0x0  }
0x149: {  	[sflag:s29] =	ssyncadd.s32 $0xFFFFE000  }
0x14a: {  	_ =	swait.ge [sflag:s29], $0x2000  }
0x14b: {  	[sflag:s29] =	ssyncset.done $0x0  }
0x14c: {  	s17 =	sadd.s32 $0xFFFFFFFF, s17;
	[sflag:s29] =	ssyncadd.s32 $0xFFFFE000  }
0x14d: {  	p1 =	sne.s32 s17, $0x0;
	_ =	swait.ge [sflag:s29], $0x2000  }
.Ltmp0:
0x14e: {  	[sflag:s29] =	ssyncset.done $0x0;
	(pc) =	sbr.rel @p1 .LBB2_1-.Ltmp0, $4  }
0x14f: {  	[sflag:s29] =	ssyncadd.s32 $0xFFFFE000  }
0x150: {  	_ =	swait.ge [sflag:s29], $0x2000  }
0x151: {  	[sflag:s29] =	ssyncset.done $0x0  }
0x152: {  	[sflag:s29] =	ssyncadd.s32 $0xFFFFE000  }
0x153: {  	_ =	sfence.sel $0x180000  }
0x154: {  	[bflag:$0x0] =	sbarrier.arrive $0xFFFF  }
0x155: {  	p0 =	sne.s32 s3, $0x0;
	_ =	strace $0x90000047  }
0x156: {  	s0 =	sadd.s32 @!p0 $0x100000, s0;
	[bflag:$0x2] =	sbarrier.arrive $0xFFFF  }
0x157: {  	[sflag:s0] =	ssyncadd.tile.s32 @!p0 $0x1;
	_ =	shalt  }
.Lfunc_end2:
_tile_overlayer_lowered:
.L_overlay_start_2:
0x158: {  	(tag) =	ssettag $0x2  }
0x159: {  	s0 =	rddreg [dreg:$0x0];
	s2 =	stileid.u32  }
0x15a: {  	s1 =	rddreg [dreg:$0x1];
	p0 =	sne.s32 s2, $0x0  }
0x15b: {  	s3 =	rddreg [dreg:$0x2];
	[bflag:$0x3] =	sbarrier.arrive $0xFFFF;
	s2 =	simm.s32 @!p0 $0x1C03  }
0x15c: {  	[timem:s3], [sflag:s2] =	dma.local @!p0 [hbm:s0], s1  }
0x15d: {  	s0 =	simm.s32 @!p0 $0x3  }
0x15e: {  	_ =	swait.ge @!p0 [sflag:s0], s1  }
0x15f: {  	s1 =	ssub.s32 @!p0 $0x0, s1;
	[sflag:s0] =	ssyncset.done @!p0 $0x0  }
0x160: {  	[sflag:s0] =	ssyncadd.s32 @!p0 s1  }
0x161: {  	[bflag:$0x3] =	sbarrier.arrive $0xFFFF  }
0x162: {  	_ =	shalt  }

</sc_bundles>
